<compile_context>
chip_gen: v7x
topology: tpu7x:2x2x1
jax: 0.10.2.dev20260603
libtpu: 0.0.44.dev20260713+nightly
codegen_flags: <defaults>
</compile_context>

<pallas_src>
import dataclasses

import jax
import jax.numpy as jnp
from jax import lax
from jax.experimental import pallas as pl
from jax.experimental.pallas import tpu as pltpu
from jax.experimental.pallas import tpu_sc as plsc

_N = 8732
_NP = 8736
_M = 50
_MP = 64
_IOU_THRESH = 0.5
_STDS = (0.1, 0.1, 0.2, 0.2)
_BIG = 2**30


def _iou_parts(at, gt):
    cx, cy, w, h = at[0:1, :], at[1:2, :], at[2:3, :], at[3:4, :]
    ax1 = cx - w * 0.5
    ay1 = cy - h * 0.5
    ax2 = cx + w * 0.5
    ay2 = cy + h * 0.5
    gx1, gy1, gx2, gy2 = gt[:, 0:1], gt[:, 1:2], gt[:, 2:3], gt[:, 3:4]
    iw = jnp.maximum(jnp.minimum(ax2, gx2) - jnp.maximum(ax1, gx1), 0.0)
    ih = jnp.maximum(jnp.minimum(ay2, gy2) - jnp.maximum(ay1, gy1), 0.0)
    inter = iw * ih
    area_a = (ax2 - ax1) * (ay2 - ay1)
    area_g = (gx2 - gx1) * (gy2 - gy1)
    iou = inter / (area_a + area_g - inter + 1e-12)
    return iou, (ax1, ay1, ax2, ay2)


def _tc_a_body(at_ref, gt_ref, iou_ref, ba_ref, mm_ref):
    iou, _ = _iou_parts(at_ref[...], gt_ref[...])
    iou_ref[:, :_N] = iou
    iou_ref[:, _N:] = jnp.full((_M, _NP - _N), -1.0, jnp.float32)
    a_iota = lax.broadcasted_iota(jnp.int32, (_M, _N), 1)
    g_iota = lax.broadcasted_iota(jnp.int32, (_M, _N), 0)
    bmax = jnp.max(iou, axis=1, keepdims=True)
    amin = jnp.min(
        jnp.where(iou == bmax, a_iota, jnp.int32(_BIG)), axis=1, keepdims=True
    )
    neg2 = jnp.full((1, _MP - _M), -1073741824, jnp.int32)
    ba_ref[...] = jnp.concatenate(
        [
            lax.bitcast_convert_type(jnp.transpose(bmax), jnp.int32),
            neg2,
            jnp.transpose(amin),
            jnp.zeros((1, _MP - _M), jnp.int32),
        ],
        axis=1,
    )
    mm_max = jnp.max(iou, axis=0, keepdims=True)
    mm_arg = jnp.min(
        jnp.where(iou == mm_max, g_iota, jnp.int32(_BIG)), axis=0, keepdims=True
    )
    mm_ref[...] = jnp.where(mm_max >= _IOU_THRESH, mm_arg.astype(jnp.float32), -1.0)


def _sc_b_body(iou_hbm, ba_hbm, out_hbm,
               ba_v, b_v, a_v, mr_v, pen_v, row_v, acc_v, acci_v, sem):
    is0 = (lax.axis_index("c") == 0) & (lax.axis_index("s") == 0)

    @pl.when(is0)
    def _():
        pltpu.sync_copy(ba_hbm, ba_v)
        lanes = lax.broadcasted_iota(jnp.int32, (16,), 0)

        for k in range(_MP // 16):
            b_v[pl.ds(k * 16, 16)] = lax.bitcast_convert_type(
                ba_v[pl.ds(k * 16, 16)], jnp.float32
            )
            a_v[pl.ds(k * 16, 16)] = ba_v[pl.ds(_MP + k * 16, 16)]
            mr_v[pl.ds(k * 16, 16)] = jnp.full((16,), -1, jnp.int32)

        zeros16 = jnp.zeros((16,), jnp.float32)

        @pl.loop(0, _NP // (16 * 14))
        def _(i):
            for u in range(14):
                pen_v[pl.ds((i * 14 + u) * 16, 16)] = zeros16

        def scan_row_best():
            acc_v[...] = row_v[pl.ds(0, 16)] + pen_v[pl.ds(0, 16)]
            acci_v[...] = lanes

            @pl.loop(0, (_NP // 16 - 1) // 5)
            def _(i):
                for u in range(5):
                    j = 1 + i * 5 + u
                    v = row_v[pl.ds(j * 16, 16)] + pen_v[pl.ds(j * 16, 16)]
                    cur = acc_v[...]
                    take = v > cur
                    acc_v[...] = jnp.where(take, v, cur)
                    acci_v[...] = jnp.where(take, lanes + j * 16, acci_v[...])

            mx = jnp.max(acc_v[...])
            arg = jnp.min(jnp.where(acc_v[...] == mx, acci_v[...], jnp.int32(_BIG)))
            return mx, arg

        def update_gt(g, newb, newa, alive_only):
            off = (g // 16) * 16
            lsel = lanes == (g % 16)
            if alive_only:
                lsel = lsel & (b_v[pl.ds(off, 16)] > -1.5)
            b_v[pl.ds(off, 16)] = jnp.where(lsel, newb, b_v[pl.ds(off, 16)])
            a_v[pl.ds(off, 16)] = jnp.where(lsel, newa, a_v[pl.ds(off, 16)])

        def rescan(c):
            pltpu.async_copy(iou_hbm.at[c], row_v, sem).wait()
            mx2, arg2 = scan_row_best()
            update_gt(c, mx2, arg2, False)

        def select():
            val = b_v[pl.ds(0, 16)]
            pk = a_v[pl.ds(0, 16)] * _MP + lanes
            for k in range(1, _MP // 16):
                v = b_v[pl.ds(k * 16, 16)]
                p = a_v[pl.ds(k * 16, 16)] * _MP + (lanes + k * 16)
                take = (v > val) | ((v == val) & (p < pk))
                val = jnp.where(take, v, val)
                pk = jnp.where(take, p, pk)
            mx = jnp.max(val)
            pkm = jnp.min(jnp.where(val == mx, pk, jnp.int32(_BIG)))
            r = pkm // _MP
            c = pkm % _MP
            po = (r // 16) * 16
            pr = jnp.max(jnp.where(lanes == (r % 16), pen_v[pl.ds(po, 16)], -1e30))
            return r, c, mx > 1e-12, pr < -2.5

        def commit(r, c):
            goff = (c // 16) * 16
            gsel = lanes == (c % 16)
            mr_v[pl.ds(goff, 16)] = jnp.where(gsel, r, mr_v[pl.ds(goff, 16)])
            b_v[pl.ds(goff, 16)] = jnp.where(
                gsel, jnp.float32(-2.0), b_v[pl.ds(goff, 16)]
            )
            po = (r // 16) * 16
            psel = lanes == (r % 16)
            pen_v[pl.ds(po, 16)] = jnp.where(
                psel, jnp.float32(-3.0), pen_v[pl.ds(po, 16)]
            )

        @pl.loop(0, _M)
        def _(_round):
            r1, c1, valid1, stale1 = select()

            @pl.when(valid1 & jnp.logical_not(stale1))
            def _():
                commit(r1, c1)

            @pl.when(valid1 & stale1)
            def _():
                rescan(c1)
                r2, c2, valid2, stale2 = select()

                @pl.when(valid2 & jnp.logical_not(stale2))
                def _():
                    commit(r2, c2)

                @pl.when(valid2 & stale2)
                def _():
                    rescan(c2)
                    r3, c3, valid3, stale3 = select()

                    @pl.when(valid3 & jnp.logical_not(stale3))
                    def _():
                        commit(r3, c3)

                    @pl.when(valid3 & stale3)
                    def _():
                        @pl.loop(0, _M)
                        def _(g):
                            pltpu.async_copy(iou_hbm.at[g], row_v, sem).wait()
                            mxg, argg = scan_row_best()
                            update_gt(g, mxg, argg, True)

                        r4, c4, valid4, _stale4 = select()

                        @pl.when(valid4)
                        def _():
                            commit(r4, c4)

        pltpu.sync_copy(mr_v, out_hbm.at[0])


def _tc_c_body(at_ref, gt_ref, gid_ref, mr_ref, mm_ref,
               cls_ref, box_ref, msk_ref):
    at = at_ref[...]
    gt = gt_ref[...]
    _, (ax1, ay1, ax2, ay2) = _iou_parts(at, gt)
    gx1, gy1, gx2, gy2 = gt[:, 0:1], gt[:, 1:2], gt[:, 2:3], gt[:, 3:4]

    arow = lax.broadcasted_iota(jnp.int32, (1, _N), 1)
    g_iota64 = lax.broadcasted_iota(jnp.int32, (_MP, _N), 0)
    mr = jnp.transpose(mr_ref[...])
    bip = jnp.max(
        jnp.where(mr == arow, g_iota64, jnp.int32(-1)), axis=0, keepdims=True
    )

    mm = mm_ref[...]
    matches = jnp.where(bip >= 0, bip.astype(jnp.float32), mm)
    pos = matches >= 0.0
    safe = jnp.clip(matches, 0.0, float(_M - 1)).astype(jnp.int32)

    g_iota = lax.broadcasted_iota(jnp.int32, (_M, _N), 0)
    onehot = g_iota == safe

    def gsel(col):
        return jnp.max(jnp.where(onehot, col, -1e30), axis=0, keepdims=True)

    gid = gid_ref[...]
    rid = gsel(gid)
    rx1 = gsel(gx1)
    ry1 = gsel(gy1)
    rx2 = gsel(gx2)
    ry2 = gsel(gy2)

    cls_ref[...] = jnp.where(pos, rid + 1.0, 0.0)

    gw = rx2 - rx1
    gh = ry2 - ry1
    gx = rx1 + gw * 0.5
    gy = ry1 + gh * 0.5
    aw = ax2 - ax1
    ah = ay2 - ay1
    axc = ax1 + aw * 0.5
    ayc = ay1 + ah * 0.5
    t0 = ((gx - axc) / (aw + 1e-12)) / _STDS[0]
    t1 = ((gy - ayc) / (ah + 1e-12)) / _STDS[1]
    t2 = jnp.log(jnp.maximum(gw / (aw + 1e-12), 1e-12)) / _STDS[2]
    t3 = jnp.log(jnp.maximum(gh / (ah + 1e-12), 1e-12)) / _STDS[3]
    codes = jnp.concatenate([t0, t1, t2, t3], axis=0)

    posf = pos.astype(jnp.float32)
    box_ref[...] = jnp.transpose(codes * posf)
    msk_ref[...] = jnp.transpose(jnp.broadcast_to(posf, (4, _N)))


def _run_sc_match(iou_p, ba):
    mesh = plsc.VectorSubcoreMesh(
        core_axis_name="c", subcore_axis_name="s", num_cores=2, num_subcores=16
    )
    cp = pltpu.CompilerParams()
    if "needs_layout_passes" in pltpu.CompilerParams.__dataclass_fields__:
        cp = dataclasses.replace(cp, needs_layout_passes=False)
    return pl.kernel(
        _sc_b_body,
        out_type=jax.ShapeDtypeStruct((1, _MP), jnp.int32),
        mesh=mesh,
        scratch_types=[
            pltpu.VMEM((2 * _MP,), jnp.int32),
            pltpu.VMEM((_MP,), jnp.float32),
            pltpu.VMEM((_MP,), jnp.int32),
            pltpu.VMEM((_MP,), jnp.int32),
            pltpu.VMEM((_NP,), jnp.float32),
            pltpu.VMEM((_NP,), jnp.float32),
            pltpu.VMEM((16,), jnp.float32),
            pltpu.VMEM((16,), jnp.int32),
            pltpu.SemaphoreType.DMA,
        ],
        compiler_params=cp,
    )(iou_p, ba)


@jax.jit
def kernel(anchors, gt_boxes, gt_ids):
    anchors_t = anchors.T
    iou_p, ba, mm = pl.pallas_call(
        _tc_a_body,
        out_shape=(
            jax.ShapeDtypeStruct((_M, _NP), jnp.float32),
            jax.ShapeDtypeStruct((1, 2 * _MP), jnp.int32),
            jax.ShapeDtypeStruct((1, _N), jnp.float32),
        ),
    )(anchors_t, gt_boxes)

    mr = _run_sc_match(iou_p, ba.reshape(2 * _MP))

    cls, box, msk = pl.pallas_call(
        _tc_c_body,
        out_shape=(
            jax.ShapeDtypeStruct((1, _N), jnp.float32),
            jax.ShapeDtypeStruct((_N, 4), jnp.float32),
            jax.ShapeDtypeStruct((_N, 4), jnp.float32),
        ),
    )(anchors_t, gt_boxes, gt_ids, mr, mm)

    return cls, box[None, :, :], msk[None, :, :]

# --- scband reference (transcript-rebuilt; emitter-appended) ---
"""Pipeline reference for scband-ssdtarget-generator-36567351558161 (READ-ONLY COPY).

The authoritative reference and input builder live on the scoring server;
editing this copy changes nothing except your own understanding.
"""

import jax, jax.numpy as jnp
import numpy as np

N_ANCHORS = 8732
N_GT = 50
IOU_THRESH = 0.5
STDS = (0.1, 0.1, 0.2, 0.2)


def setup_inputs(seed: int = 0) -> dict:
    key = jax.random.key(seed)
    k1, k2, k3, k4, k5 = jax.random.split(key, 5)
    # anchors in center format (cx, cy, w, h), normalized coords
    cxcy = jax.random.uniform(k1, (N_ANCHORS, 2), minval=0.0, maxval=1.0)
    wh = jax.random.uniform(k2, (N_ANCHORS, 2), minval=0.02, maxval=0.4)
    anchors = jnp.concatenate([cxcy, wh], axis=-1).astype(jnp.float32)
    # gt boxes in corner format (x1, y1, x2, y2)
    xy1 = jax.random.uniform(k3, (N_GT, 2), minval=0.0, maxval=0.7)
    gwh = jax.random.uniform(k4, (N_GT, 2), minval=0.05, maxval=0.3)
    gt_boxes = jnp.concatenate([xy1, xy1 + gwh], axis=-1).astype(jnp.float32)
    gt_ids = jax.random.randint(k5, (N_GT, 1), 0, 80).astype(jnp.float32)
    return {"anchors": anchors, "gt_boxes": gt_boxes, "gt_ids": gt_ids}


def _center_to_corner(a):
    cx, cy, w, h = a[:, 0], a[:, 1], a[:, 2], a[:, 3]
    return jnp.stack([cx - w * 0.5, cy - h * 0.5, cx + w * 0.5, cy + h * 0.5], axis=-1)


def _bbox_iou(a, b, eps=1e-12):
    tl = jnp.maximum(a[:, None, :2], b[None, :, :2])
    br = jnp.minimum(a[:, None, 2:], b[None, :, 2:])
    wh = jnp.maximum(br - tl, 0.0)
    inter = wh[..., 0] * wh[..., 1]
    area_a = (a[:, 2] - a[:, 0]) * (a[:, 3] - a[:, 1])
    area_b = (b[:, 2] - b[:, 0]) * (b[:, 3] - b[:, 1])
    return inter / (area_a[:, None] + area_b[None, :] - inter + eps)


def _bipartite_match(ious, threshold=1e-12):
    # greedy global-argmax bipartite matching (mx.contrib.bipartite_matching, share_max=False)
    N, M = ious.shape
    iou = ious
    match = jnp.full((N,), -1, dtype=jnp.int32)
    rows = jnp.arange(N)
    cols = jnp.arange(M)
    for _ in range(M):
        flat = jnp.argmax(iou)
        r = flat // M
        c = (flat % M).astype(jnp.int32)
        valid = iou[r, flat % M] > threshold
        match = jnp.where(valid & (rows == r), c, match)
        kill = (rows[:, None] == r) | (cols[None, :] == (flat % M))
        iou = jnp.where(valid & kill, -1.0, iou)
    return match


def _match_and_encode(anchors, gt_boxes, gt_ids):
    a_corner = _center_to_corner(anchors.reshape(-1, 4))  # BBoxCenterToCorner
    ious = _bbox_iou(a_corner, gt_boxes)  # [N, M]
    ious_sg = jax.lax.stop_gradient(ious)  # matching indices are non-differentiable
    # CompositeMatcher([Bipartite(share_max=False), Maximum(iou_thresh)])
    bip = _bipartite_match(ious_sg)
    mm_arg = jnp.argmax(ious_sg, axis=-1).astype(jnp.int32)
    mm_max = jnp.max(ious_sg, axis=-1)
    mm = jnp.where(mm_max >= IOU_THRESH, mm_arg, jnp.full_like(mm_arg, -1))
    matches = jnp.where(bip >= 0, bip, mm)  # [N]
    # NaiveSampler: +1 positive, -1 negative
    samples = jnp.where(matches >= 0, 1.0, -1.0)
    safe = jnp.clip(matches, 0, gt_boxes.shape[0] - 1)
    # MultiClassEncoder: fg class = gt_id + 1, bg = 0
    ids = gt_ids.reshape(-1)[safe] + 1.0
    cls_targets = jnp.where(samples > 0.5, ids, 0.0)[None, :]
    # NormalizedBoxCenterEncoder
    ref = gt_boxes[safe]  # [N, 4] matched gt in corner format
    gw = ref[:, 2] - ref[:, 0]
    gh = ref[:, 3] - ref[:, 1]
    gx = ref[:, 0] + gw * 0.5
    gy = ref[:, 1] + gh * 0.5
    aw = a_corner[:, 2] - a_corner[:, 0]
    ah = a_corner[:, 3] - a_corner[:, 1]
    ax = a_corner[:, 0] + aw * 0.5
    ay = a_corner[:, 1] + ah * 0.5
    t0 = ((gx - ax) / (aw + 1e-12)) / STDS[0]
    t1 = ((gy - ay) / (ah + 1e-12)) / STDS[1]
    t2 = jnp.log(jnp.maximum(gw / (aw + 1e-12), 1e-12)) / STDS[2]
    t3 = jnp.log(jnp.maximum(gh / (ah + 1e-12), 1e-12)) / STDS[3]
    codes = jnp.stack([t0, t1, t2, t3], axis=-1)[None, :, :]  # [1, N, 4]
    pos = (samples > 0.5)[None, :, None]
    mask4 = jnp.broadcast_to(pos, codes.shape)
    box_targets = jnp.where(mask4, codes, 0.0)
    box_masks = mask4.astype(jnp.float32)
    return cls_targets, box_targets, box_masks


def reference(anchors, gt_boxes, gt_ids):
    return _match_and_encode(anchors, gt_boxes, gt_ids)

if __name__ == "__main__":
    import jax
    _d = setup_inputs()
    print(jax.jit(kernel)(*tuple(_d.values())))

</pallas_src>

<mosaic_0001>
#map = affine_map<(d0, d1) -> (0, 0)>
#map1 = affine_map<(d0, d1) -> (0)>
module attributes {stable_mosaic.version = 14 : i64} {
  func.func @_sc_b_body(%arg0: i32, %arg1: i32, %arg2: memref<50x8736xf32, #tpu.memory_space<hbm>>, %arg3: memref<128xi32, #tpu.memory_space<hbm>>, %arg4: memref<1x64xi32, #tpu.memory_space<hbm>>, %arg5: memref<128xi32, #tpu.memory_space<vmem>>, %arg6: memref<64xf32, #tpu.memory_space<vmem>>, %arg7: memref<64xi32, #tpu.memory_space<vmem>>, %arg8: memref<64xi32, #tpu.memory_space<vmem>>, %arg9: memref<8736xf32, #tpu.memory_space<vmem>>, %arg10: memref<8736xf32, #tpu.memory_space<vmem>>, %arg11: memref<16xf32, #tpu.memory_space<vmem>>, %arg12: memref<16xi32, #tpu.memory_space<vmem>>, %arg13: memref<!tpu.dma_semaphore, #tpu.memory_space<semaphore_mem>>) attributes {dimension_semantics = [#tpu.dimension_semantics<core_parallel>, #tpu.dimension_semantics<subcore_parallel>], iteration_bounds = array<i64: 2, 16>, scalar_prefetch = 0 : i64, scratch_operands = 9 : i64, tpu.core_type = #tpu.core_type<sc_vector_subcore>, window_params = [{transform_indices = #map}, {transform_indices = #map1}, {transform_indices = #map}]} {
    %eq3A = arith.constant 0 : i32
    %eq3A_0 = arith.cmpi eq, %arg0, %eq3A : i32
    %eq3A_1 = arith.constant 0 : i32
    %eq3A_2 = arith.cmpi eq, %arg1, %eq3A_1 : i32
    %and3A = arith.andi %eq3A_0, %eq3A_2 : i1
    %convert_element_type3A = arith.extui %and3A : i1 to i32
    %cond3A = arith.constant 0 : i32
    %cond3A_3 = arith.cmpi ne, %convert_element_type3A, %cond3A : i32
    scf.if %cond3A_3 {
      "tpu.region"() ({
        %run_scoped3A_63 = tpu.sem_alloc : memref<!tpu.dma_semaphore, #tpu.memory_space<semaphore_mem>>
        tpu.enqueue_dma source(%arg3 : memref<128xi32, #tpu.memory_space<hbm>>) target(%arg5 : memref<128xi32, #tpu.memory_space<vmem>>) target_semaphore(%run_scoped3A_63 : memref<!tpu.dma_semaphore, #tpu.memory_space<semaphore_mem>>)
        tpu.wait_dma2 semaphore(%run_scoped3A_63 : memref<!tpu.dma_semaphore, #tpu.memory_space<semaphore_mem>>) src(%arg3 : memref<128xi32, #tpu.memory_space<hbm>>) dst(%arg5 : memref<128xi32, #tpu.memory_space<vmem>>)
        tpu.yield
      }) : () -> ()
      %iota3A = tpu.iota {dimensions = array<i32: 0>} : vector<16xi32>
      %get3A = arith.constant 0 : index
      %get3A_4 = tpu.vector_load %arg5[%get3A] {strides = array<i32>} : memref<128xi32, #tpu.memory_space<vmem>>, vector<16xi32>,
      %bitcast_convert_type3A = tpu.bitcast %get3A_4 : vector<16xi32> -> vector<16xf32>
      %swap3A = arith.constant 0 : index
      %swap3A_5 = tpu.vector_load %arg6[%swap3A] {strides = array<i32>} : memref<64xf32, #tpu.memory_space<vmem>>, vector<16xf32>,
      tpu.vector_store %arg6[%swap3A], %bitcast_convert_type3A {strides = array<i32>} : memref<64xf32, #tpu.memory_space<vmem>>, vector<16xf32>,
      %get3A_6 = arith.constant 64 : index
      %get3A_7 = tpu.vector_load %arg5[%get3A_6] {strides = array<i32>} : memref<128xi32, #tpu.memory_space<vmem>>, vector<16xi32>,
      %swap3A_8 = arith.constant 0 : index
      %swap3A_9 = tpu.vector_load %arg7[%swap3A_8] {strides = array<i32>} : memref<64xi32, #tpu.memory_space<vmem>>, vector<16xi32>,
      tpu.vector_store %arg7[%swap3A_8], %get3A_7 {strides = array<i32>} : memref<64xi32, #tpu.memory_space<vmem>>, vector<16xi32>,
      %broadcast_in_dim3A = arith.constant -1 : i32
      %broadcast_in_dim3A_10 = vector.broadcast %broadcast_in_dim3A : i32 to vector<16xi32>
      %swap3A_11 = arith.constant 0 : index
      %swap3A_12 = tpu.vector_load %arg8[%swap3A_11] {strides = array<i32>} : memref<64xi32, #tpu.memory_space<vmem>>, vector<16xi32>,
      tpu.vector_store %arg8[%swap3A_11], %broadcast_in_dim3A_10 {strides = array<i32>} : memref<64xi32, #tpu.memory_space<vmem>>, vector<16xi32>,
      %get3A_13 = arith.constant 16 : index
      %get3A_14 = tpu.vector_load %arg5[%get3A_13] {strides = array<i32>} : memref<128xi32, #tpu.memory_space<vmem>>, vector<16xi32>,
      %bitcast_convert_type3A_15 = tpu.bitcast %get3A_14 : vector<16xi32> -> vector<16xf32>
      %swap3A_16 = arith.constant 16 : index
      %swap3A_17 = tpu.vector_load %arg6[%swap3A_16] {strides = array<i32>} : memref<64xf32, #tpu.memory_space<vmem>>, vector<16xf32>,
      tpu.vector_store %arg6[%swap3A_16], %bitcast_convert_type3A_15 {strides = array<i32>} : memref<64xf32, #tpu.memory_space<vmem>>, vector<16xf32>,
      %get3A_18 = arith.constant 80 : index
      %get3A_19 = tpu.vector_load %arg5[%get3A_18] {strides = array<i32>} : memref<128xi32, #tpu.memory_space<vmem>>, vector<16xi32>,
      %swap3A_20 = arith.constant 16 : index
      %swap3A_21 = tpu.vector_load %arg7[%swap3A_20] {strides = array<i32>} : memref<64xi32, #tpu.memory_space<vmem>>, vector<16xi32>,
      tpu.vector_store %arg7[%swap3A_20], %get3A_19 {strides = array<i32>} : memref<64xi32, #tpu.memory_space<vmem>>, vector<16xi32>,
      %broadcast_in_dim3A_22 = arith.constant -1 : i32
      %broadcast_in_dim3A_23 = vector.broadcast %broadcast_in_dim3A_22 : i32 to vector<16xi32>
      %swap3A_24 = arith.constant 16 : index
      %swap3A_25 = tpu.vector_load %arg8[%swap3A_24] {strides = array<i32>} : memref<64xi32, #tpu.memory_space<vmem>>, vector<16xi32>,
      tpu.vector_store %arg8[%swap3A_24], %broadcast_in_dim3A_23 {strides = array<i32>} : memref<64xi32, #tpu.memory_space<vmem>>, vector<16xi32>,
      %get3A_26 = arith.constant 32 : index
      %get3A_27 = tpu.vector_load %arg5[%get3A_26] {strides = array<i32>} : memref<128xi32, #tpu.memory_space<vmem>>, vector<16xi32>,
      %bitcast_convert_type3A_28 = tpu.bitcast %get3A_27 : vector<16xi32> -> vector<16xf32>
      %swap3A_29 = arith.constant 32 : index
      %swap3A_30 = tpu.vector_load %arg6[%swap3A_29] {strides = array<i32>} : memref<64xf32, #tpu.memory_space<vmem>>, vector<16xf32>,
      tpu.vector_store %arg6[%swap3A_29], %bitcast_convert_type3A_28 {strides = array<i32>} : memref<64xf32, #tpu.memory_space<vmem>>, vector<16xf32>,
      %get3A_31 = arith.constant 96 : index
      %get3A_32 = tpu.vector_load %arg5[%get3A_31] {strides = array<i32>} : memref<128xi32, #tpu.memory_space<vmem>>, vector<16xi32>,
      %swap3A_33 = arith.constant 32 : index
      %swap3A_34 = tpu.vector_load %arg7[%swap3A_33] {strides = array<i32>} : memref<64xi32, #tpu.memory_space<vmem>>, vector<16xi32>,
      tpu.vector_store %arg7[%swap3A_33], %get3A_32 {strides = array<i32>} : memref<64xi32, #tpu.memory_space<vmem>>, vector<16xi32>,
      %broadcast_in_dim3A_35 = arith.constant -1 : i32
      %broadcast_in_dim3A_36 = vector.broadcast %broadcast_in_dim3A_35 : i32 to vector<16xi32>
      %swap3A_37 = arith.constant 32 : index
      %swap3A_38 = tpu.vector_load %arg8[%swap3A_37] {strides = array<i32>} : memref<64xi32, #tpu.memory_space<vmem>>, vector<16xi32>,
      tpu.vector_store %arg8[%swap3A_37], %broadcast_in_dim3A_36 {strides = array<i32>} : memref<64xi32, #tpu.memory_space<vmem>>, vector<16xi32>,
      %get3A_39 = arith.constant 48 : index
      %get3A_40 = tpu.vector_load %arg5[%get3A_39] {strides = array<i32>} : memref<128xi32, #tpu.memory_space<vmem>>, vector<16xi32>,
      %bitcast_convert_type3A_41 = tpu.bitcast %get3A_40 : vector<16xi32> -> vector<16xf32>
      %swap3A_42 = arith.constant 48 : index
      %swap3A_43 = tpu.vector_load %arg6[%swap3A_42] {strides = array<i32>} : memref<64xf32, #tpu.memory_space<vmem>>, vector<16xf32>,
      tpu.vector_store %arg6[%swap3A_42], %bitcast_convert_type3A_41 {strides = array<i32>} : memref<64xf32, #tpu.memory_space<vmem>>, vector<16xf32>,
      %get3A_44 = arith.constant 112 : index
      %get3A_45 = tpu.vector_load %arg5[%get3A_44] {strides = array<i32>} : memref<128xi32, #tpu.memory_space<vmem>>, vector<16xi32>,
      %swap3A_46 = arith.constant 48 : index
      %swap3A_47 = tpu.vector_load %arg7[%swap3A_46] {strides = array<i32>} : memref<64xi32, #tpu.memory_space<vmem>>, vector<16xi32>,
      tpu.vector_store %arg7[%swap3A_46], %get3A_45 {strides = array<i32>} : memref<64xi32, #tpu.memory_space<vmem>>, vector<16xi32>,
      %broadcast_in_dim3A_48 = arith.constant -1 : i32
      %broadcast_in_dim3A_49 = vector.broadcast %broadcast_in_dim3A_48 : i32 to vector<16xi32>
      %swap3A_50 = arith.constant 48 : index
      %swap3A_51 = tpu.vector_load %arg8[%swap3A_50] {strides = array<i32>} : memref<64xi32, #tpu.memory_space<vmem>>, vector<16xi32>,
      tpu.vector_store %arg8[%swap3A_50], %broadcast_in_dim3A_49 {strides = array<i32>} : memref<64xi32, #tpu.memory_space<vmem>>, vector<16xi32>,
      %broadcast_in_dim3A_52 = arith.constant 0.000000e+00 : f32
      %broadcast_in_dim3A_53 = vector.broadcast %broadcast_in_dim3A_52 : f32 to vector<16xf32>
      %scan3A = arith.constant 0 : i32
      %scan3A_54 = arith.constant 39 : i32
      %scan3A_55 = arith.addi %scan3A, %scan3A_54 : i32
      %scan3A_56 = arith.constant 1 : i32
      scf.for %scan3A_63 = %scan3A to %scan3A_55 step %scan3A_56  : i32 {
        %mul3A = arith.constant 1 : i32
        %mul3A_64 = arith.muli %scan3A_63, %mul3A : i32
        %add3A = arith.constant 0 : i32
        %add3A_65 = arith.addi %add3A, %mul3A_64 : i32
        %mul3A_66 = arith.constant 14 : i32
        %mul3A_67 = arith.muli %add3A_65, %mul3A_66 : i32
        %add3A_68 = arith.constant 0 : i32
        %add3A_69 = arith.addi %mul3A_67, %add3A_68 : i32
        %mul3A_70 = arith.constant 16 : i32
        %mul3A_71 = arith.muli %add3A_69, %mul3A_70 : i32
        %swap3A_72 = arith.index_cast %mul3A_71 : i32 to index
        %swap3A_73 = tpu.vector_load %arg9[%swap3A_72] {strides = array<i32>} : memref<8736xf32, #tpu.memory_space<vmem>>, vector<16xf32>,
        tpu.vector_store %arg9[%swap3A_72], %broadcast_in_dim3A_53 {strides = array<i32>} : memref<8736xf32, #tpu.memory_space<vmem>>, vector<16xf32>,
        %mul3A_74 = arith.constant 14 : i32
        %mul3A_75 = arith.muli %add3A_65, %mul3A_74 : i32
        %add3A_76 = arith.constant 1 : i32
        %add3A_77 = arith.addi %mul3A_75, %add3A_76 : i32
        %mul3A_78 = arith.constant 16 : i32
        %mul3A_79 = arith.muli %add3A_77, %mul3A_78 : i32
        %swap3A_80 = arith.index_cast %mul3A_79 : i32 to index
        %swap3A_81 = tpu.vector_load %arg9[%swap3A_80] {strides = array<i32>} : memref<8736xf32, #tpu.memory_space<vmem>>, vector<16xf32>,
        tpu.vector_store %arg9[%swap3A_80], %broadcast_in_dim3A_53 {strides = array<i32>} : memref<8736xf32, #tpu.memory_space<vmem>>, vector<16xf32>,
        %mul3A_82 = arith.constant 14 : i32
        %mul3A_83 = arith.muli %add3A_65, %mul3A_82 : i32
        %add3A_84 = arith.constant 2 : i32
        %add3A_85 = arith.addi %mul3A_83, %add3A_84 : i32
        %mul3A_86 = arith.constant 16 : i32
        %mul3A_87 = arith.muli %add3A_85, %mul3A_86 : i32
        %swap3A_88 = arith.index_cast %mul3A_87 : i32 to index
        %swap3A_89 = tpu.vector_load %arg9[%swap3A_88] {strides = array<i32>} : memref<8736xf32, #tpu.memory_space<vmem>>, vector<16xf32>,
        tpu.vector_store %arg9[%swap3A_88], %broadcast_in_dim3A_53 {strides = array<i32>} : memref<8736xf32, #tpu.memory_space<vmem>>, vector<16xf32>,
        %mul3A_90 = arith.constant 14 : i32
        %mul3A_91 = arith.muli %add3A_65, %mul3A_90 : i32
        %add3A_92 = arith.constant 3 : i32
        %add3A_93 = arith.addi %mul3A_91, %add3A_92 : i32
        %mul3A_94 = arith.constant 16 : i32
        %mul3A_95 = arith.muli %add3A_93, %mul3A_94 : i32
        %swap3A_96 = arith.index_cast %mul3A_95 : i32 to index
        %swap3A_97 = tpu.vector_load %arg9[%swap3A_96] {strides = array<i32>} : memref<8736xf32, #tpu.memory_space<vmem>>, vector<16xf32>,
        tpu.vector_store %arg9[%swap3A_96], %broadcast_in_dim3A_53 {strides = array<i32>} : memref<8736xf32, #tpu.memory_space<vmem>>, vector<16xf32>,
        %mul3A_98 = arith.constant 14 : i32
        %mul3A_99 = arith.muli %add3A_65, %mul3A_98 : i32
        %add3A_100 = arith.constant 4 : i32
        %add3A_101 = arith.addi %mul3A_99, %add3A_100 : i32
        %mul3A_102 = arith.constant 16 : i32
        %mul3A_103 = arith.muli %add3A_101, %mul3A_102 : i32
        %swap3A_104 = arith.index_cast %mul3A_103 : i32 to index
        %swap3A_105 = tpu.vector_load %arg9[%swap3A_104] {strides = array<i32>} : memref<8736xf32, #tpu.memory_space<vmem>>, vector<16xf32>,
        tpu.vector_store %arg9[%swap3A_104], %broadcast_in_dim3A_53 {strides = array<i32>} : memref<8736xf32, #tpu.memory_space<vmem>>, vector<16xf32>,
        %mul3A_106 = arith.constant 14 : i32
        %mul3A_107 = arith.muli %add3A_65, %mul3A_106 : i32
        %add3A_108 = arith.constant 5 : i32
        %add3A_109 = arith.addi %mul3A_107, %add3A_108 : i32
        %mul3A_110 = arith.constant 16 : i32
        %mul3A_111 = arith.muli %add3A_109, %mul3A_110 : i32
        %swap3A_112 = arith.index_cast %mul3A_111 : i32 to index
        %swap3A_113 = tpu.vector_load %arg9[%swap3A_112] {strides = array<i32>} : memref<8736xf32, #tpu.memory_space<vmem>>, vector<16xf32>,
        tpu.vector_store %arg9[%swap3A_112], %broadcast_in_dim3A_53 {strides = array<i32>} : memref<8736xf32, #tpu.memory_space<vmem>>, vector<16xf32>,
        %mul3A_114 = arith.constant 14 : i32
        %mul3A_115 = arith.muli %add3A_65, %mul3A_114 : i32
        %add3A_116 = arith.constant 6 : i32
        %add3A_117 = arith.addi %mul3A_115, %add3A_116 : i32
        %mul3A_118 = arith.constant 16 : i32
        %mul3A_119 = arith.muli %add3A_117, %mul3A_118 : i32
        %swap3A_120 = arith.index_cast %mul3A_119 : i32 to index
        %swap3A_121 = tpu.vector_load %arg9[%swap3A_120] {strides = array<i32>} : memref<8736xf32, #tpu.memory_space<vmem>>, vector<16xf32>,
        tpu.vector_store %arg9[%swap3A_120], %broadcast_in_dim3A_53 {strides = array<i32>} : memref<8736xf32, #tpu.memory_space<vmem>>, vector<16xf32>,
        %mul3A_122 = arith.constant 14 : i32
        %mul3A_123 = arith.muli %add3A_65, %mul3A_122 : i32
        %add3A_124 = arith.constant 7 : i32
        %add3A_125 = arith.addi %mul3A_123, %add3A_124 : i32
        %mul3A_126 = arith.constant 16 : i32
        %mul3A_127 = arith.muli %add3A_125, %mul3A_126 : i32
        %swap3A_128 = arith.index_cast %mul3A_127 : i32 to index
        %swap3A_129 = tpu.vector_load %arg9[%swap3A_128] {strides = array<i32>} : memref<8736xf32, #tpu.memory_space<vmem>>, vector<16xf32>,
        tpu.vector_store %arg9[%swap3A_128], %broadcast_in_dim3A_53 {strides = array<i32>} : memref<8736xf32, #tpu.memory_space<vmem>>, vector<16xf32>,
        %mul3A_130 = arith.constant 14 : i32
        %mul3A_131 = arith.muli %add3A_65, %mul3A_130 : i32
        %add3A_132 = arith.constant 8 : i32
        %add3A_133 = arith.addi %mul3A_131, %add3A_132 : i32
        %mul3A_134 = arith.constant 16 : i32
        %mul3A_135 = arith.muli %add3A_133, %mul3A_134 : i32
        %swap3A_136 = arith.index_cast %mul3A_135 : i32 to index
        %swap3A_137 = tpu.vector_load %arg9[%swap3A_136] {strides = array<i32>} : memref<8736xf32, #tpu.memory_space<vmem>>, vector<16xf32>,
        tpu.vector_store %arg9[%swap3A_136], %broadcast_in_dim3A_53 {strides = array<i32>} : memref<8736xf32, #tpu.memory_space<vmem>>, vector<16xf32>,
        %mul3A_138 = arith.constant 14 : i32
        %mul3A_139 = arith.muli %add3A_65, %mul3A_138 : i32
        %add3A_140 = arith.constant 9 : i32
        %add3A_141 = arith.addi %mul3A_139, %add3A_140 : i32
        %mul3A_142 = arith.constant 16 : i32
        %mul3A_143 = arith.muli %add3A_141, %mul3A_142 : i32
        %swap3A_144 = arith.index_cast %mul3A_143 : i32 to index
        %swap3A_145 = tpu.vector_load %arg9[%swap3A_144] {strides = array<i32>} : memref<8736xf32, #tpu.memory_space<vmem>>, vector<16xf32>,
        tpu.vector_store %arg9[%swap3A_144], %broadcast_in_dim3A_53 {strides = array<i32>} : memref<8736xf32, #tpu.memory_space<vmem>>, vector<16xf32>,
        %mul3A_146 = arith.constant 14 : i32
        %mul3A_147 = arith.muli %add3A_65, %mul3A_146 : i32
        %add3A_148 = arith.constant 10 : i32
        %add3A_149 = arith.addi %mul3A_147, %add3A_148 : i32
        %mul3A_150 = arith.constant 16 : i32
        %mul3A_151 = arith.muli %add3A_149, %mul3A_150 : i32
        %swap3A_152 = arith.index_cast %mul3A_151 : i32 to index
        %swap3A_153 = tpu.vector_load %arg9[%swap3A_152] {strides = array<i32>} : memref<8736xf32, #tpu.memory_space<vmem>>, vector<16xf32>,
        tpu.vector_store %arg9[%swap3A_152], %broadcast_in_dim3A_53 {strides = array<i32>} : memref<8736xf32, #tpu.memory_space<vmem>>, vector<16xf32>,
        %mul3A_154 = arith.constant 14 : i32
        %mul3A_155 = arith.muli %add3A_65, %mul3A_154 : i32
        %add3A_156 = arith.constant 11 : i32
        %add3A_157 = arith.addi %mul3A_155, %add3A_156 : i32
        %mul3A_158 = arith.constant 16 : i32
        %mul3A_159 = arith.muli %add3A_157, %mul3A_158 : i32
        %swap3A_160 = arith.index_cast %mul3A_159 : i32 to index
        %swap3A_161 = tpu.vector_load %arg9[%swap3A_160] {strides = array<i32>} : memref<8736xf32, #tpu.memory_space<vmem>>, vector<16xf32>,
        tpu.vector_store %arg9[%swap3A_160], %broadcast_in_dim3A_53 {strides = array<i32>} : memref<8736xf32, #tpu.memory_space<vmem>>, vector<16xf32>,
        %mul3A_162 = arith.constant 14 : i32
        %mul3A_163 = arith.muli %add3A_65, %mul3A_162 : i32
        %add3A_164 = arith.constant 12 : i32
        %add3A_165 = arith.addi %mul3A_163, %add3A_164 : i32
        %mul3A_166 = arith.constant 16 : i32
        %mul3A_167 = arith.muli %add3A_165, %mul3A_166 : i32
        %swap3A_168 = arith.index_cast %mul3A_167 : i32 to index
        %swap3A_169 = tpu.vector_load %arg9[%swap3A_168] {strides = array<i32>} : memref<8736xf32, #tpu.memory_space<vmem>>, vector<16xf32>,
        tpu.vector_store %arg9[%swap3A_168], %broadcast_in_dim3A_53 {strides = array<i32>} : memref<8736xf32, #tpu.memory_space<vmem>>, vector<16xf32>,
        %mul3A_170 = arith.constant 14 : i32
        %mul3A_171 = arith.muli %add3A_65, %mul3A_170 : i32
        %add3A_172 = arith.constant 13 : i32
        %add3A_173 = arith.addi %mul3A_171, %add3A_172 : i32
        %mul3A_174 = arith.constant 16 : i32
        %mul3A_175 = arith.muli %add3A_173, %mul3A_174 : i32
        %swap3A_176 = arith.index_cast %mul3A_175 : i32 to index
        %swap3A_177 = tpu.vector_load %arg9[%swap3A_176] {strides = array<i32>} : memref<8736xf32, #tpu.memory_space<vmem>>, vector<16xf32>,
        tpu.vector_store %arg9[%swap3A_176], %broadcast_in_dim3A_53 {strides = array<i32>} : memref<8736xf32, #tpu.memory_space<vmem>>, vector<16xf32>,
      }
      %scan3A_57 = arith.constant 39 : i32
      %scan3A_58 = arith.constant 0 : i32
      %scan3A_59 = arith.constant 50 : i32
      %scan3A_60 = arith.addi %scan3A_58, %scan3A_59 : i32
      %scan3A_61 = arith.constant 1 : i32
      scf.for %scan3A_63 = %scan3A_58 to %scan3A_60 step %scan3A_61  : i32 {
        %mul3A = arith.constant 1 : i32
        %mul3A_64 = arith.muli %scan3A_63, %mul3A : i32
        %add3A = arith.constant 0 : i32
        %add3A_65 = arith.addi %add3A, %mul3A_64 : i32
        %get3A_66 = arith.constant 0 : index
        %get3A_67 = tpu.vector_load %arg6[%get3A_66] {strides = array<i32>} : memref<64xf32, #tpu.memory_space<vmem>>, vector<16xf32>,
        %get3A_68 = arith.constant 0 : index
        %get3A_69 = tpu.vector_load %arg7[%get3A_68] {strides = array<i32>} : memref<64xi32, #tpu.memory_space<vmem>>, vector<16xi32>,
        %mul3A_70 = arith.constant 64 : i32
        %mul3A_71 = vector.broadcast %mul3A_70 : i32 to vector<16xi32>
        %mul3A_72 = arith.muli %get3A_69, %mul3A_71 : vector<16xi32>
        %add3A_73 = arith.addi %mul3A_72, %iota3A : vector<16xi32>
        %get3A_74 = arith.constant 16 : index
        %get3A_75 = tpu.vector_load %arg6[%get3A_74] {strides = array<i32>} : memref<64xf32, #tpu.memory_space<vmem>>, vector<16xf32>,
        %get3A_76 = arith.constant 16 : index
        %get3A_77 = tpu.vector_load %arg7[%get3A_76] {strides = array<i32>} : memref<64xi32, #tpu.memory_space<vmem>>, vector<16xi32>,
        %mul3A_78 = arith.constant 64 : i32
        %mul3A_79 = vector.broadcast %mul3A_78 : i32 to vector<16xi32>
        %mul3A_80 = arith.muli %get3A_77, %mul3A_79 : vector<16xi32>
        %add3A_81 = arith.constant 16 : i32
        %add3A_82 = vector.broadcast %add3A_81 : i32 to vector<16xi32>
        %add3A_83 = arith.addi %iota3A, %add3A_82 : vector<16xi32>
        %add3A_84 = arith.addi %mul3A_80, %add3A_83 : vector<16xi32>
        %gt3A = arith.cmpf ogt, %get3A_75, %get3A_67 : vector<16xf32>
        %eq3A_85 = arith.cmpf oeq, %get3A_75, %get3A_67 : vector<16xf32>
        %lt3A = arith.cmpi slt, %add3A_84, %add3A_73 : vector<16xi32>
        %and3A_86 = arith.andi %eq3A_85, %lt3A : vector<16xi1>
        %or3A = arith.ori %gt3A, %and3A_86 : vector<16xi1>
        %select_n3A = arith.select %or3A, %get3A_75, %get3A_67 : vector<16xi1>, vector<16xf32>
        %select_n3A_87 = arith.select %or3A, %add3A_84, %add3A_73 : vector<16xi1>, vector<16xi32>
        %get3A_88 = arith.constant 32 : index
        %get3A_89 = tpu.vector_load %arg6[%get3A_88] {strides = array<i32>} : memref<64xf32, #tpu.memory_space<vmem>>, vector<16xf32>,
        %get3A_90 = arith.constant 32 : index
        %get3A_91 = tpu.vector_load %arg7[%get3A_90] {strides = array<i32>} : memref<64xi32, #tpu.memory_space<vmem>>, vector<16xi32>,
        %mul3A_92 = arith.constant 64 : i32
        %mul3A_93 = vector.broadcast %mul3A_92 : i32 to vector<16xi32>
        %mul3A_94 = arith.muli %get3A_91, %mul3A_93 : vector<16xi32>
        %add3A_95 = arith.constant 32 : i32
        %add3A_96 = vector.broadcast %add3A_95 : i32 to vector<16xi32>
        %add3A_97 = arith.addi %iota3A, %add3A_96 : vector<16xi32>
        %add3A_98 = arith.addi %mul3A_94, %add3A_97 : vector<16xi32>
        %gt3A_99 = arith.cmpf ogt, %get3A_89, %select_n3A : vector<16xf32>
        %eq3A_100 = arith.cmpf oeq, %get3A_89, %select_n3A : vector<16xf32>
        %lt3A_101 = arith.cmpi slt, %add3A_98, %select_n3A_87 : vector<16xi32>
        %and3A_102 = arith.andi %eq3A_100, %lt3A_101 : vector<16xi1>
        %or3A_103 = arith.ori %gt3A_99, %and3A_102 : vector<16xi1>
        %select_n3A_104 = arith.select %or3A_103, %get3A_89, %select_n3A : vector<16xi1>, vector<16xf32>
        %select_n3A_105 = arith.select %or3A_103, %add3A_98, %select_n3A_87 : vector<16xi1>, vector<16xi32>
        %get3A_106 = arith.constant 48 : index
        %get3A_107 = tpu.vector_load %arg6[%get3A_106] {strides = array<i32>} : memref<64xf32, #tpu.memory_space<vmem>>, vector<16xf32>,
        %get3A_108 = arith.constant 48 : index
        %get3A_109 = tpu.vector_load %arg7[%get3A_108] {strides = array<i32>} : memref<64xi32, #tpu.memory_space<vmem>>, vector<16xi32>,
        %mul3A_110 = arith.constant 64 : i32
        %mul3A_111 = vector.broadcast %mul3A_110 : i32 to vector<16xi32>
        %mul3A_112 = arith.muli %get3A_109, %mul3A_111 : vector<16xi32>
        %add3A_113 = arith.constant 48 : i32
        %add3A_114 = vector.broadcast %add3A_113 : i32 to vector<16xi32>
        %add3A_115 = arith.addi %iota3A, %add3A_114 : vector<16xi32>
        %add3A_116 = arith.addi %mul3A_112, %add3A_115 : vector<16xi32>
        %gt3A_117 = arith.cmpf ogt, %get3A_107, %select_n3A_104 : vector<16xf32>
        %eq3A_118 = arith.cmpf oeq, %get3A_107, %select_n3A_104 : vector<16xf32>
        %lt3A_119 = arith.cmpi slt, %add3A_116, %select_n3A_105 : vector<16xi32>
        %and3A_120 = arith.andi %eq3A_118, %lt3A_119 : vector<16xi1>
        %or3A_121 = arith.ori %gt3A_117, %and3A_120 : vector<16xi1>
        %select_n3A_122 = arith.select %or3A_121, %get3A_107, %select_n3A_104 : vector<16xi1>, vector<16xf32>
        %select_n3A_123 = arith.select %or3A_121, %add3A_116, %select_n3A_105 : vector<16xi1>, vector<16xi32>
        %reduce_max3A = arith.constant true
        %reduce_max3A_124 = vector.broadcast %reduce_max3A : i1 to vector<16xi1>
        %reduce_max3A_125 = tpu.scan <max>, %select_n3A_122 masked %reduce_max3A_124 : vector<16xf32>, vector<16xi1> -> vector<16xf32>
        %reduce_max3A_126 = vector.extract %reduce_max3A_125[15] : f32 from vector<16xf32>
        %eq3A_127 = vector.broadcast %reduce_max3A_126 : f32 to vector<16xf32>
        %eq3A_128 = arith.cmpf oeq, %select_n3A_122, %eq3A_127 : vector<16xf32>
        %jit3A = arith.constant 1073741824 : i32
        %broadcast_in_dim3A_129 = vector.broadcast %jit3A : i32 to vector<16xi32>
        %select_n3A_130 = arith.select %eq3A_128, %select_n3A_123, %broadcast_in_dim3A_129 : vector<16xi1>, vector<16xi32>
        %reduce_min3A = arith.constant true
        %reduce_min3A_131 = vector.broadcast %reduce_min3A : i1 to vector<16xi1>
        %reduce_min3A_132 = arith.constant -2147483648 : i32
        %reduce_min3A_133 = vector.broadcast %reduce_min3A_132 : i32 to vector<16xi32>
        %reduce_min3A_134 = arith.xori %select_n3A_130, %reduce_min3A_133 : vector<16xi32>
        %reduce_min3A_135 = tpu.scan <min>, %reduce_min3A_134 masked %reduce_min3A_131 : vector<16xi32>, vector<16xi1> -> vector<16xi32>
        %reduce_min3A_136 = arith.xori %reduce_min3A_135, %reduce_min3A_133 : vector<16xi32>
        %reduce_min3A_137 = vector.extract %reduce_min3A_136[15] : i32 from vector<16xi32>
        %jit3A_138 = arith.constant 64 : i32
        %div3A = arith.divsi %reduce_min3A_137, %jit3A_138 : i32
        %sign3A = arith.constant 0 : i32
        %sign3A_139 = arith.cmpi sgt, %reduce_min3A_137, %sign3A : i32
        %sign3A_140 = arith.extui %sign3A_139 : i1 to i32
        %sign3A_141 = arith.constant 0 : i32
        %sign3A_142 = arith.cmpi slt, %reduce_min3A_137, %sign3A_141 : i32
        %sign3A_143 = arith.extui %sign3A_142 : i1 to i32
        %sign3A_144 = arith.subi %sign3A_140, %sign3A_143 : i32
        %sign3A_145 = arith.constant 0 : i32
        %sign3A_146 = arith.cmpi sgt, %jit3A_138, %sign3A_145 : i32
        %sign3A_147 = arith.extui %sign3A_146 : i1 to i32
        %sign3A_148 = arith.constant 0 : i32
        %sign3A_149 = arith.cmpi slt, %jit3A_138, %sign3A_148 : i32
        %sign3A_150 = arith.extui %sign3A_149 : i1 to i32
        %sign3A_151 = arith.subi %sign3A_147, %sign3A_150 : i32
        %ne3A = arith.cmpi ne, %sign3A_144, %sign3A_151 : i32
        %rem3A = arith.remsi %reduce_min3A_137, %jit3A_138 : i32
        %ne3A_152 = arith.constant 0 : i32
        %ne3A_153 = arith.cmpi ne, %rem3A, %ne3A_152 : i32
        %and3A_154 = arith.andi %ne3A, %ne3A_153 : i1
        %sub3A = arith.constant 1 : i32
        %sub3A_155 = arith.subi %div3A, %sub3A : i32
        %select_n3A_156 = arith.select %and3A_154, %sub3A_155, %div3A : i32
        %jit3A_157 = arith.constant 64 : i32
        %eq3A_158 = arith.constant 0 : i32
        %eq3A_159 = arith.cmpi eq, %jit3A_157, %eq3A_158 : i32
        %jit3A_160 = arith.constant 1 : i32
        %select_n3A_161 = arith.select %eq3A_159, %jit3A_160, %jit3A_157 : i32
        %rem3A_162 = arith.remsi %reduce_min3A_137, %select_n3A_161 : i32
        %ne3A_163 = arith.constant 0 : i32
        %ne3A_164 = arith.cmpi ne, %rem3A_162, %ne3A_163 : i32
        %lt3A_165 = arith.constant 0 : i32
        %lt3A_166 = arith.cmpi slt, %rem3A_162, %lt3A_165 : i32
        %lt3A_167 = arith.constant 0 : i32
        %lt3A_168 = arith.cmpi slt, %select_n3A_161, %lt3A_167 : i32
        %ne3A_169 = arith.xori %lt3A_166, %lt3A_168 : i1
        %and3A_170 = arith.andi %ne3A_169, %ne3A_164 : i1
        %add3A_171 = arith.addi %rem3A_162, %select_n3A_161 : i32
        %select_n3A_172 = arith.select %and3A_170, %add3A_171, %rem3A_162 : i32
        %jit3A_173 = arith.constant 16 : i32
        %div3A_174 = arith.divsi %select_n3A_156, %jit3A_173 : i32
        %sign3A_175 = arith.constant 0 : i32
        %sign3A_176 = arith.cmpi sgt, %select_n3A_156, %sign3A_175 : i32
        %sign3A_177 = arith.extui %sign3A_176 : i1 to i32
        %sign3A_178 = arith.constant 0 : i32
        %sign3A_179 = arith.cmpi slt, %select_n3A_156, %sign3A_178 : i32
        %sign3A_180 = arith.extui %sign3A_179 : i1 to i32
        %sign3A_181 = arith.subi %sign3A_177, %sign3A_180 : i32
        %sign3A_182 = arith.constant 0 : i32
        %sign3A_183 = arith.cmpi sgt, %jit3A_173, %sign3A_182 : i32
        %sign3A_184 = arith.extui %sign3A_183 : i1 to i32
        %sign3A_185 = arith.constant 0 : i32
        %sign3A_186 = arith.cmpi slt, %jit3A_173, %sign3A_185 : i32
        %sign3A_187 = arith.extui %sign3A_186 : i1 to i32
        %sign3A_188 = arith.subi %sign3A_184, %sign3A_187 : i32
        %ne3A_189 = arith.cmpi ne, %sign3A_181, %sign3A_188 : i32
        %rem3A_190 = arith.remsi %select_n3A_156, %jit3A_173 : i32
        %ne3A_191 = arith.constant 0 : i32
        %ne3A_192 = arith.cmpi ne, %rem3A_190, %ne3A_191 : i32
        %and3A_193 = arith.andi %ne3A_189, %ne3A_192 : i1
        %sub3A_194 = arith.constant 1 : i32
        %sub3A_195 = arith.subi %div3A_174, %sub3A_194 : i32
        %select_n3A_196 = arith.select %and3A_193, %sub3A_195, %div3A_174 : i32
        %mul3A_197 = arith.constant 16 : i32
        %mul3A_198 = arith.muli %select_n3A_196, %mul3A_197 : i32
        %jit3A_199 = arith.constant 16 : i32
        %eq3A_200 = arith.constant 0 : i32
        %eq3A_201 = arith.cmpi eq, %jit3A_199, %eq3A_200 : i32
        %jit3A_202 = arith.constant 1 : i32
        %select_n3A_203 = arith.select %eq3A_201, %jit3A_202, %jit3A_199 : i32
        %rem3A_204 = arith.remsi %select_n3A_156, %select_n3A_203 : i32
        %ne3A_205 = arith.constant 0 : i32
        %ne3A_206 = arith.cmpi ne, %rem3A_204, %ne3A_205 : i32
        %lt3A_207 = arith.constant 0 : i32
        %lt3A_208 = arith.cmpi slt, %rem3A_204, %lt3A_207 : i32
        %lt3A_209 = arith.constant 0 : i32
        %lt3A_210 = arith.cmpi slt, %select_n3A_203, %lt3A_209 : i32
        %ne3A_211 = arith.xori %lt3A_208, %lt3A_210 : i1
        %and3A_212 = arith.andi %ne3A_211, %ne3A_206 : i1
        %add3A_213 = arith.addi %rem3A_204, %select_n3A_203 : i32
        %select_n3A_214 = arith.select %and3A_212, %add3A_213, %rem3A_204 : i32
        %eq3A_215 = vector.broadcast %select_n3A_214 : i32 to vector<16xi32>
        %eq3A_216 = arith.cmpi eq, %iota3A, %eq3A_215 : vector<16xi32>
        %get3A_217 = arith.index_cast %mul3A_198 : i32 to index
        %get3A_218 = tpu.vector_load %arg9[%get3A_217] {strides = array<i32>} : memref<8736xf32, #tpu.memory_space<vmem>>, vector<16xf32>,
        %jit3A_219 = arith.constant -1.000000e+30 : f32
        %broadcast_in_dim3A_220 = vector.broadcast %jit3A_219 : f32 to vector<16xf32>
        %select_n3A_221 = arith.select %eq3A_216, %get3A_218, %broadcast_in_dim3A_220 : vector<16xi1>, vector<16xf32>
        %reduce_max3A_222 = arith.constant true
        %reduce_max3A_223 = vector.broadcast %reduce_max3A_222 : i1 to vector<16xi1>
        %reduce_max3A_224 = tpu.scan <max>, %select_n3A_221 masked %reduce_max3A_223 : vector<16xf32>, vector<16xi1> -> vector<16xf32>
        %reduce_max3A_225 = vector.extract %reduce_max3A_224[15] : f32 from vector<16xf32>
        %gt3A_226 = arith.constant 9.99999996E-13 : f32
        %gt3A_227 = arith.cmpf ogt, %reduce_max3A_126, %gt3A_226 : f32
        %lt3A_228 = arith.constant -2.500000e+00 : f32
        %lt3A_229 = arith.cmpf olt, %reduce_max3A_225, %lt3A_228 : f32
        %not3A = arith.constant true
        %not3A_230 = arith.xori %lt3A_229, %not3A : i1
        %and3A_231 = arith.andi %gt3A_227, %not3A_230 : i1
        %convert_element_type3A_232 = arith.extui %and3A_231 : i1 to i32
        %cond3A_233 = arith.constant 0 : i32
        %cond3A_234 = arith.cmpi ne, %convert_element_type3A_232, %cond3A_233 : i32
        scf.if %cond3A_234 {
          %jit3A_239 = arith.constant 16 : i32
          %div3A_240 = arith.divsi %select_n3A_172, %jit3A_239 : i32
          %sign3A_241 = arith.constant 0 : i32
          %sign3A_242 = arith.cmpi sgt, %select_n3A_172, %sign3A_241 : i32
          %sign3A_243 = arith.extui %sign3A_242 : i1 to i32
          %sign3A_244 = arith.constant 0 : i32
          %sign3A_245 = arith.cmpi slt, %select_n3A_172, %sign3A_244 : i32
          %sign3A_246 = arith.extui %sign3A_245 : i1 to i32
          %sign3A_247 = arith.subi %sign3A_243, %sign3A_246 : i32
          %sign3A_248 = arith.constant 0 : i32
          %sign3A_249 = arith.cmpi sgt, %jit3A_239, %sign3A_248 : i32
          %sign3A_250 = arith.extui %sign3A_249 : i1 to i32
          %sign3A_251 = arith.constant 0 : i32
          %sign3A_252 = arith.cmpi slt, %jit3A_239, %sign3A_251 : i32
          %sign3A_253 = arith.extui %sign3A_252 : i1 to i32
          %sign3A_254 = arith.subi %sign3A_250, %sign3A_253 : i32
          %ne3A_255 = arith.cmpi ne, %sign3A_247, %sign3A_254 : i32
          %rem3A_256 = arith.remsi %select_n3A_172, %jit3A_239 : i32
          %ne3A_257 = arith.constant 0 : i32
          %ne3A_258 = arith.cmpi ne, %rem3A_256, %ne3A_257 : i32
          %and3A_259 = arith.andi %ne3A_255, %ne3A_258 : i1
          %sub3A_260 = arith.constant 1 : i32
          %sub3A_261 = arith.subi %div3A_240, %sub3A_260 : i32
          %select_n3A_262 = arith.select %and3A_259, %sub3A_261, %div3A_240 : i32
          %mul3A_263 = arith.constant 16 : i32
          %mul3A_264 = arith.muli %select_n3A_262, %mul3A_263 : i32
          %jit3A_265 = arith.constant 16 : i32
          %eq3A_266 = arith.constant 0 : i32
          %eq3A_267 = arith.cmpi eq, %jit3A_265, %eq3A_266 : i32
          %jit3A_268 = arith.constant 1 : i32
          %select_n3A_269 = arith.select %eq3A_267, %jit3A_268, %jit3A_265 : i32
          %rem3A_270 = arith.remsi %select_n3A_172, %select_n3A_269 : i32
          %ne3A_271 = arith.constant 0 : i32
          %ne3A_272 = arith.cmpi ne, %rem3A_270, %ne3A_271 : i32
          %lt3A_273 = arith.constant 0 : i32
          %lt3A_274 = arith.cmpi slt, %rem3A_270, %lt3A_273 : i32
          %lt3A_275 = arith.constant 0 : i32
          %lt3A_276 = arith.cmpi slt, %select_n3A_269, %lt3A_275 : i32
          %ne3A_277 = arith.xori %lt3A_274, %lt3A_276 : i1
          %and3A_278 = arith.andi %ne3A_277, %ne3A_272 : i1
          %add3A_279 = arith.addi %rem3A_270, %select_n3A_269 : i32
          %select_n3A_280 = arith.select %and3A_278, %add3A_279, %rem3A_270 : i32
          %eq3A_281 = vector.broadcast %select_n3A_280 : i32 to vector<16xi32>
          %eq3A_282 = arith.cmpi eq, %iota3A, %eq3A_281 : vector<16xi32>
          %get3A_283 = arith.index_cast %mul3A_264 : i32 to index
          %get3A_284 = tpu.vector_load %arg8[%get3A_283] {strides = array<i32>} : memref<64xi32, #tpu.memory_space<vmem>>, vector<16xi32>,
          %broadcast_in_dim3A_285 = vector.broadcast %select_n3A_156 : i32 to vector<16xi32>
          %select_n3A_286 = arith.select %eq3A_282, %broadcast_in_dim3A_285, %get3A_284 : vector<16xi1>, vector<16xi32>
          %swap3A_287 = arith.index_cast %mul3A_264 : i32 to index
          %swap3A_288 = tpu.vector_load %arg8[%swap3A_287] {strides = array<i32>} : memref<64xi32, #tpu.memory_space<vmem>>, vector<16xi32>,
          tpu.vector_store %arg8[%swap3A_287], %select_n3A_286 {strides = array<i32>} : memref<64xi32, #tpu.memory_space<vmem>>, vector<16xi32>,
          %get3A_289 = arith.index_cast %mul3A_264 : i32 to index
          %get3A_290 = tpu.vector_load %arg6[%get3A_289] {strides = array<i32>} : memref<64xf32, #tpu.memory_space<vmem>>, vector<16xf32>,
          %jit3A_291 = arith.constant -2.000000e+00 : f32
          %broadcast_in_dim3A_292 = vector.broadcast %jit3A_291 : f32 to vector<16xf32>
          %select_n3A_293 = arith.select %eq3A_282, %broadcast_in_dim3A_292, %get3A_290 : vector<16xi1>, vector<16xf32>
          %swap3A_294 = arith.index_cast %mul3A_264 : i32 to index
          %swap3A_295 = tpu.vector_load %arg6[%swap3A_294] {strides = array<i32>} : memref<64xf32, #tpu.memory_space<vmem>>, vector<16xf32>,
          tpu.vector_store %arg6[%swap3A_294], %select_n3A_293 {strides = array<i32>} : memref<64xf32, #tpu.memory_space<vmem>>, vector<16xf32>,
          %jit3A_296 = arith.constant 16 : i32
          %div3A_297 = arith.divsi %select_n3A_156, %jit3A_296 : i32
          %sign3A_298 = arith.constant 0 : i32
          %sign3A_299 = arith.cmpi sgt, %select_n3A_156, %sign3A_298 : i32
          %sign3A_300 = arith.extui %sign3A_299 : i1 to i32
          %sign3A_301 = arith.constant 0 : i32
          %sign3A_302 = arith.cmpi slt, %select_n3A_156, %sign3A_301 : i32
          %sign3A_303 = arith.extui %sign3A_302 : i1 to i32
          %sign3A_304 = arith.subi %sign3A_300, %sign3A_303 : i32
          %sign3A_305 = arith.constant 0 : i32
          %sign3A_306 = arith.cmpi sgt, %jit3A_296, %sign3A_305 : i32
          %sign3A_307 = arith.extui %sign3A_306 : i1 to i32
          %sign3A_308 = arith.constant 0 : i32
          %sign3A_309 = arith.cmpi slt, %jit3A_296, %sign3A_308 : i32
          %sign3A_310 = arith.extui %sign3A_309 : i1 to i32
          %sign3A_311 = arith.subi %sign3A_307, %sign3A_310 : i32
          %ne3A_312 = arith.cmpi ne, %sign3A_304, %sign3A_311 : i32
          %rem3A_313 = arith.remsi %select_n3A_156, %jit3A_296 : i32
          %ne3A_314 = arith.constant 0 : i32
          %ne3A_315 = arith.cmpi ne, %rem3A_313, %ne3A_314 : i32
          %and3A_316 = arith.andi %ne3A_312, %ne3A_315 : i1
          %sub3A_317 = arith.constant 1 : i32
          %sub3A_318 = arith.subi %div3A_297, %sub3A_317 : i32
          %select_n3A_319 = arith.select %and3A_316, %sub3A_318, %div3A_297 : i32
          %mul3A_320 = arith.constant 16 : i32
          %mul3A_321 = arith.muli %select_n3A_319, %mul3A_320 : i32
          %jit3A_322 = arith.constant 16 : i32
          %eq3A_323 = arith.constant 0 : i32
          %eq3A_324 = arith.cmpi eq, %jit3A_322, %eq3A_323 : i32
          %jit3A_325 = arith.constant 1 : i32
          %select_n3A_326 = arith.select %eq3A_324, %jit3A_325, %jit3A_322 : i32
          %rem3A_327 = arith.remsi %select_n3A_156, %select_n3A_326 : i32
          %ne3A_328 = arith.constant 0 : i32
          %ne3A_329 = arith.cmpi ne, %rem3A_327, %ne3A_328 : i32
          %lt3A_330 = arith.constant 0 : i32
          %lt3A_331 = arith.cmpi slt, %rem3A_327, %lt3A_330 : i32
          %lt3A_332 = arith.constant 0 : i32
          %lt3A_333 = arith.cmpi slt, %select_n3A_326, %lt3A_332 : i32
          %ne3A_334 = arith.xori %lt3A_331, %lt3A_333 : i1
          %and3A_335 = arith.andi %ne3A_334, %ne3A_329 : i1
          %add3A_336 = arith.addi %rem3A_327, %select_n3A_326 : i32
          %select_n3A_337 = arith.select %and3A_335, %add3A_336, %rem3A_327 : i32
          %eq3A_338 = vector.broadcast %select_n3A_337 : i32 to vector<16xi32>
          %eq3A_339 = arith.cmpi eq, %iota3A, %eq3A_338 : vector<16xi32>
          %get3A_340 = arith.index_cast %mul3A_321 : i32 to index
          %get3A_341 = tpu.vector_load %arg9[%get3A_340] {strides = array<i32>} : memref<8736xf32, #tpu.memory_space<vmem>>, vector<16xf32>,
          %jit3A_342 = arith.constant -3.000000e+00 : f32
          %broadcast_in_dim3A_343 = vector.broadcast %jit3A_342 : f32 to vector<16xf32>
          %select_n3A_344 = arith.select %eq3A_339, %broadcast_in_dim3A_343, %get3A_341 : vector<16xi1>, vector<16xf32>
          %swap3A_345 = arith.index_cast %mul3A_321 : i32 to index
          %swap3A_346 = tpu.vector_load %arg9[%swap3A_345] {strides = array<i32>} : memref<8736xf32, #tpu.memory_space<vmem>>, vector<16xf32>,
          tpu.vector_store %arg9[%swap3A_345], %select_n3A_344 {strides = array<i32>} : memref<8736xf32, #tpu.memory_space<vmem>>, vector<16xf32>,
        } else {
        }
        %and3A_235 = arith.andi %gt3A_227, %lt3A_229 : i1
        %convert_element_type3A_236 = arith.extui %and3A_235 : i1 to i32
        %cond3A_237 = arith.constant 0 : i32
        %cond3A_238 = arith.cmpi ne, %convert_element_type3A_236, %cond3A_237 : i32
        scf.if %cond3A_238 {
          %dma_start3A = arith.constant 0 : i32
          %dma_start3A_239 = tpu.memref_slice %arg2[%select_n3A_172, %dma_start3A] : memref<50x8736xf32, #tpu.memory_space<hbm>> -> memref<1x8736xf32, #tpu.memory_space<hbm>>
          %dma_start3A_240 = tpu.memref_squeeze %dma_start3A_239 : memref<1x8736xf32, #tpu.memory_space<hbm>> -> memref<8736xf32, #tpu.memory_space<hbm>>
          %dma_start3A_241 = arith.constant 0 : i32
          %dma_start3A_242 = tpu.memref_slice %arg2[%select_n3A_172, %dma_start3A_241] : memref<50x8736xf32, #tpu.memory_space<hbm>> -> memref<1x8736xf32, #tpu.memory_space<hbm>>
          %dma_start3A_243 = tpu.memref_squeeze %dma_start3A_242 : memref<1x8736xf32, #tpu.memory_space<hbm>> -> memref<8736xf32, #tpu.memory_space<hbm>>
          tpu.enqueue_dma source(%dma_start3A_243 : memref<8736xf32, #tpu.memory_space<hbm>>) target(%arg10 : memref<8736xf32, #tpu.memory_space<vmem>>) target_semaphore(%arg13 : memref<!tpu.dma_semaphore, #tpu.memory_space<semaphore_mem>>)
          %dma_wait3A = arith.constant 0 : i32
          %dma_wait3A_244 = tpu.memref_slice %arg2[%select_n3A_172, %dma_wait3A] : memref<50x8736xf32, #tpu.memory_space<hbm>> -> memref<1x8736xf32, #tpu.memory_space<hbm>>
          %dma_wait3A_245 = tpu.memref_squeeze %dma_wait3A_244 : memref<1x8736xf32, #tpu.memory_space<hbm>> -> memref<8736xf32, #tpu.memory_space<hbm>>
          %dma_wait3A_246 = arith.constant 0 : i32
          %dma_wait3A_247 = tpu.memref_slice %arg2[%select_n3A_172, %dma_wait3A_246] : memref<50x8736xf32, #tpu.memory_space<hbm>> -> memref<1x8736xf32, #tpu.memory_space<hbm>>
          %dma_wait3A_248 = tpu.memref_squeeze %dma_wait3A_247 : memref<1x8736xf32, #tpu.memory_space<hbm>> -> memref<8736xf32, #tpu.memory_space<hbm>>
          tpu.wait_dma2 semaphore(%arg13 : memref<!tpu.dma_semaphore, #tpu.memory_space<semaphore_mem>>) src(%dma_wait3A_248 : memref<8736xf32, #tpu.memory_space<hbm>>) dst(%arg10 : memref<8736xf32, #tpu.memory_space<vmem>>)
          %get3A_249 = arith.constant 0 : index
          %get3A_250 = tpu.vector_load %arg10[%get3A_249] {strides = array<i32>} : memref<8736xf32, #tpu.memory_space<vmem>>, vector<16xf32>,
          %get3A_251 = arith.constant 0 : index
          %get3A_252 = tpu.vector_load %arg9[%get3A_251] {strides = array<i32>} : memref<8736xf32, #tpu.memory_space<vmem>>, vector<16xf32>,
          %add3A_253 = arith.addf %get3A_250, %get3A_252 : vector<16xf32>
          %swap3A_254 = arith.constant 0 : index
          %swap3A_255 = tpu.vector_load %arg11[%swap3A_254] {strides = array<i32>} : memref<16xf32, #tpu.memory_space<vmem>>, vector<16xf32>,
          tpu.vector_store %arg11[%swap3A_254], %add3A_253 {strides = array<i32>} : memref<16xf32, #tpu.memory_space<vmem>>, vector<16xf32>,
          %swap3A_256 = arith.constant 0 : index
          %swap3A_257 = tpu.vector_load %arg12[%swap3A_256] {strides = array<i32>} : memref<16xi32, #tpu.memory_space<vmem>>, vector<16xi32>,
          tpu.vector_store %arg12[%swap3A_256], %iota3A {strides = array<i32>} : memref<16xi32, #tpu.memory_space<vmem>>, vector<16xi32>,
          %scan3A_258 = arith.constant 0 : i32
          %scan3A_259 = arith.constant 109 : i32
          %scan3A_260 = arith.addi %scan3A_258, %scan3A_259 : i32
          %scan3A_261 = arith.constant 1 : i32
          scf.for %scan3A_528 = %scan3A_258 to %scan3A_260 step %scan3A_261  : i32 {
            %mul3A_529 = arith.constant 1 : i32
            %mul3A_530 = arith.muli %scan3A_528, %mul3A_529 : i32
            %add3A_531 = arith.constant 0 : i32
            %add3A_532 = arith.addi %add3A_531, %mul3A_530 : i32
            %mul3A_533 = arith.constant 5 : i32
            %mul3A_534 = arith.muli %add3A_532, %mul3A_533 : i32
            %add3A_535 = arith.constant 1 : i32
            %add3A_536 = arith.addi %add3A_535, %mul3A_534 : i32
            %add3A_537 = arith.constant 0 : i32
            %add3A_538 = arith.addi %add3A_536, %add3A_537 : i32
            %mul3A_539 = arith.constant 16 : i32
            %mul3A_540 = arith.muli %add3A_538, %mul3A_539 : i32
            %get3A_541 = arith.index_cast %mul3A_540 : i32 to index
            %get3A_542 = tpu.vector_load %arg10[%get3A_541] {strides = array<i32>} : memref<8736xf32, #tpu.memory_space<vmem>>, vector<16xf32>,
            %mul3A_543 = arith.constant 16 : i32
            %mul3A_544 = arith.muli %add3A_538, %mul3A_543 : i32
            %get3A_545 = arith.index_cast %mul3A_544 : i32 to index
            %get3A_546 = tpu.vector_load %arg9[%get3A_545] {strides = array<i32>} : memref<8736xf32, #tpu.memory_space<vmem>>, vector<16xf32>,
            %add3A_547 = arith.addf %get3A_542, %get3A_546 : vector<16xf32>
            %get3A_548 = arith.constant 0 : index
            %get3A_549 = tpu.vector_load %arg11[%get3A_548] {strides = array<i32>} : memref<16xf32, #tpu.memory_space<vmem>>, vector<16xf32>,
            %gt3A_550 = arith.cmpf ogt, %add3A_547, %get3A_549 : vector<16xf32>
            %select_n3A_551 = arith.select %gt3A_550, %add3A_547, %get3A_549 : vector<16xi1>, vector<16xf32>
            %swap3A_552 = arith.constant 0 : index
            %swap3A_553 = tpu.vector_load %arg11[%swap3A_552] {strides = array<i32>} : memref<16xf32, #tpu.memory_space<vmem>>, vector<16xf32>,
            tpu.vector_store %arg11[%swap3A_552], %select_n3A_551 {strides = array<i32>} : memref<16xf32, #tpu.memory_space<vmem>>, vector<16xf32>,
            %mul3A_554 = arith.constant 16 : i32
            %mul3A_555 = arith.muli %add3A_538, %mul3A_554 : i32
            %add3A_556 = vector.broadcast %mul3A_555 : i32 to vector<16xi32>
            %add3A_557 = arith.addi %iota3A, %add3A_556 : vector<16xi32>
            %get3A_558 = arith.constant 0 : index
            %get3A_559 = tpu.vector_load %arg12[%get3A_558] {strides = array<i32>} : memref<16xi32, #tpu.memory_space<vmem>>, vector<16xi32>,
            %select_n3A_560 = arith.select %gt3A_550, %add3A_557, %get3A_559 : vector<16xi1>, vector<16xi32>
            %swap3A_561 = arith.constant 0 : index
            %swap3A_562 = tpu.vector_load %arg12[%swap3A_561] {strides = array<i32>} : memref<16xi32, #tpu.memory_space<vmem>>, vector<16xi32>,
            tpu.vector_store %arg12[%swap3A_561], %select_n3A_560 {strides = array<i32>} : memref<16xi32, #tpu.memory_space<vmem>>, vector<16xi32>,
            %mul3A_563 = arith.constant 5 : i32
            %mul3A_564 = arith.muli %add3A_532, %mul3A_563 : i32
            %add3A_565 = arith.constant 1 : i32
            %add3A_566 = arith.addi %add3A_565, %mul3A_564 : i32
            %add3A_567 = arith.constant 1 : i32
            %add3A_568 = arith.addi %add3A_566, %add3A_567 : i32
            %mul3A_569 = arith.constant 16 : i32
            %mul3A_570 = arith.muli %add3A_568, %mul3A_569 : i32
            %get3A_571 = arith.index_cast %mul3A_570 : i32 to index
            %get3A_572 = tpu.vector_load %arg10[%get3A_571] {strides = array<i32>} : memref<8736xf32, #tpu.memory_space<vmem>>, vector<16xf32>,
            %mul3A_573 = arith.constant 16 : i32
            %mul3A_574 = arith.muli %add3A_568, %mul3A_573 : i32
            %get3A_575 = arith.index_cast %mul3A_574 : i32 to index
            %get3A_576 = tpu.vector_load %arg9[%get3A_575] {strides = array<i32>} : memref<8736xf32, #tpu.memory_space<vmem>>, vector<16xf32>,
            %add3A_577 = arith.addf %get3A_572, %get3A_576 : vector<16xf32>
            %get3A_578 = arith.constant 0 : index
            %get3A_579 = tpu.vector_load %arg11[%get3A_578] {strides = array<i32>} : memref<16xf32, #tpu.memory_space<vmem>>, vector<16xf32>,
            %gt3A_580 = arith.cmpf ogt, %add3A_577, %get3A_579 : vector<16xf32>
            %select_n3A_581 = arith.select %gt3A_580, %add3A_577, %get3A_579 : vector<16xi1>, vector<16xf32>
            %swap3A_582 = arith.constant 0 : index
            %swap3A_583 = tpu.vector_load %arg11[%swap3A_582] {strides = array<i32>} : memref<16xf32, #tpu.memory_space<vmem>>, vector<16xf32>,
            tpu.vector_store %arg11[%swap3A_582], %select_n3A_581 {strides = array<i32>} : memref<16xf32, #tpu.memory_space<vmem>>, vector<16xf32>,
            %mul3A_584 = arith.constant 16 : i32
            %mul3A_585 = arith.muli %add3A_568, %mul3A_584 : i32
            %add3A_586 = vector.broadcast %mul3A_585 : i32 to vector<16xi32>
            %add3A_587 = arith.addi %iota3A, %add3A_586 : vector<16xi32>
            %get3A_588 = arith.constant 0 : index
            %get3A_589 = tpu.vector_load %arg12[%get3A_588] {strides = array<i32>} : memref<16xi32, #tpu.memory_space<vmem>>, vector<16xi32>,
            %select_n3A_590 = arith.select %gt3A_580, %add3A_587, %get3A_589 : vector<16xi1>, vector<16xi32>
            %swap3A_591 = arith.constant 0 : index
            %swap3A_592 = tpu.vector_load %arg12[%swap3A_591] {strides = array<i32>} : memref<16xi32, #tpu.memory_space<vmem>>, vector<16xi32>,
            tpu.vector_store %arg12[%swap3A_591], %select_n3A_590 {strides = array<i32>} : memref<16xi32, #tpu.memory_space<vmem>>, vector<16xi32>,
            %mul3A_593 = arith.constant 5 : i32
            %mul3A_594 = arith.muli %add3A_532, %mul3A_593 : i32
            %add3A_595 = arith.constant 1 : i32
            %add3A_596 = arith.addi %add3A_595, %mul3A_594 : i32
            %add3A_597 = arith.constant 2 : i32
            %add3A_598 = arith.addi %add3A_596, %add3A_597 : i32
            %mul3A_599 = arith.constant 16 : i32
            %mul3A_600 = arith.muli %add3A_598, %mul3A_599 : i32
            %get3A_601 = arith.index_cast %mul3A_600 : i32 to index
            %get3A_602 = tpu.vector_load %arg10[%get3A_601] {strides = array<i32>} : memref<8736xf32, #tpu.memory_space<vmem>>, vector<16xf32>,
            %mul3A_603 = arith.constant 16 : i32
            %mul3A_604 = arith.muli %add3A_598, %mul3A_603 : i32
            %get3A_605 = arith.index_cast %mul3A_604 : i32 to index
            %get3A_606 = tpu.vector_load %arg9[%get3A_605] {strides = array<i32>} : memref<8736xf32, #tpu.memory_space<vmem>>, vector<16xf32>,
            %add3A_607 = arith.addf %get3A_602, %get3A_606 : vector<16xf32>
            %get3A_608 = arith.constant 0 : index
            %get3A_609 = tpu.vector_load %arg11[%get3A_608] {strides = array<i32>} : memref<16xf32, #tpu.memory_space<vmem>>, vector<16xf32>,
            %gt3A_610 = arith.cmpf ogt, %add3A_607, %get3A_609 : vector<16xf32>
            %select_n3A_611 = arith.select %gt3A_610, %add3A_607, %get3A_609 : vector<16xi1>, vector<16xf32>
            %swap3A_612 = arith.constant 0 : index
            %swap3A_613 = tpu.vector_load %arg11[%swap3A_612] {strides = array<i32>} : memref<16xf32, #tpu.memory_space<vmem>>, vector<16xf32>,
            tpu.vector_store %arg11[%swap3A_612], %select_n3A_611 {strides = array<i32>} : memref<16xf32, #tpu.memory_space<vmem>>, vector<16xf32>,
            %mul3A_614 = arith.constant 16 : i32
            %mul3A_615 = arith.muli %add3A_598, %mul3A_614 : i32
            %add3A_616 = vector.broadcast %mul3A_615 : i32 to vector<16xi32>
            %add3A_617 = arith.addi %iota3A, %add3A_616 : vector<16xi32>
            %get3A_618 = arith.constant 0 : index
            %get3A_619 = tpu.vector_load %arg12[%get3A_618] {strides = array<i32>} : memref<16xi32, #tpu.memory_space<vmem>>, vector<16xi32>,
            %select_n3A_620 = arith.select %gt3A_610, %add3A_617, %get3A_619 : vector<16xi1>, vector<16xi32>
            %swap3A_621 = arith.constant 0 : index
            %swap3A_622 = tpu.vector_load %arg12[%swap3A_621] {strides = array<i32>} : memref<16xi32, #tpu.memory_space<vmem>>, vector<16xi32>,
            tpu.vector_store %arg12[%swap3A_621], %select_n3A_620 {strides = array<i32>} : memref<16xi32, #tpu.memory_space<vmem>>, vector<16xi32>,
            %mul3A_623 = arith.constant 5 : i32
            %mul3A_624 = arith.muli %add3A_532, %mul3A_623 : i32
            %add3A_625 = arith.constant 1 : i32
            %add3A_626 = arith.addi %add3A_625, %mul3A_624 : i32
            %add3A_627 = arith.constant 3 : i32
            %add3A_628 = arith.addi %add3A_626, %add3A_627 : i32
            %mul3A_629 = arith.constant 16 : i32
            %mul3A_630 = arith.muli %add3A_628, %mul3A_629 : i32
            %get3A_631 = arith.index_cast %mul3A_630 : i32 to index
            %get3A_632 = tpu.vector_load %arg10[%get3A_631] {strides = array<i32>} : memref<8736xf32, #tpu.memory_space<vmem>>, vector<16xf32>,
            %mul3A_633 = arith.constant 16 : i32
            %mul3A_634 = arith.muli %add3A_628, %mul3A_633 : i32
            %get3A_635 = arith.index_cast %mul3A_634 : i32 to index
            %get3A_636 = tpu.vector_load %arg9[%get3A_635] {strides = array<i32>} : memref<8736xf32, #tpu.memory_space<vmem>>, vector<16xf32>,
            %add3A_637 = arith.addf %get3A_632, %get3A_636 : vector<16xf32>
            %get3A_638 = arith.constant 0 : index
            %get3A_639 = tpu.vector_load %arg11[%get3A_638] {strides = array<i32>} : memref<16xf32, #tpu.memory_space<vmem>>, vector<16xf32>,
            %gt3A_640 = arith.cmpf ogt, %add3A_637, %get3A_639 : vector<16xf32>
            %select_n3A_641 = arith.select %gt3A_640, %add3A_637, %get3A_639 : vector<16xi1>, vector<16xf32>
            %swap3A_642 = arith.constant 0 : index
            %swap3A_643 = tpu.vector_load %arg11[%swap3A_642] {strides = array<i32>} : memref<16xf32, #tpu.memory_space<vmem>>, vector<16xf32>,
            tpu.vector_store %arg11[%swap3A_642], %select_n3A_641 {strides = array<i32>} : memref<16xf32, #tpu.memory_space<vmem>>, vector<16xf32>,
            %mul3A_644 = arith.constant 16 : i32
            %mul3A_645 = arith.muli %add3A_628, %mul3A_644 : i32
            %add3A_646 = vector.broadcast %mul3A_645 : i32 to vector<16xi32>
            %add3A_647 = arith.addi %iota3A, %add3A_646 : vector<16xi32>
            %get3A_648 = arith.constant 0 : index
            %get3A_649 = tpu.vector_load %arg12[%get3A_648] {strides = array<i32>} : memref<16xi32, #tpu.memory_space<vmem>>, vector<16xi32>,
            %select_n3A_650 = arith.select %gt3A_640, %add3A_647, %get3A_649 : vector<16xi1>, vector<16xi32>
            %swap3A_651 = arith.constant 0 : index
            %swap3A_652 = tpu.vector_load %arg12[%swap3A_651] {strides = array<i32>} : memref<16xi32, #tpu.memory_space<vmem>>, vector<16xi32>,
            tpu.vector_store %arg12[%swap3A_651], %select_n3A_650 {strides = array<i32>} : memref<16xi32, #tpu.memory_space<vmem>>, vector<16xi32>,
            %mul3A_653 = arith.constant 5 : i32
            %mul3A_654 = arith.muli %add3A_532, %mul3A_653 : i32
            %add3A_655 = arith.constant 1 : i32
            %add3A_656 = arith.addi %add3A_655, %mul3A_654 : i32
            %add3A_657 = arith.constant 4 : i32
            %add3A_658 = arith.addi %add3A_656, %add3A_657 : i32
            %mul3A_659 = arith.constant 16 : i32
            %mul3A_660 = arith.muli %add3A_658, %mul3A_659 : i32
            %get3A_661 = arith.index_cast %mul3A_660 : i32 to index
            %get3A_662 = tpu.vector_load %arg10[%get3A_661] {strides = array<i32>} : memref<8736xf32, #tpu.memory_space<vmem>>, vector<16xf32>,
            %mul3A_663 = arith.constant 16 : i32
            %mul3A_664 = arith.muli %add3A_658, %mul3A_663 : i32
            %get3A_665 = arith.index_cast %mul3A_664 : i32 to index
            %get3A_666 = tpu.vector_load %arg9[%get3A_665] {strides = array<i32>} : memref<8736xf32, #tpu.memory_space<vmem>>, vector<16xf32>,
            %add3A_667 = arith.addf %get3A_662, %get3A_666 : vector<16xf32>
            %get3A_668 = arith.constant 0 : index
            %get3A_669 = tpu.vector_load %arg11[%get3A_668] {strides = array<i32>} : memref<16xf32, #tpu.memory_space<vmem>>, vector<16xf32>,
            %gt3A_670 = arith.cmpf ogt, %add3A_667, %get3A_669 : vector<16xf32>
            %select_n3A_671 = arith.select %gt3A_670, %add3A_667, %get3A_669 : vector<16xi1>, vector<16xf32>
            %swap3A_672 = arith.constant 0 : index
            %swap3A_673 = tpu.vector_load %arg11[%swap3A_672] {strides = array<i32>} : memref<16xf32, #tpu.memory_space<vmem>>, vector<16xf32>,
            tpu.vector_store %arg11[%swap3A_672], %select_n3A_671 {strides = array<i32>} : memref<16xf32, #tpu.memory_space<vmem>>, vector<16xf32>,
            %mul3A_674 = arith.constant 16 : i32
            %mul3A_675 = arith.muli %add3A_658, %mul3A_674 : i32
            %add3A_676 = vector.broadcast %mul3A_675 : i32 to vector<16xi32>
            %add3A_677 = arith.addi %iota3A, %add3A_676 : vector<16xi32>
            %get3A_678 = arith.constant 0 : index
            %get3A_679 = tpu.vector_load %arg12[%get3A_678] {strides = array<i32>} : memref<16xi32, #tpu.memory_space<vmem>>, vector<16xi32>,
            %select_n3A_680 = arith.select %gt3A_670, %add3A_677, %get3A_679 : vector<16xi1>, vector<16xi32>
            %swap3A_681 = arith.constant 0 : index
            %swap3A_682 = tpu.vector_load %arg12[%swap3A_681] {strides = array<i32>} : memref<16xi32, #tpu.memory_space<vmem>>, vector<16xi32>,
            tpu.vector_store %arg12[%swap3A_681], %select_n3A_680 {strides = array<i32>} : memref<16xi32, #tpu.memory_space<vmem>>, vector<16xi32>,
          }
          %scan3A_262 = arith.constant 109 : i32
          %get3A_263 = arith.constant 0 : index
          %get3A_264 = tpu.vector_load %arg11[%get3A_263] {strides = array<i32>} : memref<16xf32, #tpu.memory_space<vmem>>, vector<16xf32>,
          %reduce_max3A_265 = arith.constant true
          %reduce_max3A_266 = vector.broadcast %reduce_max3A_265 : i1 to vector<16xi1>
          %reduce_max3A_267 = tpu.scan <max>, %get3A_264 masked %reduce_max3A_266 : vector<16xf32>, vector<16xi1> -> vector<16xf32>
          %reduce_max3A_268 = vector.extract %reduce_max3A_267[15] : f32 from vector<16xf32>
          %get3A_269 = arith.constant 0 : index
          %get3A_270 = tpu.vector_load %arg11[%get3A_269] {strides = array<i32>} : memref<16xf32, #tpu.memory_space<vmem>>, vector<16xf32>,
          %eq3A_271 = vector.broadcast %reduce_max3A_268 : f32 to vector<16xf32>
          %eq3A_272 = arith.cmpf oeq, %get3A_270, %eq3A_271 : vector<16xf32>
          %get3A_273 = arith.constant 0 : index
          %get3A_274 = tpu.vector_load %arg12[%get3A_273] {strides = array<i32>} : memref<16xi32, #tpu.memory_space<vmem>>, vector<16xi32>,
          %jit3A_275 = arith.constant 1073741824 : i32
          %broadcast_in_dim3A_276 = vector.broadcast %jit3A_275 : i32 to vector<16xi32>
          %select_n3A_277 = arith.select %eq3A_272, %get3A_274, %broadcast_in_dim3A_276 : vector<16xi1>, vector<16xi32>
          %reduce_min3A_278 = arith.constant true
          %reduce_min3A_279 = vector.broadcast %reduce_min3A_278 : i1 to vector<16xi1>
          %reduce_min3A_280 = arith.constant -2147483648 : i32
          %reduce_min3A_281 = vector.broadcast %reduce_min3A_280 : i32 to vector<16xi32>
          %reduce_min3A_282 = arith.xori %select_n3A_277, %reduce_min3A_281 : vector<16xi32>
          %reduce_min3A_283 = tpu.scan <min>, %reduce_min3A_282 masked %reduce_min3A_279 : vector<16xi32>, vector<16xi1> -> vector<16xi32>
          %reduce_min3A_284 = arith.xori %reduce_min3A_283, %reduce_min3A_281 : vector<16xi32>
          %reduce_min3A_285 = vector.extract %reduce_min3A_284[15] : i32 from vector<16xi32>
          %jit3A_286 = arith.constant 16 : i32
          %div3A_287 = arith.divsi %select_n3A_172, %jit3A_286 : i32
          %sign3A_288 = arith.constant 0 : i32
          %sign3A_289 = arith.cmpi sgt, %select_n3A_172, %sign3A_288 : i32
          %sign3A_290 = arith.extui %sign3A_289 : i1 to i32
          %sign3A_291 = arith.constant 0 : i32
          %sign3A_292 = arith.cmpi slt, %select_n3A_172, %sign3A_291 : i32
          %sign3A_293 = arith.extui %sign3A_292 : i1 to i32
          %sign3A_294 = arith.subi %sign3A_290, %sign3A_293 : i32
          %sign3A_295 = arith.constant 0 : i32
          %sign3A_296 = arith.cmpi sgt, %jit3A_286, %sign3A_295 : i32
          %sign3A_297 = arith.extui %sign3A_296 : i1 to i32
          %sign3A_298 = arith.constant 0 : i32
          %sign3A_299 = arith.cmpi slt, %jit3A_286, %sign3A_298 : i32
          %sign3A_300 = arith.extui %sign3A_299 : i1 to i32
          %sign3A_301 = arith.subi %sign3A_297, %sign3A_300 : i32
          %ne3A_302 = arith.cmpi ne, %sign3A_294, %sign3A_301 : i32
          %rem3A_303 = arith.remsi %select_n3A_172, %jit3A_286 : i32
          %ne3A_304 = arith.constant 0 : i32
          %ne3A_305 = arith.cmpi ne, %rem3A_303, %ne3A_304 : i32
          %and3A_306 = arith.andi %ne3A_302, %ne3A_305 : i1
          %sub3A_307 = arith.constant 1 : i32
          %sub3A_308 = arith.subi %div3A_287, %sub3A_307 : i32
          %select_n3A_309 = arith.select %and3A_306, %sub3A_308, %div3A_287 : i32
          %mul3A_310 = arith.constant 16 : i32
          %mul3A_311 = arith.muli %select_n3A_309, %mul3A_310 : i32
          %jit3A_312 = arith.constant 16 : i32
          %eq3A_313 = arith.constant 0 : i32
          %eq3A_314 = arith.cmpi eq, %jit3A_312, %eq3A_313 : i32
          %jit3A_315 = arith.constant 1 : i32
          %select_n3A_316 = arith.select %eq3A_314, %jit3A_315, %jit3A_312 : i32
          %rem3A_317 = arith.remsi %select_n3A_172, %select_n3A_316 : i32
          %ne3A_318 = arith.constant 0 : i32
          %ne3A_319 = arith.cmpi ne, %rem3A_317, %ne3A_318 : i32
          %lt3A_320 = arith.constant 0 : i32
          %lt3A_321 = arith.cmpi slt, %rem3A_317, %lt3A_320 : i32
          %lt3A_322 = arith.constant 0 : i32
          %lt3A_323 = arith.cmpi slt, %select_n3A_316, %lt3A_322 : i32
          %ne3A_324 = arith.xori %lt3A_321, %lt3A_323 : i1
          %and3A_325 = arith.andi %ne3A_324, %ne3A_319 : i1
          %add3A_326 = arith.addi %rem3A_317, %select_n3A_316 : i32
          %select_n3A_327 = arith.select %and3A_325, %add3A_326, %rem3A_317 : i32
          %eq3A_328 = vector.broadcast %select_n3A_327 : i32 to vector<16xi32>
          %eq3A_329 = arith.cmpi eq, %iota3A, %eq3A_328 : vector<16xi32>
          %get3A_330 = arith.index_cast %mul3A_311 : i32 to index
          %get3A_331 = tpu.vector_load %arg6[%get3A_330] {strides = array<i32>} : memref<64xf32, #tpu.memory_space<vmem>>, vector<16xf32>,
          %broadcast_in_dim3A_332 = vector.broadcast %reduce_max3A_268 : f32 to vector<16xf32>
          %select_n3A_333 = arith.select %eq3A_329, %broadcast_in_dim3A_332, %get3A_331 : vector<16xi1>, vector<16xf32>
          %swap3A_334 = arith.index_cast %mul3A_311 : i32 to index
          %swap3A_335 = tpu.vector_load %arg6[%swap3A_334] {strides = array<i32>} : memref<64xf32, #tpu.memory_space<vmem>>, vector<16xf32>,
          tpu.vector_store %arg6[%swap3A_334], %select_n3A_333 {strides = array<i32>} : memref<64xf32, #tpu.memory_space<vmem>>, vector<16xf32>,
          %get3A_336 = arith.index_cast %mul3A_311 : i32 to index
          %get3A_337 = tpu.vector_load %arg7[%get3A_336] {strides = array<i32>} : memref<64xi32, #tpu.memory_space<vmem>>, vector<16xi32>,
          %broadcast_in_dim3A_338 = vector.broadcast %reduce_min3A_285 : i32 to vector<16xi32>
          %select_n3A_339 = arith.select %eq3A_329, %broadcast_in_dim3A_338, %get3A_337 : vector<16xi1>, vector<16xi32>
          %swap3A_340 = arith.index_cast %mul3A_311 : i32 to index
          %swap3A_341 = tpu.vector_load %arg7[%swap3A_340] {strides = array<i32>} : memref<64xi32, #tpu.memory_space<vmem>>, vector<16xi32>,
          tpu.vector_store %arg7[%swap3A_340], %select_n3A_339 {strides = array<i32>} : memref<64xi32, #tpu.memory_space<vmem>>, vector<16xi32>,
          %get3A_342 = arith.constant 0 : index
          %get3A_343 = tpu.vector_load %arg6[%get3A_342] {strides = array<i32>} : memref<64xf32, #tpu.memory_space<vmem>>, vector<16xf32>,
          %get3A_344 = arith.constant 0 : index
          %get3A_345 = tpu.vector_load %arg7[%get3A_344] {strides = array<i32>} : memref<64xi32, #tpu.memory_space<vmem>>, vector<16xi32>,
          %mul3A_346 = arith.constant 64 : i32
          %mul3A_347 = vector.broadcast %mul3A_346 : i32 to vector<16xi32>
          %mul3A_348 = arith.muli %get3A_345, %mul3A_347 : vector<16xi32>
          %add3A_349 = arith.addi %mul3A_348, %iota3A : vector<16xi32>
          %get3A_350 = arith.constant 16 : index
          %get3A_351 = tpu.vector_load %arg6[%get3A_350] {strides = array<i32>} : memref<64xf32, #tpu.memory_space<vmem>>, vector<16xf32>,
          %get3A_352 = arith.constant 16 : index
          %get3A_353 = tpu.vector_load %arg7[%get3A_352] {strides = array<i32>} : memref<64xi32, #tpu.memory_space<vmem>>, vector<16xi32>,
          %mul3A_354 = arith.constant 64 : i32
          %mul3A_355 = vector.broadcast %mul3A_354 : i32 to vector<16xi32>
          %mul3A_356 = arith.muli %get3A_353, %mul3A_355 : vector<16xi32>
          %add3A_357 = arith.constant 16 : i32
          %add3A_358 = vector.broadcast %add3A_357 : i32 to vector<16xi32>
          %add3A_359 = arith.addi %iota3A, %add3A_358 : vector<16xi32>
          %add3A_360 = arith.addi %mul3A_356, %add3A_359 : vector<16xi32>
          %gt3A_361 = arith.cmpf ogt, %get3A_351, %get3A_343 : vector<16xf32>
          %eq3A_362 = arith.cmpf oeq, %get3A_351, %get3A_343 : vector<16xf32>
          %lt3A_363 = arith.cmpi slt, %add3A_360, %add3A_349 : vector<16xi32>
          %and3A_364 = arith.andi %eq3A_362, %lt3A_363 : vector<16xi1>
          %or3A_365 = arith.ori %gt3A_361, %and3A_364 : vector<16xi1>
          %select_n3A_366 = arith.select %or3A_365, %get3A_351, %get3A_343 : vector<16xi1>, vector<16xf32>
          %select_n3A_367 = arith.select %or3A_365, %add3A_360, %add3A_349 : vector<16xi1>, vector<16xi32>
          %get3A_368 = arith.constant 32 : index
          %get3A_369 = tpu.vector_load %arg6[%get3A_368] {strides = array<i32>} : memref<64xf32, #tpu.memory_space<vmem>>, vector<16xf32>,
          %get3A_370 = arith.constant 32 : index
          %get3A_371 = tpu.vector_load %arg7[%get3A_370] {strides = array<i32>} : memref<64xi32, #tpu.memory_space<vmem>>, vector<16xi32>,
          %mul3A_372 = arith.constant 64 : i32
          %mul3A_373 = vector.broadcast %mul3A_372 : i32 to vector<16xi32>
          %mul3A_374 = arith.muli %get3A_371, %mul3A_373 : vector<16xi32>
          %add3A_375 = arith.constant 32 : i32
          %add3A_376 = vector.broadcast %add3A_375 : i32 to vector<16xi32>
          %add3A_377 = arith.addi %iota3A, %add3A_376 : vector<16xi32>
          %add3A_378 = arith.addi %mul3A_374, %add3A_377 : vector<16xi32>
          %gt3A_379 = arith.cmpf ogt, %get3A_369, %select_n3A_366 : vector<16xf32>
          %eq3A_380 = arith.cmpf oeq, %get3A_369, %select_n3A_366 : vector<16xf32>
          %lt3A_381 = arith.cmpi slt, %add3A_378, %select_n3A_367 : vector<16xi32>
          %and3A_382 = arith.andi %eq3A_380, %lt3A_381 : vector<16xi1>
          %or3A_383 = arith.ori %gt3A_379, %and3A_382 : vector<16xi1>
          %select_n3A_384 = arith.select %or3A_383, %get3A_369, %select_n3A_366 : vector<16xi1>, vector<16xf32>
          %select_n3A_385 = arith.select %or3A_383, %add3A_378, %select_n3A_367 : vector<16xi1>, vector<16xi32>
          %get3A_386 = arith.constant 48 : index
          %get3A_387 = tpu.vector_load %arg6[%get3A_386] {strides = array<i32>} : memref<64xf32, #tpu.memory_space<vmem>>, vector<16xf32>,
          %get3A_388 = arith.constant 48 : index
          %get3A_389 = tpu.vector_load %arg7[%get3A_388] {strides = array<i32>} : memref<64xi32, #tpu.memory_space<vmem>>, vector<16xi32>,
          %mul3A_390 = arith.constant 64 : i32
          %mul3A_391 = vector.broadcast %mul3A_390 : i32 to vector<16xi32>
          %mul3A_392 = arith.muli %get3A_389, %mul3A_391 : vector<16xi32>
          %add3A_393 = arith.constant 48 : i32
          %add3A_394 = vector.broadcast %add3A_393 : i32 to vector<16xi32>
          %add3A_395 = arith.addi %iota3A, %add3A_394 : vector<16xi32>
          %add3A_396 = arith.addi %mul3A_392, %add3A_395 : vector<16xi32>
          %gt3A_397 = arith.cmpf ogt, %get3A_387, %select_n3A_384 : vector<16xf32>
          %eq3A_398 = arith.cmpf oeq, %get3A_387, %select_n3A_384 : vector<16xf32>
          %lt3A_399 = arith.cmpi slt, %add3A_396, %select_n3A_385 : vector<16xi32>
          %and3A_400 = arith.andi %eq3A_398, %lt3A_399 : vector<16xi1>
          %or3A_401 = arith.ori %gt3A_397, %and3A_400 : vector<16xi1>
          %select_n3A_402 = arith.select %or3A_401, %get3A_387, %select_n3A_384 : vector<16xi1>, vector<16xf32>
          %select_n3A_403 = arith.select %or3A_401, %add3A_396, %select_n3A_385 : vector<16xi1>, vector<16xi32>
          %reduce_max3A_404 = arith.constant true
          %reduce_max3A_405 = vector.broadcast %reduce_max3A_404 : i1 to vector<16xi1>
          %reduce_max3A_406 = tpu.scan <max>, %select_n3A_402 masked %reduce_max3A_405 : vector<16xf32>, vector<16xi1> -> vector<16xf32>
          %reduce_max3A_407 = vector.extract %reduce_max3A_406[15] : f32 from vector<16xf32>
          %eq3A_408 = vector.broadcast %reduce_max3A_407 : f32 to vector<16xf32>
          %eq3A_409 = arith.cmpf oeq, %select_n3A_402, %eq3A_408 : vector<16xf32>
          %jit3A_410 = arith.constant 1073741824 : i32
          %broadcast_in_dim3A_411 = vector.broadcast %jit3A_410 : i32 to vector<16xi32>
          %select_n3A_412 = arith.select %eq3A_409, %select_n3A_403, %broadcast_in_dim3A_411 : vector<16xi1>, vector<16xi32>
          %reduce_min3A_413 = arith.constant true
          %reduce_min3A_414 = vector.broadcast %reduce_min3A_413 : i1 to vector<16xi1>
          %reduce_min3A_415 = arith.constant -2147483648 : i32
          %reduce_min3A_416 = vector.broadcast %reduce_min3A_415 : i32 to vector<16xi32>
          %reduce_min3A_417 = arith.xori %select_n3A_412, %reduce_min3A_416 : vector<16xi32>
          %reduce_min3A_418 = tpu.scan <min>, %reduce_min3A_417 masked %reduce_min3A_414 : vector<16xi32>, vector<16xi1> -> vector<16xi32>
          %reduce_min3A_419 = arith.xori %reduce_min3A_418, %reduce_min3A_416 : vector<16xi32>
          %reduce_min3A_420 = vector.extract %reduce_min3A_419[15] : i32 from vector<16xi32>
          %jit3A_421 = arith.constant 64 : i32
          %div3A_422 = arith.divsi %reduce_min3A_420, %jit3A_421 : i32
          %sign3A_423 = arith.constant 0 : i32
          %sign3A_424 = arith.cmpi sgt, %reduce_min3A_420, %sign3A_423 : i32
          %sign3A_425 = arith.extui %sign3A_424 : i1 to i32
          %sign3A_426 = arith.constant 0 : i32
          %sign3A_427 = arith.cmpi slt, %reduce_min3A_420, %sign3A_426 : i32
          %sign3A_428 = arith.extui %sign3A_427 : i1 to i32
          %sign3A_429 = arith.subi %sign3A_425, %sign3A_428 : i32
          %sign3A_430 = arith.constant 0 : i32
          %sign3A_431 = arith.cmpi sgt, %jit3A_421, %sign3A_430 : i32
          %sign3A_432 = arith.extui %sign3A_431 : i1 to i32
          %sign3A_433 = arith.constant 0 : i32
          %sign3A_434 = arith.cmpi slt, %jit3A_421, %sign3A_433 : i32
          %sign3A_435 = arith.extui %sign3A_434 : i1 to i32
          %sign3A_436 = arith.subi %sign3A_432, %sign3A_435 : i32
          %ne3A_437 = arith.cmpi ne, %sign3A_429, %sign3A_436 : i32
          %rem3A_438 = arith.remsi %reduce_min3A_420, %jit3A_421 : i32
          %ne3A_439 = arith.constant 0 : i32
          %ne3A_440 = arith.cmpi ne, %rem3A_438, %ne3A_439 : i32
          %and3A_441 = arith.andi %ne3A_437, %ne3A_440 : i1
          %sub3A_442 = arith.constant 1 : i32
          %sub3A_443 = arith.subi %div3A_422, %sub3A_442 : i32
          %select_n3A_444 = arith.select %and3A_441, %sub3A_443, %div3A_422 : i32
          %jit3A_445 = arith.constant 64 : i32
          %eq3A_446 = arith.constant 0 : i32
          %eq3A_447 = arith.cmpi eq, %jit3A_445, %eq3A_446 : i32
          %jit3A_448 = arith.constant 1 : i32
          %select_n3A_449 = arith.select %eq3A_447, %jit3A_448, %jit3A_445 : i32
          %rem3A_450 = arith.remsi %reduce_min3A_420, %select_n3A_449 : i32
          %ne3A_451 = arith.constant 0 : i32
          %ne3A_452 = arith.cmpi ne, %rem3A_450, %ne3A_451 : i32
          %lt3A_453 = arith.constant 0 : i32
          %lt3A_454 = arith.cmpi slt, %rem3A_450, %lt3A_453 : i32
          %lt3A_455 = arith.constant 0 : i32
          %lt3A_456 = arith.cmpi slt, %select_n3A_449, %lt3A_455 : i32
          %ne3A_457 = arith.xori %lt3A_454, %lt3A_456 : i1
          %and3A_458 = arith.andi %ne3A_457, %ne3A_452 : i1
          %add3A_459 = arith.addi %rem3A_450, %select_n3A_449 : i32
          %select_n3A_460 = arith.select %and3A_458, %add3A_459, %rem3A_450 : i32
          %jit3A_461 = arith.constant 16 : i32
          %div3A_462 = arith.divsi %select_n3A_444, %jit3A_461 : i32
          %sign3A_463 = arith.constant 0 : i32
          %sign3A_464 = arith.cmpi sgt, %select_n3A_444, %sign3A_463 : i32
          %sign3A_465 = arith.extui %sign3A_464 : i1 to i32
          %sign3A_466 = arith.constant 0 : i32
          %sign3A_467 = arith.cmpi slt, %select_n3A_444, %sign3A_466 : i32
          %sign3A_468 = arith.extui %sign3A_467 : i1 to i32
          %sign3A_469 = arith.subi %sign3A_465, %sign3A_468 : i32
          %sign3A_470 = arith.constant 0 : i32
          %sign3A_471 = arith.cmpi sgt, %jit3A_461, %sign3A_470 : i32
          %sign3A_472 = arith.extui %sign3A_471 : i1 to i32
          %sign3A_473 = arith.constant 0 : i32
          %sign3A_474 = arith.cmpi slt, %jit3A_461, %sign3A_473 : i32
          %sign3A_475 = arith.extui %sign3A_474 : i1 to i32
          %sign3A_476 = arith.subi %sign3A_472, %sign3A_475 : i32
          %ne3A_477 = arith.cmpi ne, %sign3A_469, %sign3A_476 : i32
          %rem3A_478 = arith.remsi %select_n3A_444, %jit3A_461 : i32
          %ne3A_479 = arith.constant 0 : i32
          %ne3A_480 = arith.cmpi ne, %rem3A_478, %ne3A_479 : i32
          %and3A_481 = arith.andi %ne3A_477, %ne3A_480 : i1
          %sub3A_482 = arith.constant 1 : i32
          %sub3A_483 = arith.subi %div3A_462, %sub3A_482 : i32
          %select_n3A_484 = arith.select %and3A_481, %sub3A_483, %div3A_462 : i32
          %mul3A_485 = arith.constant 16 : i32
          %mul3A_486 = arith.muli %select_n3A_484, %mul3A_485 : i32
          %jit3A_487 = arith.constant 16 : i32
          %eq3A_488 = arith.constant 0 : i32
          %eq3A_489 = arith.cmpi eq, %jit3A_487, %eq3A_488 : i32
          %jit3A_490 = arith.constant 1 : i32
          %select_n3A_491 = arith.select %eq3A_489, %jit3A_490, %jit3A_487 : i32
          %rem3A_492 = arith.remsi %select_n3A_444, %select_n3A_491 : i32
          %ne3A_493 = arith.constant 0 : i32
          %ne3A_494 = arith.cmpi ne, %rem3A_492, %ne3A_493 : i32
          %lt3A_495 = arith.constant 0 : i32
          %lt3A_496 = arith.cmpi slt, %rem3A_492, %lt3A_495 : i32
          %lt3A_497 = arith.constant 0 : i32
          %lt3A_498 = arith.cmpi slt, %select_n3A_491, %lt3A_497 : i32
          %ne3A_499 = arith.xori %lt3A_496, %lt3A_498 : i1
          %and3A_500 = arith.andi %ne3A_499, %ne3A_494 : i1
          %add3A_501 = arith.addi %rem3A_492, %select_n3A_491 : i32
          %select_n3A_502 = arith.select %and3A_500, %add3A_501, %rem3A_492 : i32
          %eq3A_503 = vector.broadcast %select_n3A_502 : i32 to vector<16xi32>
          %eq3A_504 = arith.cmpi eq, %iota3A, %eq3A_503 : vector<16xi32>
          %get3A_505 = arith.index_cast %mul3A_486 : i32 to index
          %get3A_506 = tpu.vector_load %arg9[%get3A_505] {strides = array<i32>} : memref<8736xf32, #tpu.memory_space<vmem>>, vector<16xf32>,
          %jit3A_507 = arith.constant -1.000000e+30 : f32
          %broadcast_in_dim3A_508 = vector.broadcast %jit3A_507 : f32 to vector<16xf32>
          %select_n3A_509 = arith.select %eq3A_504, %get3A_506, %broadcast_in_dim3A_508 : vector<16xi1>, vector<16xf32>
          %reduce_max3A_510 = arith.constant true
          %reduce_max3A_511 = vector.broadcast %reduce_max3A_510 : i1 to vector<16xi1>
          %reduce_max3A_512 = tpu.scan <max>, %select_n3A_509 masked %reduce_max3A_511 : vector<16xf32>, vector<16xi1> -> vector<16xf32>
          %reduce_max3A_513 = vector.extract %reduce_max3A_512[15] : f32 from vector<16xf32>
          %gt3A_514 = arith.constant 9.99999996E-13 : f32
          %gt3A_515 = arith.cmpf ogt, %reduce_max3A_407, %gt3A_514 : f32
          %lt3A_516 = arith.constant -2.500000e+00 : f32
          %lt3A_517 = arith.cmpf olt, %reduce_max3A_513, %lt3A_516 : f32
          %not3A_518 = arith.constant true
          %not3A_519 = arith.xori %lt3A_517, %not3A_518 : i1
          %and3A_520 = arith.andi %gt3A_515, %not3A_519 : i1
          %convert_element_type3A_521 = arith.extui %and3A_520 : i1 to i32
          %cond3A_522 = arith.constant 0 : i32
          %cond3A_523 = arith.cmpi ne, %convert_element_type3A_521, %cond3A_522 : i32
          scf.if %cond3A_523 {
            %jit3A_528 = arith.constant 16 : i32
            %div3A_529 = arith.divsi %select_n3A_460, %jit3A_528 : i32
            %sign3A_530 = arith.constant 0 : i32
            %sign3A_531 = arith.cmpi sgt, %select_n3A_460, %sign3A_530 : i32
            %sign3A_532 = arith.extui %sign3A_531 : i1 to i32
            %sign3A_533 = arith.constant 0 : i32
            %sign3A_534 = arith.cmpi slt, %select_n3A_460, %sign3A_533 : i32
            %sign3A_535 = arith.extui %sign3A_534 : i1 to i32
            %sign3A_536 = arith.subi %sign3A_532, %sign3A_535 : i32
            %sign3A_537 = arith.constant 0 : i32
            %sign3A_538 = arith.cmpi sgt, %jit3A_528, %sign3A_537 : i32
            %sign3A_539 = arith.extui %sign3A_538 : i1 to i32
            %sign3A_540 = arith.constant 0 : i32
            %sign3A_541 = arith.cmpi slt, %jit3A_528, %sign3A_540 : i32
            %sign3A_542 = arith.extui %sign3A_541 : i1 to i32
            %sign3A_543 = arith.subi %sign3A_539, %sign3A_542 : i32
            %ne3A_544 = arith.cmpi ne, %sign3A_536, %sign3A_543 : i32
            %rem3A_545 = arith.remsi %select_n3A_460, %jit3A_528 : i32
            %ne3A_546 = arith.constant 0 : i32
            %ne3A_547 = arith.cmpi ne, %rem3A_545, %ne3A_546 : i32
            %and3A_548 = arith.andi %ne3A_544, %ne3A_547 : i1
            %sub3A_549 = arith.constant 1 : i32
            %sub3A_550 = arith.subi %div3A_529, %sub3A_549 : i32
            %select_n3A_551 = arith.select %and3A_548, %sub3A_550, %div3A_529 : i32
            %mul3A_552 = arith.constant 16 : i32
            %mul3A_553 = arith.muli %select_n3A_551, %mul3A_552 : i32
            %jit3A_554 = arith.constant 16 : i32
            %eq3A_555 = arith.constant 0 : i32
            %eq3A_556 = arith.cmpi eq, %jit3A_554, %eq3A_555 : i32
            %jit3A_557 = arith.constant 1 : i32
            %select_n3A_558 = arith.select %eq3A_556, %jit3A_557, %jit3A_554 : i32
            %rem3A_559 = arith.remsi %select_n3A_460, %select_n3A_558 : i32
            %ne3A_560 = arith.constant 0 : i32
            %ne3A_561 = arith.cmpi ne, %rem3A_559, %ne3A_560 : i32
            %lt3A_562 = arith.constant 0 : i32
            %lt3A_563 = arith.cmpi slt, %rem3A_559, %lt3A_562 : i32
            %lt3A_564 = arith.constant 0 : i32
            %lt3A_565 = arith.cmpi slt, %select_n3A_558, %lt3A_564 : i32
            %ne3A_566 = arith.xori %lt3A_563, %lt3A_565 : i1
            %and3A_567 = arith.andi %ne3A_566, %ne3A_561 : i1
            %add3A_568 = arith.addi %rem3A_559, %select_n3A_558 : i32
            %select_n3A_569 = arith.select %and3A_567, %add3A_568, %rem3A_559 : i32
            %eq3A_570 = vector.broadcast %select_n3A_569 : i32 to vector<16xi32>
            %eq3A_571 = arith.cmpi eq, %iota3A, %eq3A_570 : vector<16xi32>
            %get3A_572 = arith.index_cast %mul3A_553 : i32 to index
            %get3A_573 = tpu.vector_load %arg8[%get3A_572] {strides = array<i32>} : memref<64xi32, #tpu.memory_space<vmem>>, vector<16xi32>,
            %broadcast_in_dim3A_574 = vector.broadcast %select_n3A_444 : i32 to vector<16xi32>
            %select_n3A_575 = arith.select %eq3A_571, %broadcast_in_dim3A_574, %get3A_573 : vector<16xi1>, vector<16xi32>
            %swap3A_576 = arith.index_cast %mul3A_553 : i32 to index
            %swap3A_577 = tpu.vector_load %arg8[%swap3A_576] {strides = array<i32>} : memref<64xi32, #tpu.memory_space<vmem>>, vector<16xi32>,
            tpu.vector_store %arg8[%swap3A_576], %select_n3A_575 {strides = array<i32>} : memref<64xi32, #tpu.memory_space<vmem>>, vector<16xi32>,
            %get3A_578 = arith.index_cast %mul3A_553 : i32 to index
            %get3A_579 = tpu.vector_load %arg6[%get3A_578] {strides = array<i32>} : memref<64xf32, #tpu.memory_space<vmem>>, vector<16xf32>,
            %jit3A_580 = arith.constant -2.000000e+00 : f32
            %broadcast_in_dim3A_581 = vector.broadcast %jit3A_580 : f32 to vector<16xf32>
            %select_n3A_582 = arith.select %eq3A_571, %broadcast_in_dim3A_581, %get3A_579 : vector<16xi1>, vector<16xf32>
            %swap3A_583 = arith.index_cast %mul3A_553 : i32 to index
            %swap3A_584 = tpu.vector_load %arg6[%swap3A_583] {strides = array<i32>} : memref<64xf32, #tpu.memory_space<vmem>>, vector<16xf32>,
            tpu.vector_store %arg6[%swap3A_583], %select_n3A_582 {strides = array<i32>} : memref<64xf32, #tpu.memory_space<vmem>>, vector<16xf32>,
            %jit3A_585 = arith.constant 16 : i32
            %div3A_586 = arith.divsi %select_n3A_444, %jit3A_585 : i32
            %sign3A_587 = arith.constant 0 : i32
            %sign3A_588 = arith.cmpi sgt, %select_n3A_444, %sign3A_587 : i32
            %sign3A_589 = arith.extui %sign3A_588 : i1 to i32
            %sign3A_590 = arith.constant 0 : i32
            %sign3A_591 = arith.cmpi slt, %select_n3A_444, %sign3A_590 : i32
            %sign3A_592 = arith.extui %sign3A_591 : i1 to i32
            %sign3A_593 = arith.subi %sign3A_589, %sign3A_592 : i32
            %sign3A_594 = arith.constant 0 : i32
            %sign3A_595 = arith.cmpi sgt, %jit3A_585, %sign3A_594 : i32
            %sign3A_596 = arith.extui %sign3A_595 : i1 to i32
            %sign3A_597 = arith.constant 0 : i32
            %sign3A_598 = arith.cmpi slt, %jit3A_585, %sign3A_597 : i32
            %sign3A_599 = arith.extui %sign3A_598 : i1 to i32
            %sign3A_600 = arith.subi %sign3A_596, %sign3A_599 : i32
            %ne3A_601 = arith.cmpi ne, %sign3A_593, %sign3A_600 : i32
            %rem3A_602 = arith.remsi %select_n3A_444, %jit3A_585 : i32
            %ne3A_603 = arith.constant 0 : i32
            %ne3A_604 = arith.cmpi ne, %rem3A_602, %ne3A_603 : i32
            %and3A_605 = arith.andi %ne3A_601, %ne3A_604 : i1
            %sub3A_606 = arith.constant 1 : i32
            %sub3A_607 = arith.subi %div3A_586, %sub3A_606 : i32
            %select_n3A_608 = arith.select %and3A_605, %sub3A_607, %div3A_586 : i32
            %mul3A_609 = arith.constant 16 : i32
            %mul3A_610 = arith.muli %select_n3A_608, %mul3A_609 : i32
            %jit3A_611 = arith.constant 16 : i32
            %eq3A_612 = arith.constant 0 : i32
            %eq3A_613 = arith.cmpi eq, %jit3A_611, %eq3A_612 : i32
            %jit3A_614 = arith.constant 1 : i32
            %select_n3A_615 = arith.select %eq3A_613, %jit3A_614, %jit3A_611 : i32
            %rem3A_616 = arith.remsi %select_n3A_444, %select_n3A_615 : i32
            %ne3A_617 = arith.constant 0 : i32
            %ne3A_618 = arith.cmpi ne, %rem3A_616, %ne3A_617 : i32
            %lt3A_619 = arith.constant 0 : i32
            %lt3A_620 = arith.cmpi slt, %rem3A_616, %lt3A_619 : i32
            %lt3A_621 = arith.constant 0 : i32
            %lt3A_622 = arith.cmpi slt, %select_n3A_615, %lt3A_621 : i32
            %ne3A_623 = arith.xori %lt3A_620, %lt3A_622 : i1
            %and3A_624 = arith.andi %ne3A_623, %ne3A_618 : i1
            %add3A_625 = arith.addi %rem3A_616, %select_n3A_615 : i32
            %select_n3A_626 = arith.select %and3A_624, %add3A_625, %rem3A_616 : i32
            %eq3A_627 = vector.broadcast %select_n3A_626 : i32 to vector<16xi32>
            %eq3A_628 = arith.cmpi eq, %iota3A, %eq3A_627 : vector<16xi32>
            %get3A_629 = arith.index_cast %mul3A_610 : i32 to index
            %get3A_630 = tpu.vector_load %arg9[%get3A_629] {strides = array<i32>} : memref<8736xf32, #tpu.memory_space<vmem>>, vector<16xf32>,
            %jit3A_631 = arith.constant -3.000000e+00 : f32
            %broadcast_in_dim3A_632 = vector.broadcast %jit3A_631 : f32 to vector<16xf32>
            %select_n3A_633 = arith.select %eq3A_628, %broadcast_in_dim3A_632, %get3A_630 : vector<16xi1>, vector<16xf32>
            %swap3A_634 = arith.index_cast %mul3A_610 : i32 to index
            %swap3A_635 = tpu.vector_load %arg9[%swap3A_634] {strides = array<i32>} : memref<8736xf32, #tpu.memory_space<vmem>>, vector<16xf32>,
            tpu.vector_store %arg9[%swap3A_634], %select_n3A_633 {strides = array<i32>} : memref<8736xf32, #tpu.memory_space<vmem>>, vector<16xf32>,
          } else {
          }
          %and3A_524 = arith.andi %gt3A_515, %lt3A_517 : i1
          %convert_element_type3A_525 = arith.extui %and3A_524 : i1 to i32
          %cond3A_526 = arith.constant 0 : i32
          %cond3A_527 = arith.cmpi ne, %convert_element_type3A_525, %cond3A_526 : i32
          scf.if %cond3A_527 {
            %dma_start3A_528 = arith.constant 0 : i32
            %dma_start3A_529 = tpu.memref_slice %arg2[%select_n3A_460, %dma_start3A_528] : memref<50x8736xf32, #tpu.memory_space<hbm>> -> memref<1x8736xf32, #tpu.memory_space<hbm>>
            %dma_start3A_530 = tpu.memref_squeeze %dma_start3A_529 : memref<1x8736xf32, #tpu.memory_space<hbm>> -> memref<8736xf32, #tpu.memory_space<hbm>>
            %dma_start3A_531 = arith.constant 0 : i32
            %dma_start3A_532 = tpu.memref_slice %arg2[%select_n3A_460, %dma_start3A_531] : memref<50x8736xf32, #tpu.memory_space<hbm>> -> memref<1x8736xf32, #tpu.memory_space<hbm>>
            %dma_start3A_533 = tpu.memref_squeeze %dma_start3A_532 : memref<1x8736xf32, #tpu.memory_space<hbm>> -> memref<8736xf32, #tpu.memory_space<hbm>>
            tpu.enqueue_dma source(%dma_start3A_533 : memref<8736xf32, #tpu.memory_space<hbm>>) target(%arg10 : memref<8736xf32, #tpu.memory_space<vmem>>) target_semaphore(%arg13 : memref<!tpu.dma_semaphore, #tpu.memory_space<semaphore_mem>>)
            %dma_wait3A_534 = arith.constant 0 : i32
            %dma_wait3A_535 = tpu.memref_slice %arg2[%select_n3A_460, %dma_wait3A_534] : memref<50x8736xf32, #tpu.memory_space<hbm>> -> memref<1x8736xf32, #tpu.memory_space<hbm>>
            %dma_wait3A_536 = tpu.memref_squeeze %dma_wait3A_535 : memref<1x8736xf32, #tpu.memory_space<hbm>> -> memref<8736xf32, #tpu.memory_space<hbm>>
            %dma_wait3A_537 = arith.constant 0 : i32
            %dma_wait3A_538 = tpu.memref_slice %arg2[%select_n3A_460, %dma_wait3A_537] : memref<50x8736xf32, #tpu.memory_space<hbm>> -> memref<1x8736xf32, #tpu.memory_space<hbm>>
            %dma_wait3A_539 = tpu.memref_squeeze %dma_wait3A_538 : memref<1x8736xf32, #tpu.memory_space<hbm>> -> memref<8736xf32, #tpu.memory_space<hbm>>
            tpu.wait_dma2 semaphore(%arg13 : memref<!tpu.dma_semaphore, #tpu.memory_space<semaphore_mem>>) src(%dma_wait3A_539 : memref<8736xf32, #tpu.memory_space<hbm>>) dst(%arg10 : memref<8736xf32, #tpu.memory_space<vmem>>)
            %get3A_540 = arith.constant 0 : index
            %get3A_541 = tpu.vector_load %arg10[%get3A_540] {strides = array<i32>} : memref<8736xf32, #tpu.memory_space<vmem>>, vector<16xf32>,
            %get3A_542 = arith.constant 0 : index
            %get3A_543 = tpu.vector_load %arg9[%get3A_542] {strides = array<i32>} : memref<8736xf32, #tpu.memory_space<vmem>>, vector<16xf32>,
            %add3A_544 = arith.addf %get3A_541, %get3A_543 : vector<16xf32>
            %swap3A_545 = arith.constant 0 : index
            %swap3A_546 = tpu.vector_load %arg11[%swap3A_545] {strides = array<i32>} : memref<16xf32, #tpu.memory_space<vmem>>, vector<16xf32>,
            tpu.vector_store %arg11[%swap3A_545], %add3A_544 {strides = array<i32>} : memref<16xf32, #tpu.memory_space<vmem>>, vector<16xf32>,
            %swap3A_547 = arith.constant 0 : index
            %swap3A_548 = tpu.vector_load %arg12[%swap3A_547] {strides = array<i32>} : memref<16xi32, #tpu.memory_space<vmem>>, vector<16xi32>,
            tpu.vector_store %arg12[%swap3A_547], %iota3A {strides = array<i32>} : memref<16xi32, #tpu.memory_space<vmem>>, vector<16xi32>,
            %scan3A_549 = arith.constant 0 : i32
            %scan3A_550 = arith.constant 109 : i32
            %scan3A_551 = arith.addi %scan3A_549, %scan3A_550 : i32
            %scan3A_552 = arith.constant 1 : i32
            scf.for %scan3A_819 = %scan3A_549 to %scan3A_551 step %scan3A_552  : i32 {
              %mul3A_820 = arith.constant 1 : i32
              %mul3A_821 = arith.muli %scan3A_819, %mul3A_820 : i32
              %add3A_822 = arith.constant 0 : i32
              %add3A_823 = arith.addi %add3A_822, %mul3A_821 : i32
              %mul3A_824 = arith.constant 5 : i32
              %mul3A_825 = arith.muli %add3A_823, %mul3A_824 : i32
              %add3A_826 = arith.constant 1 : i32
              %add3A_827 = arith.addi %add3A_826, %mul3A_825 : i32
              %add3A_828 = arith.constant 0 : i32
              %add3A_829 = arith.addi %add3A_827, %add3A_828 : i32
              %mul3A_830 = arith.constant 16 : i32
              %mul3A_831 = arith.muli %add3A_829, %mul3A_830 : i32
              %get3A_832 = arith.index_cast %mul3A_831 : i32 to index
              %get3A_833 = tpu.vector_load %arg10[%get3A_832] {strides = array<i32>} : memref<8736xf32, #tpu.memory_space<vmem>>, vector<16xf32>,
              %mul3A_834 = arith.constant 16 : i32
              %mul3A_835 = arith.muli %add3A_829, %mul3A_834 : i32
              %get3A_836 = arith.index_cast %mul3A_835 : i32 to index
              %get3A_837 = tpu.vector_load %arg9[%get3A_836] {strides = array<i32>} : memref<8736xf32, #tpu.memory_space<vmem>>, vector<16xf32>,
              %add3A_838 = arith.addf %get3A_833, %get3A_837 : vector<16xf32>
              %get3A_839 = arith.constant 0 : index
              %get3A_840 = tpu.vector_load %arg11[%get3A_839] {strides = array<i32>} : memref<16xf32, #tpu.memory_space<vmem>>, vector<16xf32>,
              %gt3A_841 = arith.cmpf ogt, %add3A_838, %get3A_840 : vector<16xf32>
              %select_n3A_842 = arith.select %gt3A_841, %add3A_838, %get3A_840 : vector<16xi1>, vector<16xf32>
              %swap3A_843 = arith.constant 0 : index
              %swap3A_844 = tpu.vector_load %arg11[%swap3A_843] {strides = array<i32>} : memref<16xf32, #tpu.memory_space<vmem>>, vector<16xf32>,
              tpu.vector_store %arg11[%swap3A_843], %select_n3A_842 {strides = array<i32>} : memref<16xf32, #tpu.memory_space<vmem>>, vector<16xf32>,
              %mul3A_845 = arith.constant 16 : i32
              %mul3A_846 = arith.muli %add3A_829, %mul3A_845 : i32
              %add3A_847 = vector.broadcast %mul3A_846 : i32 to vector<16xi32>
              %add3A_848 = arith.addi %iota3A, %add3A_847 : vector<16xi32>
              %get3A_849 = arith.constant 0 : index
              %get3A_850 = tpu.vector_load %arg12[%get3A_849] {strides = array<i32>} : memref<16xi32, #tpu.memory_space<vmem>>, vector<16xi32>,
              %select_n3A_851 = arith.select %gt3A_841, %add3A_848, %get3A_850 : vector<16xi1>, vector<16xi32>
              %swap3A_852 = arith.constant 0 : index
              %swap3A_853 = tpu.vector_load %arg12[%swap3A_852] {strides = array<i32>} : memref<16xi32, #tpu.memory_space<vmem>>, vector<16xi32>,
              tpu.vector_store %arg12[%swap3A_852], %select_n3A_851 {strides = array<i32>} : memref<16xi32, #tpu.memory_space<vmem>>, vector<16xi32>,
              %mul3A_854 = arith.constant 5 : i32
              %mul3A_855 = arith.muli %add3A_823, %mul3A_854 : i32
              %add3A_856 = arith.constant 1 : i32
              %add3A_857 = arith.addi %add3A_856, %mul3A_855 : i32
              %add3A_858 = arith.constant 1 : i32
              %add3A_859 = arith.addi %add3A_857, %add3A_858 : i32
              %mul3A_860 = arith.constant 16 : i32
              %mul3A_861 = arith.muli %add3A_859, %mul3A_860 : i32
              %get3A_862 = arith.index_cast %mul3A_861 : i32 to index
              %get3A_863 = tpu.vector_load %arg10[%get3A_862] {strides = array<i32>} : memref<8736xf32, #tpu.memory_space<vmem>>, vector<16xf32>,
              %mul3A_864 = arith.constant 16 : i32
              %mul3A_865 = arith.muli %add3A_859, %mul3A_864 : i32
              %get3A_866 = arith.index_cast %mul3A_865 : i32 to index
              %get3A_867 = tpu.vector_load %arg9[%get3A_866] {strides = array<i32>} : memref<8736xf32, #tpu.memory_space<vmem>>, vector<16xf32>,
              %add3A_868 = arith.addf %get3A_863, %get3A_867 : vector<16xf32>
              %get3A_869 = arith.constant 0 : index
              %get3A_870 = tpu.vector_load %arg11[%get3A_869] {strides = array<i32>} : memref<16xf32, #tpu.memory_space<vmem>>, vector<16xf32>,
              %gt3A_871 = arith.cmpf ogt, %add3A_868, %get3A_870 : vector<16xf32>
              %select_n3A_872 = arith.select %gt3A_871, %add3A_868, %get3A_870 : vector<16xi1>, vector<16xf32>
              %swap3A_873 = arith.constant 0 : index
              %swap3A_874 = tpu.vector_load %arg11[%swap3A_873] {strides = array<i32>} : memref<16xf32, #tpu.memory_space<vmem>>, vector<16xf32>,
              tpu.vector_store %arg11[%swap3A_873], %select_n3A_872 {strides = array<i32>} : memref<16xf32, #tpu.memory_space<vmem>>, vector<16xf32>,
              %mul3A_875 = arith.constant 16 : i32
              %mul3A_876 = arith.muli %add3A_859, %mul3A_875 : i32
              %add3A_877 = vector.broadcast %mul3A_876 : i32 to vector<16xi32>
              %add3A_878 = arith.addi %iota3A, %add3A_877 : vector<16xi32>
              %get3A_879 = arith.constant 0 : index
              %get3A_880 = tpu.vector_load %arg12[%get3A_879] {strides = array<i32>} : memref<16xi32, #tpu.memory_space<vmem>>, vector<16xi32>,
              %select_n3A_881 = arith.select %gt3A_871, %add3A_878, %get3A_880 : vector<16xi1>, vector<16xi32>
              %swap3A_882 = arith.constant 0 : index
              %swap3A_883 = tpu.vector_load %arg12[%swap3A_882] {strides = array<i32>} : memref<16xi32, #tpu.memory_space<vmem>>, vector<16xi32>,
              tpu.vector_store %arg12[%swap3A_882], %select_n3A_881 {strides = array<i32>} : memref<16xi32, #tpu.memory_space<vmem>>, vector<16xi32>,
              %mul3A_884 = arith.constant 5 : i32
              %mul3A_885 = arith.muli %add3A_823, %mul3A_884 : i32
              %add3A_886 = arith.constant 1 : i32
              %add3A_887 = arith.addi %add3A_886, %mul3A_885 : i32
              %add3A_888 = arith.constant 2 : i32
              %add3A_889 = arith.addi %add3A_887, %add3A_888 : i32
              %mul3A_890 = arith.constant 16 : i32
              %mul3A_891 = arith.muli %add3A_889, %mul3A_890 : i32
              %get3A_892 = arith.index_cast %mul3A_891 : i32 to index
              %get3A_893 = tpu.vector_load %arg10[%get3A_892] {strides = array<i32>} : memref<8736xf32, #tpu.memory_space<vmem>>, vector<16xf32>,
              %mul3A_894 = arith.constant 16 : i32
              %mul3A_895 = arith.muli %add3A_889, %mul3A_894 : i32
              %get3A_896 = arith.index_cast %mul3A_895 : i32 to index
              %get3A_897 = tpu.vector_load %arg9[%get3A_896] {strides = array<i32>} : memref<8736xf32, #tpu.memory_space<vmem>>, vector<16xf32>,
              %add3A_898 = arith.addf %get3A_893, %get3A_897 : vector<16xf32>
              %get3A_899 = arith.constant 0 : index
              %get3A_900 = tpu.vector_load %arg11[%get3A_899] {strides = array<i32>} : memref<16xf32, #tpu.memory_space<vmem>>, vector<16xf32>,
              %gt3A_901 = arith.cmpf ogt, %add3A_898, %get3A_900 : vector<16xf32>
              %select_n3A_902 = arith.select %gt3A_901, %add3A_898, %get3A_900 : vector<16xi1>, vector<16xf32>
              %swap3A_903 = arith.constant 0 : index
              %swap3A_904 = tpu.vector_load %arg11[%swap3A_903] {strides = array<i32>} : memref<16xf32, #tpu.memory_space<vmem>>, vector<16xf32>,
              tpu.vector_store %arg11[%swap3A_903], %select_n3A_902 {strides = array<i32>} : memref<16xf32, #tpu.memory_space<vmem>>, vector<16xf32>,
              %mul3A_905 = arith.constant 16 : i32
              %mul3A_906 = arith.muli %add3A_889, %mul3A_905 : i32
              %add3A_907 = vector.broadcast %mul3A_906 : i32 to vector<16xi32>
              %add3A_908 = arith.addi %iota3A, %add3A_907 : vector<16xi32>
              %get3A_909 = arith.constant 0 : index
              %get3A_910 = tpu.vector_load %arg12[%get3A_909] {strides = array<i32>} : memref<16xi32, #tpu.memory_space<vmem>>, vector<16xi32>,
              %select_n3A_911 = arith.select %gt3A_901, %add3A_908, %get3A_910 : vector<16xi1>, vector<16xi32>
              %swap3A_912 = arith.constant 0 : index
              %swap3A_913 = tpu.vector_load %arg12[%swap3A_912] {strides = array<i32>} : memref<16xi32, #tpu.memory_space<vmem>>, vector<16xi32>,
              tpu.vector_store %arg12[%swap3A_912], %select_n3A_911 {strides = array<i32>} : memref<16xi32, #tpu.memory_space<vmem>>, vector<16xi32>,
              %mul3A_914 = arith.constant 5 : i32
              %mul3A_915 = arith.muli %add3A_823, %mul3A_914 : i32
              %add3A_916 = arith.constant 1 : i32
              %add3A_917 = arith.addi %add3A_916, %mul3A_915 : i32
              %add3A_918 = arith.constant 3 : i32
              %add3A_919 = arith.addi %add3A_917, %add3A_918 : i32
              %mul3A_920 = arith.constant 16 : i32
              %mul3A_921 = arith.muli %add3A_919, %mul3A_920 : i32
              %get3A_922 = arith.index_cast %mul3A_921 : i32 to index
              %get3A_923 = tpu.vector_load %arg10[%get3A_922] {strides = array<i32>} : memref<8736xf32, #tpu.memory_space<vmem>>, vector<16xf32>,
              %mul3A_924 = arith.constant 16 : i32
              %mul3A_925 = arith.muli %add3A_919, %mul3A_924 : i32
              %get3A_926 = arith.index_cast %mul3A_925 : i32 to index
              %get3A_927 = tpu.vector_load %arg9[%get3A_926] {strides = array<i32>} : memref<8736xf32, #tpu.memory_space<vmem>>, vector<16xf32>,
              %add3A_928 = arith.addf %get3A_923, %get3A_927 : vector<16xf32>
              %get3A_929 = arith.constant 0 : index
              %get3A_930 = tpu.vector_load %arg11[%get3A_929] {strides = array<i32>} : memref<16xf32, #tpu.memory_space<vmem>>, vector<16xf32>,
              %gt3A_931 = arith.cmpf ogt, %add3A_928, %get3A_930 : vector<16xf32>
              %select_n3A_932 = arith.select %gt3A_931, %add3A_928, %get3A_930 : vector<16xi1>, vector<16xf32>
              %swap3A_933 = arith.constant 0 : index
              %swap3A_934 = tpu.vector_load %arg11[%swap3A_933] {strides = array<i32>} : memref<16xf32, #tpu.memory_space<vmem>>, vector<16xf32>,
              tpu.vector_store %arg11[%swap3A_933], %select_n3A_932 {strides = array<i32>} : memref<16xf32, #tpu.memory_space<vmem>>, vector<16xf32>,
              %mul3A_935 = arith.constant 16 : i32
              %mul3A_936 = arith.muli %add3A_919, %mul3A_935 : i32
              %add3A_937 = vector.broadcast %mul3A_936 : i32 to vector<16xi32>
              %add3A_938 = arith.addi %iota3A, %add3A_937 : vector<16xi32>
              %get3A_939 = arith.constant 0 : index
              %get3A_940 = tpu.vector_load %arg12[%get3A_939] {strides = array<i32>} : memref<16xi32, #tpu.memory_space<vmem>>, vector<16xi32>,
              %select_n3A_941 = arith.select %gt3A_931, %add3A_938, %get3A_940 : vector<16xi1>, vector<16xi32>
              %swap3A_942 = arith.constant 0 : index
              %swap3A_943 = tpu.vector_load %arg12[%swap3A_942] {strides = array<i32>} : memref<16xi32, #tpu.memory_space<vmem>>, vector<16xi32>,
              tpu.vector_store %arg12[%swap3A_942], %select_n3A_941 {strides = array<i32>} : memref<16xi32, #tpu.memory_space<vmem>>, vector<16xi32>,
              %mul3A_944 = arith.constant 5 : i32
              %mul3A_945 = arith.muli %add3A_823, %mul3A_944 : i32
              %add3A_946 = arith.constant 1 : i32
              %add3A_947 = arith.addi %add3A_946, %mul3A_945 : i32
              %add3A_948 = arith.constant 4 : i32
              %add3A_949 = arith.addi %add3A_947, %add3A_948 : i32
              %mul3A_950 = arith.constant 16 : i32
              %mul3A_951 = arith.muli %add3A_949, %mul3A_950 : i32
              %get3A_952 = arith.index_cast %mul3A_951 : i32 to index
              %get3A_953 = tpu.vector_load %arg10[%get3A_952] {strides = array<i32>} : memref<8736xf32, #tpu.memory_space<vmem>>, vector<16xf32>,
              %mul3A_954 = arith.constant 16 : i32
              %mul3A_955 = arith.muli %add3A_949, %mul3A_954 : i32
              %get3A_956 = arith.index_cast %mul3A_955 : i32 to index
              %get3A_957 = tpu.vector_load %arg9[%get3A_956] {strides = array<i32>} : memref<8736xf32, #tpu.memory_space<vmem>>, vector<16xf32>,
              %add3A_958 = arith.addf %get3A_953, %get3A_957 : vector<16xf32>
              %get3A_959 = arith.constant 0 : index
              %get3A_960 = tpu.vector_load %arg11[%get3A_959] {strides = array<i32>} : memref<16xf32, #tpu.memory_space<vmem>>, vector<16xf32>,
              %gt3A_961 = arith.cmpf ogt, %add3A_958, %get3A_960 : vector<16xf32>
              %select_n3A_962 = arith.select %gt3A_961, %add3A_958, %get3A_960 : vector<16xi1>, vector<16xf32>
              %swap3A_963 = arith.constant 0 : index
              %swap3A_964 = tpu.vector_load %arg11[%swap3A_963] {strides = array<i32>} : memref<16xf32, #tpu.memory_space<vmem>>, vector<16xf32>,
              tpu.vector_store %arg11[%swap3A_963], %select_n3A_962 {strides = array<i32>} : memref<16xf32, #tpu.memory_space<vmem>>, vector<16xf32>,
              %mul3A_965 = arith.constant 16 : i32
              %mul3A_966 = arith.muli %add3A_949, %mul3A_965 : i32
              %add3A_967 = vector.broadcast %mul3A_966 : i32 to vector<16xi32>
              %add3A_968 = arith.addi %iota3A, %add3A_967 : vector<16xi32>
              %get3A_969 = arith.constant 0 : index
              %get3A_970 = tpu.vector_load %arg12[%get3A_969] {strides = array<i32>} : memref<16xi32, #tpu.memory_space<vmem>>, vector<16xi32>,
              %select_n3A_971 = arith.select %gt3A_961, %add3A_968, %get3A_970 : vector<16xi1>, vector<16xi32>
              %swap3A_972 = arith.constant 0 : index
              %swap3A_973 = tpu.vector_load %arg12[%swap3A_972] {strides = array<i32>} : memref<16xi32, #tpu.memory_space<vmem>>, vector<16xi32>,
              tpu.vector_store %arg12[%swap3A_972], %select_n3A_971 {strides = array<i32>} : memref<16xi32, #tpu.memory_space<vmem>>, vector<16xi32>,
            }
            %scan3A_553 = arith.constant 109 : i32
            %get3A_554 = arith.constant 0 : index
            %get3A_555 = tpu.vector_load %arg11[%get3A_554] {strides = array<i32>} : memref<16xf32, #tpu.memory_space<vmem>>, vector<16xf32>,
            %reduce_max3A_556 = arith.constant true
            %reduce_max3A_557 = vector.broadcast %reduce_max3A_556 : i1 to vector<16xi1>
            %reduce_max3A_558 = tpu.scan <max>, %get3A_555 masked %reduce_max3A_557 : vector<16xf32>, vector<16xi1> -> vector<16xf32>
            %reduce_max3A_559 = vector.extract %reduce_max3A_558[15] : f32 from vector<16xf32>
            %get3A_560 = arith.constant 0 : index
            %get3A_561 = tpu.vector_load %arg11[%get3A_560] {strides = array<i32>} : memref<16xf32, #tpu.memory_space<vmem>>, vector<16xf32>,
            %eq3A_562 = vector.broadcast %reduce_max3A_559 : f32 to vector<16xf32>
            %eq3A_563 = arith.cmpf oeq, %get3A_561, %eq3A_562 : vector<16xf32>
            %get3A_564 = arith.constant 0 : index
            %get3A_565 = tpu.vector_load %arg12[%get3A_564] {strides = array<i32>} : memref<16xi32, #tpu.memory_space<vmem>>, vector<16xi32>,
            %jit3A_566 = arith.constant 1073741824 : i32
            %broadcast_in_dim3A_567 = vector.broadcast %jit3A_566 : i32 to vector<16xi32>
            %select_n3A_568 = arith.select %eq3A_563, %get3A_565, %broadcast_in_dim3A_567 : vector<16xi1>, vector<16xi32>
            %reduce_min3A_569 = arith.constant true
            %reduce_min3A_570 = vector.broadcast %reduce_min3A_569 : i1 to vector<16xi1>
            %reduce_min3A_571 = arith.constant -2147483648 : i32
            %reduce_min3A_572 = vector.broadcast %reduce_min3A_571 : i32 to vector<16xi32>
            %reduce_min3A_573 = arith.xori %select_n3A_568, %reduce_min3A_572 : vector<16xi32>
            %reduce_min3A_574 = tpu.scan <min>, %reduce_min3A_573 masked %reduce_min3A_570 : vector<16xi32>, vector<16xi1> -> vector<16xi32>
            %reduce_min3A_575 = arith.xori %reduce_min3A_574, %reduce_min3A_572 : vector<16xi32>
            %reduce_min3A_576 = vector.extract %reduce_min3A_575[15] : i32 from vector<16xi32>
            %jit3A_577 = arith.constant 16 : i32
            %div3A_578 = arith.divsi %select_n3A_460, %jit3A_577 : i32
            %sign3A_579 = arith.constant 0 : i32
            %sign3A_580 = arith.cmpi sgt, %select_n3A_460, %sign3A_579 : i32
            %sign3A_581 = arith.extui %sign3A_580 : i1 to i32
            %sign3A_582 = arith.constant 0 : i32
            %sign3A_583 = arith.cmpi slt, %select_n3A_460, %sign3A_582 : i32
            %sign3A_584 = arith.extui %sign3A_583 : i1 to i32
            %sign3A_585 = arith.subi %sign3A_581, %sign3A_584 : i32
            %sign3A_586 = arith.constant 0 : i32
            %sign3A_587 = arith.cmpi sgt, %jit3A_577, %sign3A_586 : i32
            %sign3A_588 = arith.extui %sign3A_587 : i1 to i32
            %sign3A_589 = arith.constant 0 : i32
            %sign3A_590 = arith.cmpi slt, %jit3A_577, %sign3A_589 : i32
            %sign3A_591 = arith.extui %sign3A_590 : i1 to i32
            %sign3A_592 = arith.subi %sign3A_588, %sign3A_591 : i32
            %ne3A_593 = arith.cmpi ne, %sign3A_585, %sign3A_592 : i32
            %rem3A_594 = arith.remsi %select_n3A_460, %jit3A_577 : i32
            %ne3A_595 = arith.constant 0 : i32
            %ne3A_596 = arith.cmpi ne, %rem3A_594, %ne3A_595 : i32
            %and3A_597 = arith.andi %ne3A_593, %ne3A_596 : i1
            %sub3A_598 = arith.constant 1 : i32
            %sub3A_599 = arith.subi %div3A_578, %sub3A_598 : i32
            %select_n3A_600 = arith.select %and3A_597, %sub3A_599, %div3A_578 : i32
            %mul3A_601 = arith.constant 16 : i32
            %mul3A_602 = arith.muli %select_n3A_600, %mul3A_601 : i32
            %jit3A_603 = arith.constant 16 : i32
            %eq3A_604 = arith.constant 0 : i32
            %eq3A_605 = arith.cmpi eq, %jit3A_603, %eq3A_604 : i32
            %jit3A_606 = arith.constant 1 : i32
            %select_n3A_607 = arith.select %eq3A_605, %jit3A_606, %jit3A_603 : i32
            %rem3A_608 = arith.remsi %select_n3A_460, %select_n3A_607 : i32
            %ne3A_609 = arith.constant 0 : i32
            %ne3A_610 = arith.cmpi ne, %rem3A_608, %ne3A_609 : i32
            %lt3A_611 = arith.constant 0 : i32
            %lt3A_612 = arith.cmpi slt, %rem3A_608, %lt3A_611 : i32
            %lt3A_613 = arith.constant 0 : i32
            %lt3A_614 = arith.cmpi slt, %select_n3A_607, %lt3A_613 : i32
            %ne3A_615 = arith.xori %lt3A_612, %lt3A_614 : i1
            %and3A_616 = arith.andi %ne3A_615, %ne3A_610 : i1
            %add3A_617 = arith.addi %rem3A_608, %select_n3A_607 : i32
            %select_n3A_618 = arith.select %and3A_616, %add3A_617, %rem3A_608 : i32
            %eq3A_619 = vector.broadcast %select_n3A_618 : i32 to vector<16xi32>
            %eq3A_620 = arith.cmpi eq, %iota3A, %eq3A_619 : vector<16xi32>
            %get3A_621 = arith.index_cast %mul3A_602 : i32 to index
            %get3A_622 = tpu.vector_load %arg6[%get3A_621] {strides = array<i32>} : memref<64xf32, #tpu.memory_space<vmem>>, vector<16xf32>,
            %broadcast_in_dim3A_623 = vector.broadcast %reduce_max3A_559 : f32 to vector<16xf32>
            %select_n3A_624 = arith.select %eq3A_620, %broadcast_in_dim3A_623, %get3A_622 : vector<16xi1>, vector<16xf32>
            %swap3A_625 = arith.index_cast %mul3A_602 : i32 to index
            %swap3A_626 = tpu.vector_load %arg6[%swap3A_625] {strides = array<i32>} : memref<64xf32, #tpu.memory_space<vmem>>, vector<16xf32>,
            tpu.vector_store %arg6[%swap3A_625], %select_n3A_624 {strides = array<i32>} : memref<64xf32, #tpu.memory_space<vmem>>, vector<16xf32>,
            %get3A_627 = arith.index_cast %mul3A_602 : i32 to index
            %get3A_628 = tpu.vector_load %arg7[%get3A_627] {strides = array<i32>} : memref<64xi32, #tpu.memory_space<vmem>>, vector<16xi32>,
            %broadcast_in_dim3A_629 = vector.broadcast %reduce_min3A_576 : i32 to vector<16xi32>
            %select_n3A_630 = arith.select %eq3A_620, %broadcast_in_dim3A_629, %get3A_628 : vector<16xi1>, vector<16xi32>
            %swap3A_631 = arith.index_cast %mul3A_602 : i32 to index
            %swap3A_632 = tpu.vector_load %arg7[%swap3A_631] {strides = array<i32>} : memref<64xi32, #tpu.memory_space<vmem>>, vector<16xi32>,
            tpu.vector_store %arg7[%swap3A_631], %select_n3A_630 {strides = array<i32>} : memref<64xi32, #tpu.memory_space<vmem>>, vector<16xi32>,
            %get3A_633 = arith.constant 0 : index
            %get3A_634 = tpu.vector_load %arg6[%get3A_633] {strides = array<i32>} : memref<64xf32, #tpu.memory_space<vmem>>, vector<16xf32>,
            %get3A_635 = arith.constant 0 : index
            %get3A_636 = tpu.vector_load %arg7[%get3A_635] {strides = array<i32>} : memref<64xi32, #tpu.memory_space<vmem>>, vector<16xi32>,
            %mul3A_637 = arith.constant 64 : i32
            %mul3A_638 = vector.broadcast %mul3A_637 : i32 to vector<16xi32>
            %mul3A_639 = arith.muli %get3A_636, %mul3A_638 : vector<16xi32>
            %add3A_640 = arith.addi %mul3A_639, %iota3A : vector<16xi32>
            %get3A_641 = arith.constant 16 : index
            %get3A_642 = tpu.vector_load %arg6[%get3A_641] {strides = array<i32>} : memref<64xf32, #tpu.memory_space<vmem>>, vector<16xf32>,
            %get3A_643 = arith.constant 16 : index
            %get3A_644 = tpu.vector_load %arg7[%get3A_643] {strides = array<i32>} : memref<64xi32, #tpu.memory_space<vmem>>, vector<16xi32>,
            %mul3A_645 = arith.constant 64 : i32
            %mul3A_646 = vector.broadcast %mul3A_645 : i32 to vector<16xi32>
            %mul3A_647 = arith.muli %get3A_644, %mul3A_646 : vector<16xi32>
            %add3A_648 = arith.constant 16 : i32
            %add3A_649 = vector.broadcast %add3A_648 : i32 to vector<16xi32>
            %add3A_650 = arith.addi %iota3A, %add3A_649 : vector<16xi32>
            %add3A_651 = arith.addi %mul3A_647, %add3A_650 : vector<16xi32>
            %gt3A_652 = arith.cmpf ogt, %get3A_642, %get3A_634 : vector<16xf32>
            %eq3A_653 = arith.cmpf oeq, %get3A_642, %get3A_634 : vector<16xf32>
            %lt3A_654 = arith.cmpi slt, %add3A_651, %add3A_640 : vector<16xi32>
            %and3A_655 = arith.andi %eq3A_653, %lt3A_654 : vector<16xi1>
            %or3A_656 = arith.ori %gt3A_652, %and3A_655 : vector<16xi1>
            %select_n3A_657 = arith.select %or3A_656, %get3A_642, %get3A_634 : vector<16xi1>, vector<16xf32>
            %select_n3A_658 = arith.select %or3A_656, %add3A_651, %add3A_640 : vector<16xi1>, vector<16xi32>
            %get3A_659 = arith.constant 32 : index
            %get3A_660 = tpu.vector_load %arg6[%get3A_659] {strides = array<i32>} : memref<64xf32, #tpu.memory_space<vmem>>, vector<16xf32>,
            %get3A_661 = arith.constant 32 : index
            %get3A_662 = tpu.vector_load %arg7[%get3A_661] {strides = array<i32>} : memref<64xi32, #tpu.memory_space<vmem>>, vector<16xi32>,
            %mul3A_663 = arith.constant 64 : i32
            %mul3A_664 = vector.broadcast %mul3A_663 : i32 to vector<16xi32>
            %mul3A_665 = arith.muli %get3A_662, %mul3A_664 : vector<16xi32>
            %add3A_666 = arith.constant 32 : i32
            %add3A_667 = vector.broadcast %add3A_666 : i32 to vector<16xi32>
            %add3A_668 = arith.addi %iota3A, %add3A_667 : vector<16xi32>
            %add3A_669 = arith.addi %mul3A_665, %add3A_668 : vector<16xi32>
            %gt3A_670 = arith.cmpf ogt, %get3A_660, %select_n3A_657 : vector<16xf32>
            %eq3A_671 = arith.cmpf oeq, %get3A_660, %select_n3A_657 : vector<16xf32>
            %lt3A_672 = arith.cmpi slt, %add3A_669, %select_n3A_658 : vector<16xi32>
            %and3A_673 = arith.andi %eq3A_671, %lt3A_672 : vector<16xi1>
            %or3A_674 = arith.ori %gt3A_670, %and3A_673 : vector<16xi1>
            %select_n3A_675 = arith.select %or3A_674, %get3A_660, %select_n3A_657 : vector<16xi1>, vector<16xf32>
            %select_n3A_676 = arith.select %or3A_674, %add3A_669, %select_n3A_658 : vector<16xi1>, vector<16xi32>
            %get3A_677 = arith.constant 48 : index
            %get3A_678 = tpu.vector_load %arg6[%get3A_677] {strides = array<i32>} : memref<64xf32, #tpu.memory_space<vmem>>, vector<16xf32>,
            %get3A_679 = arith.constant 48 : index
            %get3A_680 = tpu.vector_load %arg7[%get3A_679] {strides = array<i32>} : memref<64xi32, #tpu.memory_space<vmem>>, vector<16xi32>,
            %mul3A_681 = arith.constant 64 : i32
            %mul3A_682 = vector.broadcast %mul3A_681 : i32 to vector<16xi32>
            %mul3A_683 = arith.muli %get3A_680, %mul3A_682 : vector<16xi32>
            %add3A_684 = arith.constant 48 : i32
            %add3A_685 = vector.broadcast %add3A_684 : i32 to vector<16xi32>
            %add3A_686 = arith.addi %iota3A, %add3A_685 : vector<16xi32>
            %add3A_687 = arith.addi %mul3A_683, %add3A_686 : vector<16xi32>
            %gt3A_688 = arith.cmpf ogt, %get3A_678, %select_n3A_675 : vector<16xf32>
            %eq3A_689 = arith.cmpf oeq, %get3A_678, %select_n3A_675 : vector<16xf32>
            %lt3A_690 = arith.cmpi slt, %add3A_687, %select_n3A_676 : vector<16xi32>
            %and3A_691 = arith.andi %eq3A_689, %lt3A_690 : vector<16xi1>
            %or3A_692 = arith.ori %gt3A_688, %and3A_691 : vector<16xi1>
            %select_n3A_693 = arith.select %or3A_692, %get3A_678, %select_n3A_675 : vector<16xi1>, vector<16xf32>
            %select_n3A_694 = arith.select %or3A_692, %add3A_687, %select_n3A_676 : vector<16xi1>, vector<16xi32>
            %reduce_max3A_695 = arith.constant true
            %reduce_max3A_696 = vector.broadcast %reduce_max3A_695 : i1 to vector<16xi1>
            %reduce_max3A_697 = tpu.scan <max>, %select_n3A_693 masked %reduce_max3A_696 : vector<16xf32>, vector<16xi1> -> vector<16xf32>
            %reduce_max3A_698 = vector.extract %reduce_max3A_697[15] : f32 from vector<16xf32>
            %eq3A_699 = vector.broadcast %reduce_max3A_698 : f32 to vector<16xf32>
            %eq3A_700 = arith.cmpf oeq, %select_n3A_693, %eq3A_699 : vector<16xf32>
            %jit3A_701 = arith.constant 1073741824 : i32
            %broadcast_in_dim3A_702 = vector.broadcast %jit3A_701 : i32 to vector<16xi32>
            %select_n3A_703 = arith.select %eq3A_700, %select_n3A_694, %broadcast_in_dim3A_702 : vector<16xi1>, vector<16xi32>
            %reduce_min3A_704 = arith.constant true
            %reduce_min3A_705 = vector.broadcast %reduce_min3A_704 : i1 to vector<16xi1>
            %reduce_min3A_706 = arith.constant -2147483648 : i32
            %reduce_min3A_707 = vector.broadcast %reduce_min3A_706 : i32 to vector<16xi32>
            %reduce_min3A_708 = arith.xori %select_n3A_703, %reduce_min3A_707 : vector<16xi32>
            %reduce_min3A_709 = tpu.scan <min>, %reduce_min3A_708 masked %reduce_min3A_705 : vector<16xi32>, vector<16xi1> -> vector<16xi32>
            %reduce_min3A_710 = arith.xori %reduce_min3A_709, %reduce_min3A_707 : vector<16xi32>
            %reduce_min3A_711 = vector.extract %reduce_min3A_710[15] : i32 from vector<16xi32>
            %jit3A_712 = arith.constant 64 : i32
            %div3A_713 = arith.divsi %reduce_min3A_711, %jit3A_712 : i32
            %sign3A_714 = arith.constant 0 : i32
            %sign3A_715 = arith.cmpi sgt, %reduce_min3A_711, %sign3A_714 : i32
            %sign3A_716 = arith.extui %sign3A_715 : i1 to i32
            %sign3A_717 = arith.constant 0 : i32
            %sign3A_718 = arith.cmpi slt, %reduce_min3A_711, %sign3A_717 : i32
            %sign3A_719 = arith.extui %sign3A_718 : i1 to i32
            %sign3A_720 = arith.subi %sign3A_716, %sign3A_719 : i32
            %sign3A_721 = arith.constant 0 : i32
            %sign3A_722 = arith.cmpi sgt, %jit3A_712, %sign3A_721 : i32
            %sign3A_723 = arith.extui %sign3A_722 : i1 to i32
            %sign3A_724 = arith.constant 0 : i32
            %sign3A_725 = arith.cmpi slt, %jit3A_712, %sign3A_724 : i32
            %sign3A_726 = arith.extui %sign3A_725 : i1 to i32
            %sign3A_727 = arith.subi %sign3A_723, %sign3A_726 : i32
            %ne3A_728 = arith.cmpi ne, %sign3A_720, %sign3A_727 : i32
            %rem3A_729 = arith.remsi %reduce_min3A_711, %jit3A_712 : i32
            %ne3A_730 = arith.constant 0 : i32
            %ne3A_731 = arith.cmpi ne, %rem3A_729, %ne3A_730 : i32
            %and3A_732 = arith.andi %ne3A_728, %ne3A_731 : i1
            %sub3A_733 = arith.constant 1 : i32
            %sub3A_734 = arith.subi %div3A_713, %sub3A_733 : i32
            %select_n3A_735 = arith.select %and3A_732, %sub3A_734, %div3A_713 : i32
            %jit3A_736 = arith.constant 64 : i32
            %eq3A_737 = arith.constant 0 : i32
            %eq3A_738 = arith.cmpi eq, %jit3A_736, %eq3A_737 : i32
            %jit3A_739 = arith.constant 1 : i32
            %select_n3A_740 = arith.select %eq3A_738, %jit3A_739, %jit3A_736 : i32
            %rem3A_741 = arith.remsi %reduce_min3A_711, %select_n3A_740 : i32
            %ne3A_742 = arith.constant 0 : i32
            %ne3A_743 = arith.cmpi ne, %rem3A_741, %ne3A_742 : i32
            %lt3A_744 = arith.constant 0 : i32
            %lt3A_745 = arith.cmpi slt, %rem3A_741, %lt3A_744 : i32
            %lt3A_746 = arith.constant 0 : i32
            %lt3A_747 = arith.cmpi slt, %select_n3A_740, %lt3A_746 : i32
            %ne3A_748 = arith.xori %lt3A_745, %lt3A_747 : i1
            %and3A_749 = arith.andi %ne3A_748, %ne3A_743 : i1
            %add3A_750 = arith.addi %rem3A_741, %select_n3A_740 : i32
            %select_n3A_751 = arith.select %and3A_749, %add3A_750, %rem3A_741 : i32
            %jit3A_752 = arith.constant 16 : i32
            %div3A_753 = arith.divsi %select_n3A_735, %jit3A_752 : i32
            %sign3A_754 = arith.constant 0 : i32
            %sign3A_755 = arith.cmpi sgt, %select_n3A_735, %sign3A_754 : i32
            %sign3A_756 = arith.extui %sign3A_755 : i1 to i32
            %sign3A_757 = arith.constant 0 : i32
            %sign3A_758 = arith.cmpi slt, %select_n3A_735, %sign3A_757 : i32
            %sign3A_759 = arith.extui %sign3A_758 : i1 to i32
            %sign3A_760 = arith.subi %sign3A_756, %sign3A_759 : i32
            %sign3A_761 = arith.constant 0 : i32
            %sign3A_762 = arith.cmpi sgt, %jit3A_752, %sign3A_761 : i32
            %sign3A_763 = arith.extui %sign3A_762 : i1 to i32
            %sign3A_764 = arith.constant 0 : i32
            %sign3A_765 = arith.cmpi slt, %jit3A_752, %sign3A_764 : i32
            %sign3A_766 = arith.extui %sign3A_765 : i1 to i32
            %sign3A_767 = arith.subi %sign3A_763, %sign3A_766 : i32
            %ne3A_768 = arith.cmpi ne, %sign3A_760, %sign3A_767 : i32
            %rem3A_769 = arith.remsi %select_n3A_735, %jit3A_752 : i32
            %ne3A_770 = arith.constant 0 : i32
            %ne3A_771 = arith.cmpi ne, %rem3A_769, %ne3A_770 : i32
            %and3A_772 = arith.andi %ne3A_768, %ne3A_771 : i1
            %sub3A_773 = arith.constant 1 : i32
            %sub3A_774 = arith.subi %div3A_753, %sub3A_773 : i32
            %select_n3A_775 = arith.select %and3A_772, %sub3A_774, %div3A_753 : i32
            %mul3A_776 = arith.constant 16 : i32
            %mul3A_777 = arith.muli %select_n3A_775, %mul3A_776 : i32
            %jit3A_778 = arith.constant 16 : i32
            %eq3A_779 = arith.constant 0 : i32
            %eq3A_780 = arith.cmpi eq, %jit3A_778, %eq3A_779 : i32
            %jit3A_781 = arith.constant 1 : i32
            %select_n3A_782 = arith.select %eq3A_780, %jit3A_781, %jit3A_778 : i32
            %rem3A_783 = arith.remsi %select_n3A_735, %select_n3A_782 : i32
            %ne3A_784 = arith.constant 0 : i32
            %ne3A_785 = arith.cmpi ne, %rem3A_783, %ne3A_784 : i32
            %lt3A_786 = arith.constant 0 : i32
            %lt3A_787 = arith.cmpi slt, %rem3A_783, %lt3A_786 : i32
            %lt3A_788 = arith.constant 0 : i32
            %lt3A_789 = arith.cmpi slt, %select_n3A_782, %lt3A_788 : i32
            %ne3A_790 = arith.xori %lt3A_787, %lt3A_789 : i1
            %and3A_791 = arith.andi %ne3A_790, %ne3A_785 : i1
            %add3A_792 = arith.addi %rem3A_783, %select_n3A_782 : i32
            %select_n3A_793 = arith.select %and3A_791, %add3A_792, %rem3A_783 : i32
            %eq3A_794 = vector.broadcast %select_n3A_793 : i32 to vector<16xi32>
            %eq3A_795 = arith.cmpi eq, %iota3A, %eq3A_794 : vector<16xi32>
            %get3A_796 = arith.index_cast %mul3A_777 : i32 to index
            %get3A_797 = tpu.vector_load %arg9[%get3A_796] {strides = array<i32>} : memref<8736xf32, #tpu.memory_space<vmem>>, vector<16xf32>,
            %jit3A_798 = arith.constant -1.000000e+30 : f32
            %broadcast_in_dim3A_799 = vector.broadcast %jit3A_798 : f32 to vector<16xf32>
            %select_n3A_800 = arith.select %eq3A_795, %get3A_797, %broadcast_in_dim3A_799 : vector<16xi1>, vector<16xf32>
            %reduce_max3A_801 = arith.constant true
            %reduce_max3A_802 = vector.broadcast %reduce_max3A_801 : i1 to vector<16xi1>
            %reduce_max3A_803 = tpu.scan <max>, %select_n3A_800 masked %reduce_max3A_802 : vector<16xf32>, vector<16xi1> -> vector<16xf32>
            %reduce_max3A_804 = vector.extract %reduce_max3A_803[15] : f32 from vector<16xf32>
            %gt3A_805 = arith.constant 9.99999996E-13 : f32
            %gt3A_806 = arith.cmpf ogt, %reduce_max3A_698, %gt3A_805 : f32
            %lt3A_807 = arith.constant -2.500000e+00 : f32
            %lt3A_808 = arith.cmpf olt, %reduce_max3A_804, %lt3A_807 : f32
            %not3A_809 = arith.constant true
            %not3A_810 = arith.xori %lt3A_808, %not3A_809 : i1
            %and3A_811 = arith.andi %gt3A_806, %not3A_810 : i1
            %convert_element_type3A_812 = arith.extui %and3A_811 : i1 to i32
            %cond3A_813 = arith.constant 0 : i32
            %cond3A_814 = arith.cmpi ne, %convert_element_type3A_812, %cond3A_813 : i32
            scf.if %cond3A_814 {
              %jit3A_819 = arith.constant 16 : i32
              %div3A_820 = arith.divsi %select_n3A_751, %jit3A_819 : i32
              %sign3A_821 = arith.constant 0 : i32
              %sign3A_822 = arith.cmpi sgt, %select_n3A_751, %sign3A_821 : i32
              %sign3A_823 = arith.extui %sign3A_822 : i1 to i32
              %sign3A_824 = arith.constant 0 : i32
              %sign3A_825 = arith.cmpi slt, %select_n3A_751, %sign3A_824 : i32
              %sign3A_826 = arith.extui %sign3A_825 : i1 to i32
              %sign3A_827 = arith.subi %sign3A_823, %sign3A_826 : i32
              %sign3A_828 = arith.constant 0 : i32
              %sign3A_829 = arith.cmpi sgt, %jit3A_819, %sign3A_828 : i32
              %sign3A_830 = arith.extui %sign3A_829 : i1 to i32
              %sign3A_831 = arith.constant 0 : i32
              %sign3A_832 = arith.cmpi slt, %jit3A_819, %sign3A_831 : i32
              %sign3A_833 = arith.extui %sign3A_832 : i1 to i32
              %sign3A_834 = arith.subi %sign3A_830, %sign3A_833 : i32
              %ne3A_835 = arith.cmpi ne, %sign3A_827, %sign3A_834 : i32
              %rem3A_836 = arith.remsi %select_n3A_751, %jit3A_819 : i32
              %ne3A_837 = arith.constant 0 : i32
              %ne3A_838 = arith.cmpi ne, %rem3A_836, %ne3A_837 : i32
              %and3A_839 = arith.andi %ne3A_835, %ne3A_838 : i1
              %sub3A_840 = arith.constant 1 : i32
              %sub3A_841 = arith.subi %div3A_820, %sub3A_840 : i32
              %select_n3A_842 = arith.select %and3A_839, %sub3A_841, %div3A_820 : i32
              %mul3A_843 = arith.constant 16 : i32
              %mul3A_844 = arith.muli %select_n3A_842, %mul3A_843 : i32
              %jit3A_845 = arith.constant 16 : i32
              %eq3A_846 = arith.constant 0 : i32
              %eq3A_847 = arith.cmpi eq, %jit3A_845, %eq3A_846 : i32
              %jit3A_848 = arith.constant 1 : i32
              %select_n3A_849 = arith.select %eq3A_847, %jit3A_848, %jit3A_845 : i32
              %rem3A_850 = arith.remsi %select_n3A_751, %select_n3A_849 : i32
              %ne3A_851 = arith.constant 0 : i32
              %ne3A_852 = arith.cmpi ne, %rem3A_850, %ne3A_851 : i32
              %lt3A_853 = arith.constant 0 : i32
              %lt3A_854 = arith.cmpi slt, %rem3A_850, %lt3A_853 : i32
              %lt3A_855 = arith.constant 0 : i32
              %lt3A_856 = arith.cmpi slt, %select_n3A_849, %lt3A_855 : i32
              %ne3A_857 = arith.xori %lt3A_854, %lt3A_856 : i1
              %and3A_858 = arith.andi %ne3A_857, %ne3A_852 : i1
              %add3A_859 = arith.addi %rem3A_850, %select_n3A_849 : i32
              %select_n3A_860 = arith.select %and3A_858, %add3A_859, %rem3A_850 : i32
              %eq3A_861 = vector.broadcast %select_n3A_860 : i32 to vector<16xi32>
              %eq3A_862 = arith.cmpi eq, %iota3A, %eq3A_861 : vector<16xi32>
              %get3A_863 = arith.index_cast %mul3A_844 : i32 to index
              %get3A_864 = tpu.vector_load %arg8[%get3A_863] {strides = array<i32>} : memref<64xi32, #tpu.memory_space<vmem>>, vector<16xi32>,
              %broadcast_in_dim3A_865 = vector.broadcast %select_n3A_735 : i32 to vector<16xi32>
              %select_n3A_866 = arith.select %eq3A_862, %broadcast_in_dim3A_865, %get3A_864 : vector<16xi1>, vector<16xi32>
              %swap3A_867 = arith.index_cast %mul3A_844 : i32 to index
              %swap3A_868 = tpu.vector_load %arg8[%swap3A_867] {strides = array<i32>} : memref<64xi32, #tpu.memory_space<vmem>>, vector<16xi32>,
              tpu.vector_store %arg8[%swap3A_867], %select_n3A_866 {strides = array<i32>} : memref<64xi32, #tpu.memory_space<vmem>>, vector<16xi32>,
              %get3A_869 = arith.index_cast %mul3A_844 : i32 to index
              %get3A_870 = tpu.vector_load %arg6[%get3A_869] {strides = array<i32>} : memref<64xf32, #tpu.memory_space<vmem>>, vector<16xf32>,
              %jit3A_871 = arith.constant -2.000000e+00 : f32
              %broadcast_in_dim3A_872 = vector.broadcast %jit3A_871 : f32 to vector<16xf32>
              %select_n3A_873 = arith.select %eq3A_862, %broadcast_in_dim3A_872, %get3A_870 : vector<16xi1>, vector<16xf32>
              %swap3A_874 = arith.index_cast %mul3A_844 : i32 to index
              %swap3A_875 = tpu.vector_load %arg6[%swap3A_874] {strides = array<i32>} : memref<64xf32, #tpu.memory_space<vmem>>, vector<16xf32>,
              tpu.vector_store %arg6[%swap3A_874], %select_n3A_873 {strides = array<i32>} : memref<64xf32, #tpu.memory_space<vmem>>, vector<16xf32>,
              %jit3A_876 = arith.constant 16 : i32
              %div3A_877 = arith.divsi %select_n3A_735, %jit3A_876 : i32
              %sign3A_878 = arith.constant 0 : i32
              %sign3A_879 = arith.cmpi sgt, %select_n3A_735, %sign3A_878 : i32
              %sign3A_880 = arith.extui %sign3A_879 : i1 to i32
              %sign3A_881 = arith.constant 0 : i32
              %sign3A_882 = arith.cmpi slt, %select_n3A_735, %sign3A_881 : i32
              %sign3A_883 = arith.extui %sign3A_882 : i1 to i32
              %sign3A_884 = arith.subi %sign3A_880, %sign3A_883 : i32
              %sign3A_885 = arith.constant 0 : i32
              %sign3A_886 = arith.cmpi sgt, %jit3A_876, %sign3A_885 : i32
              %sign3A_887 = arith.extui %sign3A_886 : i1 to i32
              %sign3A_888 = arith.constant 0 : i32
              %sign3A_889 = arith.cmpi slt, %jit3A_876, %sign3A_888 : i32
              %sign3A_890 = arith.extui %sign3A_889 : i1 to i32
              %sign3A_891 = arith.subi %sign3A_887, %sign3A_890 : i32
              %ne3A_892 = arith.cmpi ne, %sign3A_884, %sign3A_891 : i32
              %rem3A_893 = arith.remsi %select_n3A_735, %jit3A_876 : i32
              %ne3A_894 = arith.constant 0 : i32
              %ne3A_895 = arith.cmpi ne, %rem3A_893, %ne3A_894 : i32
              %and3A_896 = arith.andi %ne3A_892, %ne3A_895 : i1
              %sub3A_897 = arith.constant 1 : i32
              %sub3A_898 = arith.subi %div3A_877, %sub3A_897 : i32
              %select_n3A_899 = arith.select %and3A_896, %sub3A_898, %div3A_877 : i32
              %mul3A_900 = arith.constant 16 : i32
              %mul3A_901 = arith.muli %select_n3A_899, %mul3A_900 : i32
              %jit3A_902 = arith.constant 16 : i32
              %eq3A_903 = arith.constant 0 : i32
              %eq3A_904 = arith.cmpi eq, %jit3A_902, %eq3A_903 : i32
              %jit3A_905 = arith.constant 1 : i32
              %select_n3A_906 = arith.select %eq3A_904, %jit3A_905, %jit3A_902 : i32
              %rem3A_907 = arith.remsi %select_n3A_735, %select_n3A_906 : i32
              %ne3A_908 = arith.constant 0 : i32
              %ne3A_909 = arith.cmpi ne, %rem3A_907, %ne3A_908 : i32
              %lt3A_910 = arith.constant 0 : i32
              %lt3A_911 = arith.cmpi slt, %rem3A_907, %lt3A_910 : i32
              %lt3A_912 = arith.constant 0 : i32
              %lt3A_913 = arith.cmpi slt, %select_n3A_906, %lt3A_912 : i32
              %ne3A_914 = arith.xori %lt3A_911, %lt3A_913 : i1
              %and3A_915 = arith.andi %ne3A_914, %ne3A_909 : i1
              %add3A_916 = arith.addi %rem3A_907, %select_n3A_906 : i32
              %select_n3A_917 = arith.select %and3A_915, %add3A_916, %rem3A_907 : i32
              %eq3A_918 = vector.broadcast %select_n3A_917 : i32 to vector<16xi32>
              %eq3A_919 = arith.cmpi eq, %iota3A, %eq3A_918 : vector<16xi32>
              %get3A_920 = arith.index_cast %mul3A_901 : i32 to index
              %get3A_921 = tpu.vector_load %arg9[%get3A_920] {strides = array<i32>} : memref<8736xf32, #tpu.memory_space<vmem>>, vector<16xf32>,
              %jit3A_922 = arith.constant -3.000000e+00 : f32
              %broadcast_in_dim3A_923 = vector.broadcast %jit3A_922 : f32 to vector<16xf32>
              %select_n3A_924 = arith.select %eq3A_919, %broadcast_in_dim3A_923, %get3A_921 : vector<16xi1>, vector<16xf32>
              %swap3A_925 = arith.index_cast %mul3A_901 : i32 to index
              %swap3A_926 = tpu.vector_load %arg9[%swap3A_925] {strides = array<i32>} : memref<8736xf32, #tpu.memory_space<vmem>>, vector<16xf32>,
              tpu.vector_store %arg9[%swap3A_925], %select_n3A_924 {strides = array<i32>} : memref<8736xf32, #tpu.memory_space<vmem>>, vector<16xf32>,
            } else {
            }
            %and3A_815 = arith.andi %gt3A_806, %lt3A_808 : i1
            %convert_element_type3A_816 = arith.extui %and3A_815 : i1 to i32
            %cond3A_817 = arith.constant 0 : i32
            %cond3A_818 = arith.cmpi ne, %convert_element_type3A_816, %cond3A_817 : i32
            scf.if %cond3A_818 {
              %scan3A_819 = arith.constant 0 : i32
              %scan3A_820 = arith.constant 50 : i32
              %scan3A_821 = arith.addi %scan3A_819, %scan3A_820 : i32
              %scan3A_822 = arith.constant 1 : i32
              scf.for %scan3A_1003 = %scan3A_819 to %scan3A_821 step %scan3A_822  : i32 {
                %mul3A_1004 = arith.constant 1 : i32
                %mul3A_1005 = arith.muli %scan3A_1003, %mul3A_1004 : i32
                %add3A_1006 = arith.constant 0 : i32
                %add3A_1007 = arith.addi %add3A_1006, %mul3A_1005 : i32
                %dma_start3A_1008 = arith.constant 0 : i32
                %dma_start3A_1009 = tpu.memref_slice %arg2[%add3A_1007, %dma_start3A_1008] : memref<50x8736xf32, #tpu.memory_space<hbm>> -> memref<1x8736xf32, #tpu.memory_space<hbm>>
                %dma_start3A_1010 = tpu.memref_squeeze %dma_start3A_1009 : memref<1x8736xf32, #tpu.memory_space<hbm>> -> memref<8736xf32, #tpu.memory_space<hbm>>
                %dma_start3A_1011 = arith.constant 0 : i32
                %dma_start3A_1012 = tpu.memref_slice %arg2[%add3A_1007, %dma_start3A_1011] : memref<50x8736xf32, #tpu.memory_space<hbm>> -> memref<1x8736xf32, #tpu.memory_space<hbm>>
                %dma_start3A_1013 = tpu.memref_squeeze %dma_start3A_1012 : memref<1x8736xf32, #tpu.memory_space<hbm>> -> memref<8736xf32, #tpu.memory_space<hbm>>
                tpu.enqueue_dma source(%dma_start3A_1013 : memref<8736xf32, #tpu.memory_space<hbm>>) target(%arg10 : memref<8736xf32, #tpu.memory_space<vmem>>) target_semaphore(%arg13 : memref<!tpu.dma_semaphore, #tpu.memory_space<semaphore_mem>>)
                %dma_wait3A_1014 = arith.constant 0 : i32
                %dma_wait3A_1015 = tpu.memref_slice %arg2[%add3A_1007, %dma_wait3A_1014] : memref<50x8736xf32, #tpu.memory_space<hbm>> -> memref<1x8736xf32, #tpu.memory_space<hbm>>
                %dma_wait3A_1016 = tpu.memref_squeeze %dma_wait3A_1015 : memref<1x8736xf32, #tpu.memory_space<hbm>> -> memref<8736xf32, #tpu.memory_space<hbm>>
                %dma_wait3A_1017 = arith.constant 0 : i32
                %dma_wait3A_1018 = tpu.memref_slice %arg2[%add3A_1007, %dma_wait3A_1017] : memref<50x8736xf32, #tpu.memory_space<hbm>> -> memref<1x8736xf32, #tpu.memory_space<hbm>>
                %dma_wait3A_1019 = tpu.memref_squeeze %dma_wait3A_1018 : memref<1x8736xf32, #tpu.memory_space<hbm>> -> memref<8736xf32, #tpu.memory_space<hbm>>
                tpu.wait_dma2 semaphore(%arg13 : memref<!tpu.dma_semaphore, #tpu.memory_space<semaphore_mem>>) src(%dma_wait3A_1019 : memref<8736xf32, #tpu.memory_space<hbm>>) dst(%arg10 : memref<8736xf32, #tpu.memory_space<vmem>>)
                %get3A_1020 = arith.constant 0 : index
                %get3A_1021 = tpu.vector_load %arg10[%get3A_1020] {strides = array<i32>} : memref<8736xf32, #tpu.memory_space<vmem>>, vector<16xf32>,
                %get3A_1022 = arith.constant 0 : index
                %get3A_1023 = tpu.vector_load %arg9[%get3A_1022] {strides = array<i32>} : memref<8736xf32, #tpu.memory_space<vmem>>, vector<16xf32>,
                %add3A_1024 = arith.addf %get3A_1021, %get3A_1023 : vector<16xf32>
                %swap3A_1025 = arith.constant 0 : index
                %swap3A_1026 = tpu.vector_load %arg11[%swap3A_1025] {strides = array<i32>} : memref<16xf32, #tpu.memory_space<vmem>>, vector<16xf32>,
                tpu.vector_store %arg11[%swap3A_1025], %add3A_1024 {strides = array<i32>} : memref<16xf32, #tpu.memory_space<vmem>>, vector<16xf32>,
                %swap3A_1027 = arith.constant 0 : index
                %swap3A_1028 = tpu.vector_load %arg12[%swap3A_1027] {strides = array<i32>} : memref<16xi32, #tpu.memory_space<vmem>>, vector<16xi32>,
                tpu.vector_store %arg12[%swap3A_1027], %iota3A {strides = array<i32>} : memref<16xi32, #tpu.memory_space<vmem>>, vector<16xi32>,
                %scan3A_1029 = arith.constant 0 : i32
                %scan3A_1030 = arith.constant 109 : i32
                %scan3A_1031 = arith.addi %scan3A_1029, %scan3A_1030 : i32
                %scan3A_1032 = arith.constant 1 : i32
                scf.for %scan3A_1119 = %scan3A_1029 to %scan3A_1031 step %scan3A_1032  : i32 {
                  %mul3A_1120 = arith.constant 1 : i32
                  %mul3A_1121 = arith.muli %scan3A_1119, %mul3A_1120 : i32
                  %add3A_1122 = arith.constant 0 : i32
                  %add3A_1123 = arith.addi %add3A_1122, %mul3A_1121 : i32
                  %mul3A_1124 = arith.constant 5 : i32
                  %mul3A_1125 = arith.muli %add3A_1123, %mul3A_1124 : i32
                  %add3A_1126 = arith.constant 1 : i32
                  %add3A_1127 = arith.addi %add3A_1126, %mul3A_1125 : i32
                  %add3A_1128 = arith.constant 0 : i32
                  %add3A_1129 = arith.addi %add3A_1127, %add3A_1128 : i32
                  %mul3A_1130 = arith.constant 16 : i32
                  %mul3A_1131 = arith.muli %add3A_1129, %mul3A_1130 : i32
                  %get3A_1132 = arith.index_cast %mul3A_1131 : i32 to index
                  %get3A_1133 = tpu.vector_load %arg10[%get3A_1132] {strides = array<i32>} : memref<8736xf32, #tpu.memory_space<vmem>>, vector<16xf32>,
                  %mul3A_1134 = arith.constant 16 : i32
                  %mul3A_1135 = arith.muli %add3A_1129, %mul3A_1134 : i32
                  %get3A_1136 = arith.index_cast %mul3A_1135 : i32 to index
                  %get3A_1137 = tpu.vector_load %arg9[%get3A_1136] {strides = array<i32>} : memref<8736xf32, #tpu.memory_space<vmem>>, vector<16xf32>,
                  %add3A_1138 = arith.addf %get3A_1133, %get3A_1137 : vector<16xf32>
                  %get3A_1139 = arith.constant 0 : index
                  %get3A_1140 = tpu.vector_load %arg11[%get3A_1139] {strides = array<i32>} : memref<16xf32, #tpu.memory_space<vmem>>, vector<16xf32>,
                  %gt3A_1141 = arith.cmpf ogt, %add3A_1138, %get3A_1140 : vector<16xf32>
                  %select_n3A_1142 = arith.select %gt3A_1141, %add3A_1138, %get3A_1140 : vector<16xi1>, vector<16xf32>
                  %swap3A_1143 = arith.constant 0 : index
                  %swap3A_1144 = tpu.vector_load %arg11[%swap3A_1143] {strides = array<i32>} : memref<16xf32, #tpu.memory_space<vmem>>, vector<16xf32>,
                  tpu.vector_store %arg11[%swap3A_1143], %select_n3A_1142 {strides = array<i32>} : memref<16xf32, #tpu.memory_space<vmem>>, vector<16xf32>,
                  %mul3A_1145 = arith.constant 16 : i32
                  %mul3A_1146 = arith.muli %add3A_1129, %mul3A_1145 : i32
                  %add3A_1147 = vector.broadcast %mul3A_1146 : i32 to vector<16xi32>
                  %add3A_1148 = arith.addi %iota3A, %add3A_1147 : vector<16xi32>
                  %get3A_1149 = arith.constant 0 : index
                  %get3A_1150 = tpu.vector_load %arg12[%get3A_1149] {strides = array<i32>} : memref<16xi32, #tpu.memory_space<vmem>>, vector<16xi32>,
                  %select_n3A_1151 = arith.select %gt3A_1141, %add3A_1148, %get3A_1150 : vector<16xi1>, vector<16xi32>
                  %swap3A_1152 = arith.constant 0 : index
                  %swap3A_1153 = tpu.vector_load %arg12[%swap3A_1152] {strides = array<i32>} : memref<16xi32, #tpu.memory_space<vmem>>, vector<16xi32>,
                  tpu.vector_store %arg12[%swap3A_1152], %select_n3A_1151 {strides = array<i32>} : memref<16xi32, #tpu.memory_space<vmem>>, vector<16xi32>,
                  %mul3A_1154 = arith.constant 5 : i32
                  %mul3A_1155 = arith.muli %add3A_1123, %mul3A_1154 : i32
                  %add3A_1156 = arith.constant 1 : i32
                  %add3A_1157 = arith.addi %add3A_1156, %mul3A_1155 : i32
                  %add3A_1158 = arith.constant 1 : i32
                  %add3A_1159 = arith.addi %add3A_1157, %add3A_1158 : i32
                  %mul3A_1160 = arith.constant 16 : i32
                  %mul3A_1161 = arith.muli %add3A_1159, %mul3A_1160 : i32
                  %get3A_1162 = arith.index_cast %mul3A_1161 : i32 to index
                  %get3A_1163 = tpu.vector_load %arg10[%get3A_1162] {strides = array<i32>} : memref<8736xf32, #tpu.memory_space<vmem>>, vector<16xf32>,
                  %mul3A_1164 = arith.constant 16 : i32
                  %mul3A_1165 = arith.muli %add3A_1159, %mul3A_1164 : i32
                  %get3A_1166 = arith.index_cast %mul3A_1165 : i32 to index
                  %get3A_1167 = tpu.vector_load %arg9[%get3A_1166] {strides = array<i32>} : memref<8736xf32, #tpu.memory_space<vmem>>, vector<16xf32>,
                  %add3A_1168 = arith.addf %get3A_1163, %get3A_1167 : vector<16xf32>
                  %get3A_1169 = arith.constant 0 : index
                  %get3A_1170 = tpu.vector_load %arg11[%get3A_1169] {strides = array<i32>} : memref<16xf32, #tpu.memory_space<vmem>>, vector<16xf32>,
                  %gt3A_1171 = arith.cmpf ogt, %add3A_1168, %get3A_1170 : vector<16xf32>
                  %select_n3A_1172 = arith.select %gt3A_1171, %add3A_1168, %get3A_1170 : vector<16xi1>, vector<16xf32>
                  %swap3A_1173 = arith.constant 0 : index
                  %swap3A_1174 = tpu.vector_load %arg11[%swap3A_1173] {strides = array<i32>} : memref<16xf32, #tpu.memory_space<vmem>>, vector<16xf32>,
                  tpu.vector_store %arg11[%swap3A_1173], %select_n3A_1172 {strides = array<i32>} : memref<16xf32, #tpu.memory_space<vmem>>, vector<16xf32>,
                  %mul3A_1175 = arith.constant 16 : i32
                  %mul3A_1176 = arith.muli %add3A_1159, %mul3A_1175 : i32
                  %add3A_1177 = vector.broadcast %mul3A_1176 : i32 to vector<16xi32>
                  %add3A_1178 = arith.addi %iota3A, %add3A_1177 : vector<16xi32>
                  %get3A_1179 = arith.constant 0 : index
                  %get3A_1180 = tpu.vector_load %arg12[%get3A_1179] {strides = array<i32>} : memref<16xi32, #tpu.memory_space<vmem>>, vector<16xi32>,
                  %select_n3A_1181 = arith.select %gt3A_1171, %add3A_1178, %get3A_1180 : vector<16xi1>, vector<16xi32>
                  %swap3A_1182 = arith.constant 0 : index
                  %swap3A_1183 = tpu.vector_load %arg12[%swap3A_1182] {strides = array<i32>} : memref<16xi32, #tpu.memory_space<vmem>>, vector<16xi32>,
                  tpu.vector_store %arg12[%swap3A_1182], %select_n3A_1181 {strides = array<i32>} : memref<16xi32, #tpu.memory_space<vmem>>, vector<16xi32>,
                  %mul3A_1184 = arith.constant 5 : i32
                  %mul3A_1185 = arith.muli %add3A_1123, %mul3A_1184 : i32
                  %add3A_1186 = arith.constant 1 : i32
                  %add3A_1187 = arith.addi %add3A_1186, %mul3A_1185 : i32
                  %add3A_1188 = arith.constant 2 : i32
                  %add3A_1189 = arith.addi %add3A_1187, %add3A_1188 : i32
                  %mul3A_1190 = arith.constant 16 : i32
                  %mul3A_1191 = arith.muli %add3A_1189, %mul3A_1190 : i32
                  %get3A_1192 = arith.index_cast %mul3A_1191 : i32 to index
                  %get3A_1193 = tpu.vector_load %arg10[%get3A_1192] {strides = array<i32>} : memref<8736xf32, #tpu.memory_space<vmem>>, vector<16xf32>,
                  %mul3A_1194 = arith.constant 16 : i32
                  %mul3A_1195 = arith.muli %add3A_1189, %mul3A_1194 : i32
                  %get3A_1196 = arith.index_cast %mul3A_1195 : i32 to index
                  %get3A_1197 = tpu.vector_load %arg9[%get3A_1196] {strides = array<i32>} : memref<8736xf32, #tpu.memory_space<vmem>>, vector<16xf32>,
                  %add3A_1198 = arith.addf %get3A_1193, %get3A_1197 : vector<16xf32>
                  %get3A_1199 = arith.constant 0 : index
                  %get3A_1200 = tpu.vector_load %arg11[%get3A_1199] {strides = array<i32>} : memref<16xf32, #tpu.memory_space<vmem>>, vector<16xf32>,
                  %gt3A_1201 = arith.cmpf ogt, %add3A_1198, %get3A_1200 : vector<16xf32>
                  %select_n3A_1202 = arith.select %gt3A_1201, %add3A_1198, %get3A_1200 : vector<16xi1>, vector<16xf32>
                  %swap3A_1203 = arith.constant 0 : index
                  %swap3A_1204 = tpu.vector_load %arg11[%swap3A_1203] {strides = array<i32>} : memref<16xf32, #tpu.memory_space<vmem>>, vector<16xf32>,
                  tpu.vector_store %arg11[%swap3A_1203], %select_n3A_1202 {strides = array<i32>} : memref<16xf32, #tpu.memory_space<vmem>>, vector<16xf32>,
                  %mul3A_1205 = arith.constant 16 : i32
                  %mul3A_1206 = arith.muli %add3A_1189, %mul3A_1205 : i32
                  %add3A_1207 = vector.broadcast %mul3A_1206 : i32 to vector<16xi32>
                  %add3A_1208 = arith.addi %iota3A, %add3A_1207 : vector<16xi32>
                  %get3A_1209 = arith.constant 0 : index
                  %get3A_1210 = tpu.vector_load %arg12[%get3A_1209] {strides = array<i32>} : memref<16xi32, #tpu.memory_space<vmem>>, vector<16xi32>,
                  %select_n3A_1211 = arith.select %gt3A_1201, %add3A_1208, %get3A_1210 : vector<16xi1>, vector<16xi32>
                  %swap3A_1212 = arith.constant 0 : index
                  %swap3A_1213 = tpu.vector_load %arg12[%swap3A_1212] {strides = array<i32>} : memref<16xi32, #tpu.memory_space<vmem>>, vector<16xi32>,
                  tpu.vector_store %arg12[%swap3A_1212], %select_n3A_1211 {strides = array<i32>} : memref<16xi32, #tpu.memory_space<vmem>>, vector<16xi32>,
                  %mul3A_1214 = arith.constant 5 : i32
                  %mul3A_1215 = arith.muli %add3A_1123, %mul3A_1214 : i32
                  %add3A_1216 = arith.constant 1 : i32
                  %add3A_1217 = arith.addi %add3A_1216, %mul3A_1215 : i32
                  %add3A_1218 = arith.constant 3 : i32
                  %add3A_1219 = arith.addi %add3A_1217, %add3A_1218 : i32
                  %mul3A_1220 = arith.constant 16 : i32
                  %mul3A_1221 = arith.muli %add3A_1219, %mul3A_1220 : i32
                  %get3A_1222 = arith.index_cast %mul3A_1221 : i32 to index
                  %get3A_1223 = tpu.vector_load %arg10[%get3A_1222] {strides = array<i32>} : memref<8736xf32, #tpu.memory_space<vmem>>, vector<16xf32>,
                  %mul3A_1224 = arith.constant 16 : i32
                  %mul3A_1225 = arith.muli %add3A_1219, %mul3A_1224 : i32
                  %get3A_1226 = arith.index_cast %mul3A_1225 : i32 to index
                  %get3A_1227 = tpu.vector_load %arg9[%get3A_1226] {strides = array<i32>} : memref<8736xf32, #tpu.memory_space<vmem>>, vector<16xf32>,
                  %add3A_1228 = arith.addf %get3A_1223, %get3A_1227 : vector<16xf32>
                  %get3A_1229 = arith.constant 0 : index
                  %get3A_1230 = tpu.vector_load %arg11[%get3A_1229] {strides = array<i32>} : memref<16xf32, #tpu.memory_space<vmem>>, vector<16xf32>,
                  %gt3A_1231 = arith.cmpf ogt, %add3A_1228, %get3A_1230 : vector<16xf32>
                  %select_n3A_1232 = arith.select %gt3A_1231, %add3A_1228, %get3A_1230 : vector<16xi1>, vector<16xf32>
                  %swap3A_1233 = arith.constant 0 : index
                  %swap3A_1234 = tpu.vector_load %arg11[%swap3A_1233] {strides = array<i32>} : memref<16xf32, #tpu.memory_space<vmem>>, vector<16xf32>,
                  tpu.vector_store %arg11[%swap3A_1233], %select_n3A_1232 {strides = array<i32>} : memref<16xf32, #tpu.memory_space<vmem>>, vector<16xf32>,
                  %mul3A_1235 = arith.constant 16 : i32
                  %mul3A_1236 = arith.muli %add3A_1219, %mul3A_1235 : i32
                  %add3A_1237 = vector.broadcast %mul3A_1236 : i32 to vector<16xi32>
                  %add3A_1238 = arith.addi %iota3A, %add3A_1237 : vector<16xi32>
                  %get3A_1239 = arith.constant 0 : index
                  %get3A_1240 = tpu.vector_load %arg12[%get3A_1239] {strides = array<i32>} : memref<16xi32, #tpu.memory_space<vmem>>, vector<16xi32>,
                  %select_n3A_1241 = arith.select %gt3A_1231, %add3A_1238, %get3A_1240 : vector<16xi1>, vector<16xi32>
                  %swap3A_1242 = arith.constant 0 : index
                  %swap3A_1243 = tpu.vector_load %arg12[%swap3A_1242] {strides = array<i32>} : memref<16xi32, #tpu.memory_space<vmem>>, vector<16xi32>,
                  tpu.vector_store %arg12[%swap3A_1242], %select_n3A_1241 {strides = array<i32>} : memref<16xi32, #tpu.memory_space<vmem>>, vector<16xi32>,
                  %mul3A_1244 = arith.constant 5 : i32
                  %mul3A_1245 = arith.muli %add3A_1123, %mul3A_1244 : i32
                  %add3A_1246 = arith.constant 1 : i32
                  %add3A_1247 = arith.addi %add3A_1246, %mul3A_1245 : i32
                  %add3A_1248 = arith.constant 4 : i32
                  %add3A_1249 = arith.addi %add3A_1247, %add3A_1248 : i32
                  %mul3A_1250 = arith.constant 16 : i32
                  %mul3A_1251 = arith.muli %add3A_1249, %mul3A_1250 : i32
                  %get3A_1252 = arith.index_cast %mul3A_1251 : i32 to index
                  %get3A_1253 = tpu.vector_load %arg10[%get3A_1252] {strides = array<i32>} : memref<8736xf32, #tpu.memory_space<vmem>>, vector<16xf32>,
                  %mul3A_1254 = arith.constant 16 : i32
                  %mul3A_1255 = arith.muli %add3A_1249, %mul3A_1254 : i32
                  %get3A_1256 = arith.index_cast %mul3A_1255 : i32 to index
                  %get3A_1257 = tpu.vector_load %arg9[%get3A_1256] {strides = array<i32>} : memref<8736xf32, #tpu.memory_space<vmem>>, vector<16xf32>,
                  %add3A_1258 = arith.addf %get3A_1253, %get3A_1257 : vector<16xf32>
                  %get3A_1259 = arith.constant 0 : index
                  %get3A_1260 = tpu.vector_load %arg11[%get3A_1259] {strides = array<i32>} : memref<16xf32, #tpu.memory_space<vmem>>, vector<16xf32>,
                  %gt3A_1261 = arith.cmpf ogt, %add3A_1258, %get3A_1260 : vector<16xf32>
                  %select_n3A_1262 = arith.select %gt3A_1261, %add3A_1258, %get3A_1260 : vector<16xi1>, vector<16xf32>
                  %swap3A_1263 = arith.constant 0 : index
                  %swap3A_1264 = tpu.vector_load %arg11[%swap3A_1263] {strides = array<i32>} : memref<16xf32, #tpu.memory_space<vmem>>, vector<16xf32>,
                  tpu.vector_store %arg11[%swap3A_1263], %select_n3A_1262 {strides = array<i32>} : memref<16xf32, #tpu.memory_space<vmem>>, vector<16xf32>,
                  %mul3A_1265 = arith.constant 16 : i32
                  %mul3A_1266 = arith.muli %add3A_1249, %mul3A_1265 : i32
                  %add3A_1267 = vector.broadcast %mul3A_1266 : i32 to vector<16xi32>
                  %add3A_1268 = arith.addi %iota3A, %add3A_1267 : vector<16xi32>
                  %get3A_1269 = arith.constant 0 : index
                  %get3A_1270 = tpu.vector_load %arg12[%get3A_1269] {strides = array<i32>} : memref<16xi32, #tpu.memory_space<vmem>>, vector<16xi32>,
                  %select_n3A_1271 = arith.select %gt3A_1261, %add3A_1268, %get3A_1270 : vector<16xi1>, vector<16xi32>
                  %swap3A_1272 = arith.constant 0 : index
                  %swap3A_1273 = tpu.vector_load %arg12[%swap3A_1272] {strides = array<i32>} : memref<16xi32, #tpu.memory_space<vmem>>, vector<16xi32>,
                  tpu.vector_store %arg12[%swap3A_1272], %select_n3A_1271 {strides = array<i32>} : memref<16xi32, #tpu.memory_space<vmem>>, vector<16xi32>,
                }
                %scan3A_1033 = arith.constant 109 : i32
                %get3A_1034 = arith.constant 0 : index
                %get3A_1035 = tpu.vector_load %arg11[%get3A_1034] {strides = array<i32>} : memref<16xf32, #tpu.memory_space<vmem>>, vector<16xf32>,
                %reduce_max3A_1036 = arith.constant true
                %reduce_max3A_1037 = vector.broadcast %reduce_max3A_1036 : i1 to vector<16xi1>
                %reduce_max3A_1038 = tpu.scan <max>, %get3A_1035 masked %reduce_max3A_1037 : vector<16xf32>, vector<16xi1> -> vector<16xf32>
                %reduce_max3A_1039 = vector.extract %reduce_max3A_1038[15] : f32 from vector<16xf32>
                %get3A_1040 = arith.constant 0 : index
                %get3A_1041 = tpu.vector_load %arg11[%get3A_1040] {strides = array<i32>} : memref<16xf32, #tpu.memory_space<vmem>>, vector<16xf32>,
                %eq3A_1042 = vector.broadcast %reduce_max3A_1039 : f32 to vector<16xf32>
                %eq3A_1043 = arith.cmpf oeq, %get3A_1041, %eq3A_1042 : vector<16xf32>
                %get3A_1044 = arith.constant 0 : index
                %get3A_1045 = tpu.vector_load %arg12[%get3A_1044] {strides = array<i32>} : memref<16xi32, #tpu.memory_space<vmem>>, vector<16xi32>,
                %jit3A_1046 = arith.constant 1073741824 : i32
                %broadcast_in_dim3A_1047 = vector.broadcast %jit3A_1046 : i32 to vector<16xi32>
                %select_n3A_1048 = arith.select %eq3A_1043, %get3A_1045, %broadcast_in_dim3A_1047 : vector<16xi1>, vector<16xi32>
                %reduce_min3A_1049 = arith.constant true
                %reduce_min3A_1050 = vector.broadcast %reduce_min3A_1049 : i1 to vector<16xi1>
                %reduce_min3A_1051 = arith.constant -2147483648 : i32
                %reduce_min3A_1052 = vector.broadcast %reduce_min3A_1051 : i32 to vector<16xi32>
                %reduce_min3A_1053 = arith.xori %select_n3A_1048, %reduce_min3A_1052 : vector<16xi32>
                %reduce_min3A_1054 = tpu.scan <min>, %reduce_min3A_1053 masked %reduce_min3A_1050 : vector<16xi32>, vector<16xi1> -> vector<16xi32>
                %reduce_min3A_1055 = arith.xori %reduce_min3A_1054, %reduce_min3A_1052 : vector<16xi32>
                %reduce_min3A_1056 = vector.extract %reduce_min3A_1055[15] : i32 from vector<16xi32>
                %jit3A_1057 = arith.constant 16 : i32
                %div3A_1058 = arith.divsi %add3A_1007, %jit3A_1057 : i32
                %sign3A_1059 = arith.constant 0 : i32
                %sign3A_1060 = arith.cmpi sgt, %add3A_1007, %sign3A_1059 : i32
                %sign3A_1061 = arith.extui %sign3A_1060 : i1 to i32
                %sign3A_1062 = arith.constant 0 : i32
                %sign3A_1063 = arith.cmpi slt, %add3A_1007, %sign3A_1062 : i32
                %sign3A_1064 = arith.extui %sign3A_1063 : i1 to i32
                %sign3A_1065 = arith.subi %sign3A_1061, %sign3A_1064 : i32
                %sign3A_1066 = arith.constant 0 : i32
                %sign3A_1067 = arith.cmpi sgt, %jit3A_1057, %sign3A_1066 : i32
                %sign3A_1068 = arith.extui %sign3A_1067 : i1 to i32
                %sign3A_1069 = arith.constant 0 : i32
                %sign3A_1070 = arith.cmpi slt, %jit3A_1057, %sign3A_1069 : i32
                %sign3A_1071 = arith.extui %sign3A_1070 : i1 to i32
                %sign3A_1072 = arith.subi %sign3A_1068, %sign3A_1071 : i32
                %ne3A_1073 = arith.cmpi ne, %sign3A_1065, %sign3A_1072 : i32
                %rem3A_1074 = arith.remsi %add3A_1007, %jit3A_1057 : i32
                %ne3A_1075 = arith.constant 0 : i32
                %ne3A_1076 = arith.cmpi ne, %rem3A_1074, %ne3A_1075 : i32
                %and3A_1077 = arith.andi %ne3A_1073, %ne3A_1076 : i1
                %sub3A_1078 = arith.constant 1 : i32
                %sub3A_1079 = arith.subi %div3A_1058, %sub3A_1078 : i32
                %select_n3A_1080 = arith.select %and3A_1077, %sub3A_1079, %div3A_1058 : i32
                %mul3A_1081 = arith.constant 16 : i32
                %mul3A_1082 = arith.muli %select_n3A_1080, %mul3A_1081 : i32
                %jit3A_1083 = arith.constant 16 : i32
                %eq3A_1084 = arith.constant 0 : i32
                %eq3A_1085 = arith.cmpi eq, %jit3A_1083, %eq3A_1084 : i32
                %jit3A_1086 = arith.constant 1 : i32
                %select_n3A_1087 = arith.select %eq3A_1085, %jit3A_1086, %jit3A_1083 : i32
                %rem3A_1088 = arith.remsi %add3A_1007, %select_n3A_1087 : i32
                %ne3A_1089 = arith.constant 0 : i32
                %ne3A_1090 = arith.cmpi ne, %rem3A_1088, %ne3A_1089 : i32
                %lt3A_1091 = arith.constant 0 : i32
                %lt3A_1092 = arith.cmpi slt, %rem3A_1088, %lt3A_1091 : i32
                %lt3A_1093 = arith.constant 0 : i32
                %lt3A_1094 = arith.cmpi slt, %select_n3A_1087, %lt3A_1093 : i32
                %ne3A_1095 = arith.xori %lt3A_1092, %lt3A_1094 : i1
                %and3A_1096 = arith.andi %ne3A_1095, %ne3A_1090 : i1
                %add3A_1097 = arith.addi %rem3A_1088, %select_n3A_1087 : i32
                %select_n3A_1098 = arith.select %and3A_1096, %add3A_1097, %rem3A_1088 : i32
                %eq3A_1099 = vector.broadcast %select_n3A_1098 : i32 to vector<16xi32>
                %eq3A_1100 = arith.cmpi eq, %iota3A, %eq3A_1099 : vector<16xi32>
                %get3A_1101 = arith.index_cast %mul3A_1082 : i32 to index
                %get3A_1102 = tpu.vector_load %arg6[%get3A_1101] {strides = array<i32>} : memref<64xf32, #tpu.memory_space<vmem>>, vector<16xf32>,
                %gt3A_1103 = arith.constant -1.500000e+00 : f32
                %gt3A_1104 = vector.broadcast %gt3A_1103 : f32 to vector<16xf32>
                %gt3A_1105 = arith.cmpf ogt, %get3A_1102, %gt3A_1104 : vector<16xf32>
                %and3A_1106 = arith.andi %eq3A_1100, %gt3A_1105 : vector<16xi1>
                %get3A_1107 = arith.index_cast %mul3A_1082 : i32 to index
                %get3A_1108 = tpu.vector_load %arg6[%get3A_1107] {strides = array<i32>} : memref<64xf32, #tpu.memory_space<vmem>>, vector<16xf32>,
                %broadcast_in_dim3A_1109 = vector.broadcast %reduce_max3A_1039 : f32 to vector<16xf32>
                %select_n3A_1110 = arith.select %and3A_1106, %broadcast_in_dim3A_1109, %get3A_1108 : vector<16xi1>, vector<16xf32>
                %swap3A_1111 = arith.index_cast %mul3A_1082 : i32 to index
                %swap3A_1112 = tpu.vector_load %arg6[%swap3A_1111] {strides = array<i32>} : memref<64xf32, #tpu.memory_space<vmem>>, vector<16xf32>,
                tpu.vector_store %arg6[%swap3A_1111], %select_n3A_1110 {strides = array<i32>} : memref<64xf32, #tpu.memory_space<vmem>>, vector<16xf32>,
                %get3A_1113 = arith.index_cast %mul3A_1082 : i32 to index
                %get3A_1114 = tpu.vector_load %arg7[%get3A_1113] {strides = array<i32>} : memref<64xi32, #tpu.memory_space<vmem>>, vector<16xi32>,
                %broadcast_in_dim3A_1115 = vector.broadcast %reduce_min3A_1056 : i32 to vector<16xi32>
                %select_n3A_1116 = arith.select %and3A_1106, %broadcast_in_dim3A_1115, %get3A_1114 : vector<16xi1>, vector<16xi32>
                %swap3A_1117 = arith.index_cast %mul3A_1082 : i32 to index
                %swap3A_1118 = tpu.vector_load %arg7[%swap3A_1117] {strides = array<i32>} : memref<64xi32, #tpu.memory_space<vmem>>, vector<16xi32>,
                tpu.vector_store %arg7[%swap3A_1117], %select_n3A_1116 {strides = array<i32>} : memref<64xi32, #tpu.memory_space<vmem>>, vector<16xi32>,
              }
              %scan3A_823 = arith.constant 50 : i32
              %get3A_824 = arith.constant 0 : index
              %get3A_825 = tpu.vector_load %arg6[%get3A_824] {strides = array<i32>} : memref<64xf32, #tpu.memory_space<vmem>>, vector<16xf32>,
              %get3A_826 = arith.constant 0 : index
              %get3A_827 = tpu.vector_load %arg7[%get3A_826] {strides = array<i32>} : memref<64xi32, #tpu.memory_space<vmem>>, vector<16xi32>,
              %mul3A_828 = arith.constant 64 : i32
              %mul3A_829 = vector.broadcast %mul3A_828 : i32 to vector<16xi32>
              %mul3A_830 = arith.muli %get3A_827, %mul3A_829 : vector<16xi32>
              %add3A_831 = arith.addi %mul3A_830, %iota3A : vector<16xi32>
              %get3A_832 = arith.constant 16 : index
              %get3A_833 = tpu.vector_load %arg6[%get3A_832] {strides = array<i32>} : memref<64xf32, #tpu.memory_space<vmem>>, vector<16xf32>,
              %get3A_834 = arith.constant 16 : index
              %get3A_835 = tpu.vector_load %arg7[%get3A_834] {strides = array<i32>} : memref<64xi32, #tpu.memory_space<vmem>>, vector<16xi32>,
              %mul3A_836 = arith.constant 64 : i32
              %mul3A_837 = vector.broadcast %mul3A_836 : i32 to vector<16xi32>
              %mul3A_838 = arith.muli %get3A_835, %mul3A_837 : vector<16xi32>
              %add3A_839 = arith.constant 16 : i32
              %add3A_840 = vector.broadcast %add3A_839 : i32 to vector<16xi32>
              %add3A_841 = arith.addi %iota3A, %add3A_840 : vector<16xi32>
              %add3A_842 = arith.addi %mul3A_838, %add3A_841 : vector<16xi32>
              %gt3A_843 = arith.cmpf ogt, %get3A_833, %get3A_825 : vector<16xf32>
              %eq3A_844 = arith.cmpf oeq, %get3A_833, %get3A_825 : vector<16xf32>
              %lt3A_845 = arith.cmpi slt, %add3A_842, %add3A_831 : vector<16xi32>
              %and3A_846 = arith.andi %eq3A_844, %lt3A_845 : vector<16xi1>
              %or3A_847 = arith.ori %gt3A_843, %and3A_846 : vector<16xi1>
              %select_n3A_848 = arith.select %or3A_847, %get3A_833, %get3A_825 : vector<16xi1>, vector<16xf32>
              %select_n3A_849 = arith.select %or3A_847, %add3A_842, %add3A_831 : vector<16xi1>, vector<16xi32>
              %get3A_850 = arith.constant 32 : index
              %get3A_851 = tpu.vector_load %arg6[%get3A_850] {strides = array<i32>} : memref<64xf32, #tpu.memory_space<vmem>>, vector<16xf32>,
              %get3A_852 = arith.constant 32 : index
              %get3A_853 = tpu.vector_load %arg7[%get3A_852] {strides = array<i32>} : memref<64xi32, #tpu.memory_space<vmem>>, vector<16xi32>,
              %mul3A_854 = arith.constant 64 : i32
              %mul3A_855 = vector.broadcast %mul3A_854 : i32 to vector<16xi32>
              %mul3A_856 = arith.muli %get3A_853, %mul3A_855 : vector<16xi32>
              %add3A_857 = arith.constant 32 : i32
              %add3A_858 = vector.broadcast %add3A_857 : i32 to vector<16xi32>
              %add3A_859 = arith.addi %iota3A, %add3A_858 : vector<16xi32>
              %add3A_860 = arith.addi %mul3A_856, %add3A_859 : vector<16xi32>
              %gt3A_861 = arith.cmpf ogt, %get3A_851, %select_n3A_848 : vector<16xf32>
              %eq3A_862 = arith.cmpf oeq, %get3A_851, %select_n3A_848 : vector<16xf32>
              %lt3A_863 = arith.cmpi slt, %add3A_860, %select_n3A_849 : vector<16xi32>
              %and3A_864 = arith.andi %eq3A_862, %lt3A_863 : vector<16xi1>
              %or3A_865 = arith.ori %gt3A_861, %and3A_864 : vector<16xi1>
              %select_n3A_866 = arith.select %or3A_865, %get3A_851, %select_n3A_848 : vector<16xi1>, vector<16xf32>
              %select_n3A_867 = arith.select %or3A_865, %add3A_860, %select_n3A_849 : vector<16xi1>, vector<16xi32>
              %get3A_868 = arith.constant 48 : index
              %get3A_869 = tpu.vector_load %arg6[%get3A_868] {strides = array<i32>} : memref<64xf32, #tpu.memory_space<vmem>>, vector<16xf32>,
              %get3A_870 = arith.constant 48 : index
              %get3A_871 = tpu.vector_load %arg7[%get3A_870] {strides = array<i32>} : memref<64xi32, #tpu.memory_space<vmem>>, vector<16xi32>,
              %mul3A_872 = arith.constant 64 : i32
              %mul3A_873 = vector.broadcast %mul3A_872 : i32 to vector<16xi32>
              %mul3A_874 = arith.muli %get3A_871, %mul3A_873 : vector<16xi32>
              %add3A_875 = arith.constant 48 : i32
              %add3A_876 = vector.broadcast %add3A_875 : i32 to vector<16xi32>
              %add3A_877 = arith.addi %iota3A, %add3A_876 : vector<16xi32>
              %add3A_878 = arith.addi %mul3A_874, %add3A_877 : vector<16xi32>
              %gt3A_879 = arith.cmpf ogt, %get3A_869, %select_n3A_866 : vector<16xf32>
              %eq3A_880 = arith.cmpf oeq, %get3A_869, %select_n3A_866 : vector<16xf32>
              %lt3A_881 = arith.cmpi slt, %add3A_878, %select_n3A_867 : vector<16xi32>
              %and3A_882 = arith.andi %eq3A_880, %lt3A_881 : vector<16xi1>
              %or3A_883 = arith.ori %gt3A_879, %and3A_882 : vector<16xi1>
              %select_n3A_884 = arith.select %or3A_883, %get3A_869, %select_n3A_866 : vector<16xi1>, vector<16xf32>
              %select_n3A_885 = arith.select %or3A_883, %add3A_878, %select_n3A_867 : vector<16xi1>, vector<16xi32>
              %reduce_max3A_886 = arith.constant true
              %reduce_max3A_887 = vector.broadcast %reduce_max3A_886 : i1 to vector<16xi1>
              %reduce_max3A_888 = tpu.scan <max>, %select_n3A_884 masked %reduce_max3A_887 : vector<16xf32>, vector<16xi1> -> vector<16xf32>
              %reduce_max3A_889 = vector.extract %reduce_max3A_888[15] : f32 from vector<16xf32>
              %eq3A_890 = vector.broadcast %reduce_max3A_889 : f32 to vector<16xf32>
              %eq3A_891 = arith.cmpf oeq, %select_n3A_884, %eq3A_890 : vector<16xf32>
              %jit3A_892 = arith.constant 1073741824 : i32
              %broadcast_in_dim3A_893 = vector.broadcast %jit3A_892 : i32 to vector<16xi32>
              %select_n3A_894 = arith.select %eq3A_891, %select_n3A_885, %broadcast_in_dim3A_893 : vector<16xi1>, vector<16xi32>
              %reduce_min3A_895 = arith.constant true
              %reduce_min3A_896 = vector.broadcast %reduce_min3A_895 : i1 to vector<16xi1>
              %reduce_min3A_897 = arith.constant -2147483648 : i32
              %reduce_min3A_898 = vector.broadcast %reduce_min3A_897 : i32 to vector<16xi32>
              %reduce_min3A_899 = arith.xori %select_n3A_894, %reduce_min3A_898 : vector<16xi32>
              %reduce_min3A_900 = tpu.scan <min>, %reduce_min3A_899 masked %reduce_min3A_896 : vector<16xi32>, vector<16xi1> -> vector<16xi32>
              %reduce_min3A_901 = arith.xori %reduce_min3A_900, %reduce_min3A_898 : vector<16xi32>
              %reduce_min3A_902 = vector.extract %reduce_min3A_901[15] : i32 from vector<16xi32>
              %jit3A_903 = arith.constant 64 : i32
              %div3A_904 = arith.divsi %reduce_min3A_902, %jit3A_903 : i32
              %sign3A_905 = arith.constant 0 : i32
              %sign3A_906 = arith.cmpi sgt, %reduce_min3A_902, %sign3A_905 : i32
              %sign3A_907 = arith.extui %sign3A_906 : i1 to i32
              %sign3A_908 = arith.constant 0 : i32
              %sign3A_909 = arith.cmpi slt, %reduce_min3A_902, %sign3A_908 : i32
              %sign3A_910 = arith.extui %sign3A_909 : i1 to i32
              %sign3A_911 = arith.subi %sign3A_907, %sign3A_910 : i32
              %sign3A_912 = arith.constant 0 : i32
              %sign3A_913 = arith.cmpi sgt, %jit3A_903, %sign3A_912 : i32
              %sign3A_914 = arith.extui %sign3A_913 : i1 to i32
              %sign3A_915 = arith.constant 0 : i32
              %sign3A_916 = arith.cmpi slt, %jit3A_903, %sign3A_915 : i32
              %sign3A_917 = arith.extui %sign3A_916 : i1 to i32
              %sign3A_918 = arith.subi %sign3A_914, %sign3A_917 : i32
              %ne3A_919 = arith.cmpi ne, %sign3A_911, %sign3A_918 : i32
              %rem3A_920 = arith.remsi %reduce_min3A_902, %jit3A_903 : i32
              %ne3A_921 = arith.constant 0 : i32
              %ne3A_922 = arith.cmpi ne, %rem3A_920, %ne3A_921 : i32
              %and3A_923 = arith.andi %ne3A_919, %ne3A_922 : i1
              %sub3A_924 = arith.constant 1 : i32
              %sub3A_925 = arith.subi %div3A_904, %sub3A_924 : i32
              %select_n3A_926 = arith.select %and3A_923, %sub3A_925, %div3A_904 : i32
              %jit3A_927 = arith.constant 64 : i32
              %eq3A_928 = arith.constant 0 : i32
              %eq3A_929 = arith.cmpi eq, %jit3A_927, %eq3A_928 : i32
              %jit3A_930 = arith.constant 1 : i32
              %select_n3A_931 = arith.select %eq3A_929, %jit3A_930, %jit3A_927 : i32
              %rem3A_932 = arith.remsi %reduce_min3A_902, %select_n3A_931 : i32
              %ne3A_933 = arith.constant 0 : i32
              %ne3A_934 = arith.cmpi ne, %rem3A_932, %ne3A_933 : i32
              %lt3A_935 = arith.constant 0 : i32
              %lt3A_936 = arith.cmpi slt, %rem3A_932, %lt3A_935 : i32
              %lt3A_937 = arith.constant 0 : i32
              %lt3A_938 = arith.cmpi slt, %select_n3A_931, %lt3A_937 : i32
              %ne3A_939 = arith.xori %lt3A_936, %lt3A_938 : i1
              %and3A_940 = arith.andi %ne3A_939, %ne3A_934 : i1
              %add3A_941 = arith.addi %rem3A_932, %select_n3A_931 : i32
              %select_n3A_942 = arith.select %and3A_940, %add3A_941, %rem3A_932 : i32
              %jit3A_943 = arith.constant 16 : i32
              %div3A_944 = arith.divsi %select_n3A_926, %jit3A_943 : i32
              %sign3A_945 = arith.constant 0 : i32
              %sign3A_946 = arith.cmpi sgt, %select_n3A_926, %sign3A_945 : i32
              %sign3A_947 = arith.extui %sign3A_946 : i1 to i32
              %sign3A_948 = arith.constant 0 : i32
              %sign3A_949 = arith.cmpi slt, %select_n3A_926, %sign3A_948 : i32
              %sign3A_950 = arith.extui %sign3A_949 : i1 to i32
              %sign3A_951 = arith.subi %sign3A_947, %sign3A_950 : i32
              %sign3A_952 = arith.constant 0 : i32
              %sign3A_953 = arith.cmpi sgt, %jit3A_943, %sign3A_952 : i32
              %sign3A_954 = arith.extui %sign3A_953 : i1 to i32
              %sign3A_955 = arith.constant 0 : i32
              %sign3A_956 = arith.cmpi slt, %jit3A_943, %sign3A_955 : i32
              %sign3A_957 = arith.extui %sign3A_956 : i1 to i32
              %sign3A_958 = arith.subi %sign3A_954, %sign3A_957 : i32
              %ne3A_959 = arith.cmpi ne, %sign3A_951, %sign3A_958 : i32
              %rem3A_960 = arith.remsi %select_n3A_926, %jit3A_943 : i32
              %ne3A_961 = arith.constant 0 : i32
              %ne3A_962 = arith.cmpi ne, %rem3A_960, %ne3A_961 : i32
              %and3A_963 = arith.andi %ne3A_959, %ne3A_962 : i1
              %sub3A_964 = arith.constant 1 : i32
              %sub3A_965 = arith.subi %div3A_944, %sub3A_964 : i32
              %select_n3A_966 = arith.select %and3A_963, %sub3A_965, %div3A_944 : i32
              %mul3A_967 = arith.constant 16 : i32
              %mul3A_968 = arith.muli %select_n3A_966, %mul3A_967 : i32
              %jit3A_969 = arith.constant 16 : i32
              %eq3A_970 = arith.constant 0 : i32
              %eq3A_971 = arith.cmpi eq, %jit3A_969, %eq3A_970 : i32
              %jit3A_972 = arith.constant 1 : i32
              %select_n3A_973 = arith.select %eq3A_971, %jit3A_972, %jit3A_969 : i32
              %rem3A_974 = arith.remsi %select_n3A_926, %select_n3A_973 : i32
              %ne3A_975 = arith.constant 0 : i32
              %ne3A_976 = arith.cmpi ne, %rem3A_974, %ne3A_975 : i32
              %lt3A_977 = arith.constant 0 : i32
              %lt3A_978 = arith.cmpi slt, %rem3A_974, %lt3A_977 : i32
              %lt3A_979 = arith.constant 0 : i32
              %lt3A_980 = arith.cmpi slt, %select_n3A_973, %lt3A_979 : i32
              %ne3A_981 = arith.xori %lt3A_978, %lt3A_980 : i1
              %and3A_982 = arith.andi %ne3A_981, %ne3A_976 : i1
              %add3A_983 = arith.addi %rem3A_974, %select_n3A_973 : i32
              %select_n3A_984 = arith.select %and3A_982, %add3A_983, %rem3A_974 : i32
              %eq3A_985 = vector.broadcast %select_n3A_984 : i32 to vector<16xi32>
              %eq3A_986 = arith.cmpi eq, %iota3A, %eq3A_985 : vector<16xi32>
              %get3A_987 = arith.index_cast %mul3A_968 : i32 to index
              %get3A_988 = tpu.vector_load %arg9[%get3A_987] {strides = array<i32>} : memref<8736xf32, #tpu.memory_space<vmem>>, vector<16xf32>,
              %jit3A_989 = arith.constant -1.000000e+30 : f32
              %broadcast_in_dim3A_990 = vector.broadcast %jit3A_989 : f32 to vector<16xf32>
              %select_n3A_991 = arith.select %eq3A_986, %get3A_988, %broadcast_in_dim3A_990 : vector<16xi1>, vector<16xf32>
              %reduce_max3A_992 = arith.constant true
              %reduce_max3A_993 = vector.broadcast %reduce_max3A_992 : i1 to vector<16xi1>
              %reduce_max3A_994 = tpu.scan <max>, %select_n3A_991 masked %reduce_max3A_993 : vector<16xf32>, vector<16xi1> -> vector<16xf32>
              %reduce_max3A_995 = vector.extract %reduce_max3A_994[15] : f32 from vector<16xf32>
              %gt3A_996 = arith.constant 9.99999996E-13 : f32
              %gt3A_997 = arith.cmpf ogt, %reduce_max3A_889, %gt3A_996 : f32
              %lt3A_998 = arith.constant -2.500000e+00 : f32
              %lt3A_999 = arith.cmpf olt, %reduce_max3A_995, %lt3A_998 : f32
              %convert_element_type3A_1000 = arith.extui %gt3A_997 : i1 to i32
              %cond3A_1001 = arith.constant 0 : i32
              %cond3A_1002 = arith.cmpi ne, %convert_element_type3A_1000, %cond3A_1001 : i32
              scf.if %cond3A_1002 {
                %jit3A_1003 = arith.constant 16 : i32
                %div3A_1004 = arith.divsi %select_n3A_942, %jit3A_1003 : i32
                %sign3A_1005 = arith.constant 0 : i32
                %sign3A_1006 = arith.cmpi sgt, %select_n3A_942, %sign3A_1005 : i32
                %sign3A_1007 = arith.extui %sign3A_1006 : i1 to i32
                %sign3A_1008 = arith.constant 0 : i32
                %sign3A_1009 = arith.cmpi slt, %select_n3A_942, %sign3A_1008 : i32
                %sign3A_1010 = arith.extui %sign3A_1009 : i1 to i32
                %sign3A_1011 = arith.subi %sign3A_1007, %sign3A_1010 : i32
                %sign3A_1012 = arith.constant 0 : i32
                %sign3A_1013 = arith.cmpi sgt, %jit3A_1003, %sign3A_1012 : i32
                %sign3A_1014 = arith.extui %sign3A_1013 : i1 to i32
                %sign3A_1015 = arith.constant 0 : i32
                %sign3A_1016 = arith.cmpi slt, %jit3A_1003, %sign3A_1015 : i32
                %sign3A_1017 = arith.extui %sign3A_1016 : i1 to i32
                %sign3A_1018 = arith.subi %sign3A_1014, %sign3A_1017 : i32
                %ne3A_1019 = arith.cmpi ne, %sign3A_1011, %sign3A_1018 : i32
                %rem3A_1020 = arith.remsi %select_n3A_942, %jit3A_1003 : i32
                %ne3A_1021 = arith.constant 0 : i32
                %ne3A_1022 = arith.cmpi ne, %rem3A_1020, %ne3A_1021 : i32
                %and3A_1023 = arith.andi %ne3A_1019, %ne3A_1022 : i1
                %sub3A_1024 = arith.constant 1 : i32
                %sub3A_1025 = arith.subi %div3A_1004, %sub3A_1024 : i32
                %select_n3A_1026 = arith.select %and3A_1023, %sub3A_1025, %div3A_1004 : i32
                %mul3A_1027 = arith.constant 16 : i32
                %mul3A_1028 = arith.muli %select_n3A_1026, %mul3A_1027 : i32
                %jit3A_1029 = arith.constant 16 : i32
                %eq3A_1030 = arith.constant 0 : i32
                %eq3A_1031 = arith.cmpi eq, %jit3A_1029, %eq3A_1030 : i32
                %jit3A_1032 = arith.constant 1 : i32
                %select_n3A_1033 = arith.select %eq3A_1031, %jit3A_1032, %jit3A_1029 : i32
                %rem3A_1034 = arith.remsi %select_n3A_942, %select_n3A_1033 : i32
                %ne3A_1035 = arith.constant 0 : i32
                %ne3A_1036 = arith.cmpi ne, %rem3A_1034, %ne3A_1035 : i32
                %lt3A_1037 = arith.constant 0 : i32
                %lt3A_1038 = arith.cmpi slt, %rem3A_1034, %lt3A_1037 : i32
                %lt3A_1039 = arith.constant 0 : i32
                %lt3A_1040 = arith.cmpi slt, %select_n3A_1033, %lt3A_1039 : i32
                %ne3A_1041 = arith.xori %lt3A_1038, %lt3A_1040 : i1
                %and3A_1042 = arith.andi %ne3A_1041, %ne3A_1036 : i1
                %add3A_1043 = arith.addi %rem3A_1034, %select_n3A_1033 : i32
                %select_n3A_1044 = arith.select %and3A_1042, %add3A_1043, %rem3A_1034 : i32
                %eq3A_1045 = vector.broadcast %select_n3A_1044 : i32 to vector<16xi32>
                %eq3A_1046 = arith.cmpi eq, %iota3A, %eq3A_1045 : vector<16xi32>
                %get3A_1047 = arith.index_cast %mul3A_1028 : i32 to index
                %get3A_1048 = tpu.vector_load %arg8[%get3A_1047] {strides = array<i32>} : memref<64xi32, #tpu.memory_space<vmem>>, vector<16xi32>,
                %broadcast_in_dim3A_1049 = vector.broadcast %select_n3A_926 : i32 to vector<16xi32>
                %select_n3A_1050 = arith.select %eq3A_1046, %broadcast_in_dim3A_1049, %get3A_1048 : vector<16xi1>, vector<16xi32>
                %swap3A_1051 = arith.index_cast %mul3A_1028 : i32 to index
                %swap3A_1052 = tpu.vector_load %arg8[%swap3A_1051] {strides = array<i32>} : memref<64xi32, #tpu.memory_space<vmem>>, vector<16xi32>,
                tpu.vector_store %arg8[%swap3A_1051], %select_n3A_1050 {strides = array<i32>} : memref<64xi32, #tpu.memory_space<vmem>>, vector<16xi32>,
                %get3A_1053 = arith.index_cast %mul3A_1028 : i32 to index
                %get3A_1054 = tpu.vector_load %arg6[%get3A_1053] {strides = array<i32>} : memref<64xf32, #tpu.memory_space<vmem>>, vector<16xf32>,
                %jit3A_1055 = arith.constant -2.000000e+00 : f32
                %broadcast_in_dim3A_1056 = vector.broadcast %jit3A_1055 : f32 to vector<16xf32>
                %select_n3A_1057 = arith.select %eq3A_1046, %broadcast_in_dim3A_1056, %get3A_1054 : vector<16xi1>, vector<16xf32>
                %swap3A_1058 = arith.index_cast %mul3A_1028 : i32 to index
                %swap3A_1059 = tpu.vector_load %arg6[%swap3A_1058] {strides = array<i32>} : memref<64xf32, #tpu.memory_space<vmem>>, vector<16xf32>,
                tpu.vector_store %arg6[%swap3A_1058], %select_n3A_1057 {strides = array<i32>} : memref<64xf32, #tpu.memory_space<vmem>>, vector<16xf32>,
                %jit3A_1060 = arith.constant 16 : i32
                %div3A_1061 = arith.divsi %select_n3A_926, %jit3A_1060 : i32
                %sign3A_1062 = arith.constant 0 : i32
                %sign3A_1063 = arith.cmpi sgt, %select_n3A_926, %sign3A_1062 : i32
                %sign3A_1064 = arith.extui %sign3A_1063 : i1 to i32
                %sign3A_1065 = arith.constant 0 : i32
                %sign3A_1066 = arith.cmpi slt, %select_n3A_926, %sign3A_1065 : i32
                %sign3A_1067 = arith.extui %sign3A_1066 : i1 to i32
                %sign3A_1068 = arith.subi %sign3A_1064, %sign3A_1067 : i32
                %sign3A_1069 = arith.constant 0 : i32
                %sign3A_1070 = arith.cmpi sgt, %jit3A_1060, %sign3A_1069 : i32
                %sign3A_1071 = arith.extui %sign3A_1070 : i1 to i32
                %sign3A_1072 = arith.constant 0 : i32
                %sign3A_1073 = arith.cmpi slt, %jit3A_1060, %sign3A_1072 : i32
                %sign3A_1074 = arith.extui %sign3A_1073 : i1 to i32
                %sign3A_1075 = arith.subi %sign3A_1071, %sign3A_1074 : i32
                %ne3A_1076 = arith.cmpi ne, %sign3A_1068, %sign3A_1075 : i32
                %rem3A_1077 = arith.remsi %select_n3A_926, %jit3A_1060 : i32
                %ne3A_1078 = arith.constant 0 : i32
                %ne3A_1079 = arith.cmpi ne, %rem3A_1077, %ne3A_1078 : i32
                %and3A_1080 = arith.andi %ne3A_1076, %ne3A_1079 : i1
                %sub3A_1081 = arith.constant 1 : i32
                %sub3A_1082 = arith.subi %div3A_1061, %sub3A_1081 : i32
                %select_n3A_1083 = arith.select %and3A_1080, %sub3A_1082, %div3A_1061 : i32
                %mul3A_1084 = arith.constant 16 : i32
                %mul3A_1085 = arith.muli %select_n3A_1083, %mul3A_1084 : i32
                %jit3A_1086 = arith.constant 16 : i32
                %eq3A_1087 = arith.constant 0 : i32
                %eq3A_1088 = arith.cmpi eq, %jit3A_1086, %eq3A_1087 : i32
                %jit3A_1089 = arith.constant 1 : i32
                %select_n3A_1090 = arith.select %eq3A_1088, %jit3A_1089, %jit3A_1086 : i32
                %rem3A_1091 = arith.remsi %select_n3A_926, %select_n3A_1090 : i32
                %ne3A_1092 = arith.constant 0 : i32
                %ne3A_1093 = arith.cmpi ne, %rem3A_1091, %ne3A_1092 : i32
                %lt3A_1094 = arith.constant 0 : i32
                %lt3A_1095 = arith.cmpi slt, %rem3A_1091, %lt3A_1094 : i32
                %lt3A_1096 = arith.constant 0 : i32
                %lt3A_1097 = arith.cmpi slt, %select_n3A_1090, %lt3A_1096 : i32
                %ne3A_1098 = arith.xori %lt3A_1095, %lt3A_1097 : i1
                %and3A_1099 = arith.andi %ne3A_1098, %ne3A_1093 : i1
                %add3A_1100 = arith.addi %rem3A_1091, %select_n3A_1090 : i32
                %select_n3A_1101 = arith.select %and3A_1099, %add3A_1100, %rem3A_1091 : i32
                %eq3A_1102 = vector.broadcast %select_n3A_1101 : i32 to vector<16xi32>
                %eq3A_1103 = arith.cmpi eq, %iota3A, %eq3A_1102 : vector<16xi32>
                %get3A_1104 = arith.index_cast %mul3A_1085 : i32 to index
                %get3A_1105 = tpu.vector_load %arg9[%get3A_1104] {strides = array<i32>} : memref<8736xf32, #tpu.memory_space<vmem>>, vector<16xf32>,
                %jit3A_1106 = arith.constant -3.000000e+00 : f32
                %broadcast_in_dim3A_1107 = vector.broadcast %jit3A_1106 : f32 to vector<16xf32>
                %select_n3A_1108 = arith.select %eq3A_1103, %broadcast_in_dim3A_1107, %get3A_1105 : vector<16xi1>, vector<16xf32>
                %swap3A_1109 = arith.index_cast %mul3A_1085 : i32 to index
                %swap3A_1110 = tpu.vector_load %arg9[%swap3A_1109] {strides = array<i32>} : memref<8736xf32, #tpu.memory_space<vmem>>, vector<16xf32>,
                tpu.vector_store %arg9[%swap3A_1109], %select_n3A_1108 {strides = array<i32>} : memref<8736xf32, #tpu.memory_space<vmem>>, vector<16xf32>,
              } else {
              }
            } else {
            }
          } else {
          }
        } else {
        }
      }
      %scan3A_62 = arith.constant 50 : i32
      %run_scoped3A = arith.constant 0 : i32
      "tpu.region"() ({
        %run_scoped3A_63 = tpu.sem_alloc : memref<!tpu.dma_semaphore, #tpu.memory_space<semaphore_mem>>
        %dma_start3A = arith.constant 0 : i32
        %dma_start3A_64 = tpu.memref_slice %arg4[%run_scoped3A, %dma_start3A] : memref<1x64xi32, #tpu.memory_space<hbm>> -> memref<1x64xi32, #tpu.memory_space<hbm>>
        %dma_start3A_65 = tpu.memref_squeeze %dma_start3A_64 : memref<1x64xi32, #tpu.memory_space<hbm>> -> memref<64xi32, #tpu.memory_space<hbm>>
        %dma_start3A_66 = arith.constant 0 : i32
        %dma_start3A_67 = tpu.memref_slice %arg4[%run_scoped3A, %dma_start3A_66] : memref<1x64xi32, #tpu.memory_space<hbm>> -> memref<1x64xi32, #tpu.memory_space<hbm>>
        %dma_start3A_68 = tpu.memref_squeeze %dma_start3A_67 : memref<1x64xi32, #tpu.memory_space<hbm>> -> memref<64xi32, #tpu.memory_space<hbm>>
        tpu.enqueue_dma source(%arg8 : memref<64xi32, #tpu.memory_space<vmem>>) target(%dma_start3A_68 : memref<64xi32, #tpu.memory_space<hbm>>) target_semaphore(%run_scoped3A_63 : memref<!tpu.dma_semaphore, #tpu.memory_space<semaphore_mem>>)
        %dma_wait3A = arith.constant 0 : i32
        %dma_wait3A_69 = tpu.memref_slice %arg4[%run_scoped3A, %dma_wait3A] : memref<1x64xi32, #tpu.memory_space<hbm>> -> memref<1x64xi32, #tpu.memory_space<hbm>>
        %dma_wait3A_70 = tpu.memref_squeeze %dma_wait3A_69 : memref<1x64xi32, #tpu.memory_space<hbm>> -> memref<64xi32, #tpu.memory_space<hbm>>
        %dma_wait3A_71 = arith.constant 0 : i32
        %dma_wait3A_72 = tpu.memref_slice %arg4[%run_scoped3A, %dma_wait3A_71] : memref<1x64xi32, #tpu.memory_space<hbm>> -> memref<1x64xi32, #tpu.memory_space<hbm>>
        %dma_wait3A_73 = tpu.memref_squeeze %dma_wait3A_72 : memref<1x64xi32, #tpu.memory_space<hbm>> -> memref<64xi32, #tpu.memory_space<hbm>>
        tpu.wait_dma2 semaphore(%run_scoped3A_63 : memref<!tpu.dma_semaphore, #tpu.memory_space<semaphore_mem>>) src(%arg8 : memref<64xi32, #tpu.memory_space<vmem>>) dst(%dma_wait3A_73 : memref<64xi32, #tpu.memory_space<hbm>>)
        tpu.yield
      }) : () -> ()
    } else {
    }
    return
  }
}

module attributes {stable_mosaic.version = 14 : i64} {
  func.func @_tc_c_body(%arg0: memref<4x8732xf32, #tpu.memory_space<vmem>>, %arg1: memref<50x4xf32, #tpu.memory_space<vmem>>, %arg2: memref<50x1xf32, #tpu.memory_space<vmem>>, %arg3: memref<1x64xi32, #tpu.memory_space<vmem>>, %arg4: memref<1x8732xf32, #tpu.memory_space<vmem>>, %arg5: memref<1x8732xf32, #tpu.memory_space<vmem>>, %arg6: memref<8732x4xf32, #tpu.memory_space<vmem>>, %arg7: memref<8732x4xf32, #tpu.memory_space<vmem>>) attributes {dimension_semantics = [], scalar_prefetch = 0 : i64, scratch_operands = 0 : i64, tpu.core_type = #tpu.core_type<tc>} {
    %get3A = arith.constant 0 : index
    %get3A_0 = arith.constant 0 : index
    %get3A_1 = vector.load %arg0[%get3A, %get3A_0] : memref<4x8732xf32, #tpu.memory_space<vmem>>, vector<4x8732xf32>
    %get3A_2 = arith.constant 0 : index
    %get3A_3 = arith.constant 0 : index
    %get3A_4 = vector.load %arg1[%get3A_2, %get3A_3] : memref<50x4xf32, #tpu.memory_space<vmem>>, vector<50x4xf32>
    %slice3A = vector.extract_strided_slice %get3A_1 {offsets = [0, 0], sizes = [1, 8732], strides = [1, 1]} : vector<4x8732xf32> to vector<1x8732xf32>
    %slice3A_5 = vector.extract_strided_slice %get3A_1 {offsets = [1, 0], sizes = [1, 8732], strides = [1, 1]} : vector<4x8732xf32> to vector<1x8732xf32>
    %slice3A_6 = vector.extract_strided_slice %get3A_1 {offsets = [2, 0], sizes = [1, 8732], strides = [1, 1]} : vector<4x8732xf32> to vector<1x8732xf32>
    %slice3A_7 = vector.extract_strided_slice %get3A_1 {offsets = [3, 0], sizes = [1, 8732], strides = [1, 1]} : vector<4x8732xf32> to vector<1x8732xf32>
    %mul3A = arith.constant 5.000000e-01 : f32
    %mul3A_8 = vector.broadcast %mul3A : f32 to vector<1x8732xf32>
    %mul3A_9 = arith.mulf %slice3A_6, %mul3A_8 : vector<1x8732xf32>
    %sub3A = arith.subf %slice3A, %mul3A_9 : vector<1x8732xf32>
    %mul3A_10 = arith.constant 5.000000e-01 : f32
    %mul3A_11 = vector.broadcast %mul3A_10 : f32 to vector<1x8732xf32>
    %mul3A_12 = arith.mulf %slice3A_7, %mul3A_11 : vector<1x8732xf32>
    %sub3A_13 = arith.subf %slice3A_5, %mul3A_12 : vector<1x8732xf32>
    %mul3A_14 = arith.constant 5.000000e-01 : f32
    %mul3A_15 = vector.broadcast %mul3A_14 : f32 to vector<1x8732xf32>
    %mul3A_16 = arith.mulf %slice3A_6, %mul3A_15 : vector<1x8732xf32>
    %add3A = arith.addf %slice3A, %mul3A_16 : vector<1x8732xf32>
    %mul3A_17 = arith.constant 5.000000e-01 : f32
    %mul3A_18 = vector.broadcast %mul3A_17 : f32 to vector<1x8732xf32>
    %mul3A_19 = arith.mulf %slice3A_7, %mul3A_18 : vector<1x8732xf32>
    %add3A_20 = arith.addf %slice3A_5, %mul3A_19 : vector<1x8732xf32>
    %slice3A_21 = vector.extract_strided_slice %get3A_4 {offsets = [0, 0], sizes = [50, 1], strides = [1, 1]} : vector<50x4xf32> to vector<50x1xf32>
    %slice3A_22 = vector.extract_strided_slice %get3A_4 {offsets = [0, 1], sizes = [50, 1], strides = [1, 1]} : vector<50x4xf32> to vector<50x1xf32>
    %slice3A_23 = vector.extract_strided_slice %get3A_4 {offsets = [0, 2], sizes = [50, 1], strides = [1, 1]} : vector<50x4xf32> to vector<50x1xf32>
    %slice3A_24 = vector.extract_strided_slice %get3A_4 {offsets = [0, 3], sizes = [50, 1], strides = [1, 1]} : vector<50x4xf32> to vector<50x1xf32>
    %iota3A = tpu.iota {dimensions = array<i32: 1>} : vector<1x8732xi32>
    %iota3A_25 = tpu.iota {dimensions = array<i32: 0>} : vector<64x8732xi32>
    %get3A_26 = arith.constant 0 : index
    %get3A_27 = arith.constant 0 : index
    %get3A_28 = vector.load %arg3[%get3A_26, %get3A_27] : memref<1x64xi32, #tpu.memory_space<vmem>>, vector<1x64xi32>
    %transpose3A = tpu.transpose %get3A_28, [1, 0] : vector<1x64xi32> -> vector<64x1xi32>
    %eq3A = vector.broadcast %transpose3A : vector<64x1xi32> to vector<64x8732xi32>
    %eq3A_29 = vector.broadcast %iota3A : vector<1x8732xi32> to vector<64x8732xi32>
    %eq3A_30 = arith.cmpi eq, %eq3A, %eq3A_29 : vector<64x8732xi32>
    %jit3A = arith.constant -1 : i32
    %broadcast_in_dim3A = vector.broadcast %jit3A : i32 to vector<64x8732xi32>
    %select_n3A = arith.select %eq3A_30, %iota3A_25, %broadcast_in_dim3A : vector<64x8732xi1>, vector<64x8732xi32>
    %reduce_max3A = arith.constant dense<-2147483648> : vector<8732xi32>
    %reduce_max3A_31 = vector.multi_reduction <maxsi>, %select_n3A, %reduce_max3A [0] : vector<64x8732xi32> to vector<8732xi32>
    %broadcast_in_dim3A_32 = vector.shape_cast %reduce_max3A_31 : vector<8732xi32> to vector<1x8732xi32>
    %get3A_33 = arith.constant 0 : index
    %get3A_34 = arith.constant 0 : index
    %get3A_35 = vector.load %arg4[%get3A_33, %get3A_34] : memref<1x8732xf32, #tpu.memory_space<vmem>>, vector<1x8732xf32>
    %ge3A = arith.constant 0 : i32
    %ge3A_36 = vector.broadcast %ge3A : i32 to vector<1x8732xi32>
    %ge3A_37 = arith.cmpi sge, %broadcast_in_dim3A_32, %ge3A_36 : vector<1x8732xi32>
    %convert_element_type3A = arith.sitofp %broadcast_in_dim3A_32 : vector<1x8732xi32> to vector<1x8732xf32>
    %select_n3A_38 = arith.select %ge3A_37, %convert_element_type3A, %get3A_35 : vector<1x8732xi1>, vector<1x8732xf32>
    %ge3A_39 = arith.constant 0.000000e+00 : f32
    %ge3A_40 = vector.broadcast %ge3A_39 : f32 to vector<1x8732xf32>
    %ge3A_41 = arith.cmpf oge, %select_n3A_38, %ge3A_40 : vector<1x8732xf32>
    %jit3A_42 = arith.constant 0.000000e+00 : f32
    %jit3A_43 = arith.constant 4.900000e+01 : f32
    %max3A = vector.broadcast %jit3A_42 : f32 to vector<1x8732xf32>
    %max3A_44 = arith.maximumf %max3A, %select_n3A_38 : vector<1x8732xf32>
    %min3A = vector.broadcast %jit3A_43 : f32 to vector<1x8732xf32>
    %min3A_45 = arith.minimumf %min3A, %max3A_44 : vector<1x8732xf32>
    %convert_element_type3A_46 = arith.fptosi %min3A_45 : vector<1x8732xf32> to vector<1x8732xi32>
    %iota3A_47 = tpu.iota {dimensions = array<i32: 0>} : vector<50x8732xi32>
    %eq3A_48 = vector.broadcast %convert_element_type3A_46 : vector<1x8732xi32> to vector<50x8732xi32>
    %eq3A_49 = arith.cmpi eq, %iota3A_47, %eq3A_48 : vector<50x8732xi32>
    %get3A_50 = arith.constant 0 : index
    %get3A_51 = arith.constant 0 : index
    %get3A_52 = vector.load %arg2[%get3A_50, %get3A_51] : memref<50x1xf32, #tpu.memory_space<vmem>>, vector<50x1xf32>
    %jit3A_53 = arith.constant -1.000000e+30 : f32
    %broadcast_in_dim3A_54 = vector.shape_cast %get3A_52 : vector<50x1xf32> to vector<50x1xf32>
    %broadcast_in_dim3A_55 = vector.broadcast %broadcast_in_dim3A_54 : vector<50x1xf32> to vector<50x8732xf32>
    %broadcast_in_dim3A_56 = vector.broadcast %jit3A_53 : f32 to vector<50x8732xf32>
    %select_n3A_57 = arith.select %eq3A_49, %broadcast_in_dim3A_55, %broadcast_in_dim3A_56 : vector<50x8732xi1>, vector<50x8732xf32>
    %reduce_max3A_58 = arith.constant dense<0xFF800000> : vector<8732xf32>
    %reduce_max3A_59 = vector.multi_reduction <maximumf>, %select_n3A_57, %reduce_max3A_58 [0] : vector<50x8732xf32> to vector<8732xf32>
    %broadcast_in_dim3A_60 = vector.shape_cast %reduce_max3A_59 : vector<8732xf32> to vector<1x8732xf32>
    %jit3A_61 = arith.constant -1.000000e+30 : f32
    %broadcast_in_dim3A_62 = vector.shape_cast %slice3A_21 : vector<50x1xf32> to vector<50x1xf32>
    %broadcast_in_dim3A_63 = vector.broadcast %broadcast_in_dim3A_62 : vector<50x1xf32> to vector<50x8732xf32>
    %broadcast_in_dim3A_64 = vector.broadcast %jit3A_61 : f32 to vector<50x8732xf32>
    %select_n3A_65 = arith.select %eq3A_49, %broadcast_in_dim3A_63, %broadcast_in_dim3A_64 : vector<50x8732xi1>, vector<50x8732xf32>
    %reduce_max3A_66 = arith.constant dense<0xFF800000> : vector<8732xf32>
    %reduce_max3A_67 = vector.multi_reduction <maximumf>, %select_n3A_65, %reduce_max3A_66 [0] : vector<50x8732xf32> to vector<8732xf32>
    %broadcast_in_dim3A_68 = vector.shape_cast %reduce_max3A_67 : vector<8732xf32> to vector<1x8732xf32>
    %jit3A_69 = arith.constant -1.000000e+30 : f32
    %broadcast_in_dim3A_70 = vector.shape_cast %slice3A_22 : vector<50x1xf32> to vector<50x1xf32>
    %broadcast_in_dim3A_71 = vector.broadcast %broadcast_in_dim3A_70 : vector<50x1xf32> to vector<50x8732xf32>
    %broadcast_in_dim3A_72 = vector.broadcast %jit3A_69 : f32 to vector<50x8732xf32>
    %select_n3A_73 = arith.select %eq3A_49, %broadcast_in_dim3A_71, %broadcast_in_dim3A_72 : vector<50x8732xi1>, vector<50x8732xf32>
    %reduce_max3A_74 = arith.constant dense<0xFF800000> : vector<8732xf32>
    %reduce_max3A_75 = vector.multi_reduction <maximumf>, %select_n3A_73, %reduce_max3A_74 [0] : vector<50x8732xf32> to vector<8732xf32>
    %broadcast_in_dim3A_76 = vector.shape_cast %reduce_max3A_75 : vector<8732xf32> to vector<1x8732xf32>
    %jit3A_77 = arith.constant -1.000000e+30 : f32
    %broadcast_in_dim3A_78 = vector.shape_cast %slice3A_23 : vector<50x1xf32> to vector<50x1xf32>
    %broadcast_in_dim3A_79 = vector.broadcast %broadcast_in_dim3A_78 : vector<50x1xf32> to vector<50x8732xf32>
    %broadcast_in_dim3A_80 = vector.broadcast %jit3A_77 : f32 to vector<50x8732xf32>
    %select_n3A_81 = arith.select %eq3A_49, %broadcast_in_dim3A_79, %broadcast_in_dim3A_80 : vector<50x8732xi1>, vector<50x8732xf32>
    %reduce_max3A_82 = arith.constant dense<0xFF800000> : vector<8732xf32>
    %reduce_max3A_83 = vector.multi_reduction <maximumf>, %select_n3A_81, %reduce_max3A_82 [0] : vector<50x8732xf32> to vector<8732xf32>
    %broadcast_in_dim3A_84 = vector.shape_cast %reduce_max3A_83 : vector<8732xf32> to vector<1x8732xf32>
    %jit3A_85 = arith.constant -1.000000e+30 : f32
    %broadcast_in_dim3A_86 = vector.shape_cast %slice3A_24 : vector<50x1xf32> to vector<50x1xf32>
    %broadcast_in_dim3A_87 = vector.broadcast %broadcast_in_dim3A_86 : vector<50x1xf32> to vector<50x8732xf32>
    %broadcast_in_dim3A_88 = vector.broadcast %jit3A_85 : f32 to vector<50x8732xf32>
    %select_n3A_89 = arith.select %eq3A_49, %broadcast_in_dim3A_87, %broadcast_in_dim3A_88 : vector<50x8732xi1>, vector<50x8732xf32>
    %reduce_max3A_90 = arith.constant dense<0xFF800000> : vector<8732xf32>
    %reduce_max3A_91 = vector.multi_reduction <maximumf>, %select_n3A_89, %reduce_max3A_90 [0] : vector<50x8732xf32> to vector<8732xf32>
    %broadcast_in_dim3A_92 = vector.shape_cast %reduce_max3A_91 : vector<8732xf32> to vector<1x8732xf32>
    %add3A_93 = arith.constant 1.000000e+00 : f32
    %add3A_94 = vector.broadcast %add3A_93 : f32 to vector<1x8732xf32>
    %add3A_95 = arith.addf %broadcast_in_dim3A_60, %add3A_94 : vector<1x8732xf32>
    %jit3A_96 = arith.constant 0.000000e+00 : f32
    %broadcast_in_dim3A_97 = vector.broadcast %jit3A_96 : f32 to vector<1x8732xf32>
    %select_n3A_98 = arith.select %ge3A_41, %add3A_95, %broadcast_in_dim3A_97 : vector<1x8732xi1>, vector<1x8732xf32>
    %swap3A = arith.constant 0 : index
    %swap3A_99 = arith.constant 0 : index
    %swap3A_100 = vector.load %arg5[%swap3A, %swap3A_99] : memref<1x8732xf32, #tpu.memory_space<vmem>>, vector<1x8732xf32>
    tpu.vector_store %arg5[%swap3A, %swap3A_99], %select_n3A_98 {strides = array<i32>} : memref<1x8732xf32, #tpu.memory_space<vmem>>, vector<1x8732xf32>,
    %sub3A_101 = arith.subf %broadcast_in_dim3A_84, %broadcast_in_dim3A_68 : vector<1x8732xf32>
    %sub3A_102 = arith.subf %broadcast_in_dim3A_92, %broadcast_in_dim3A_76 : vector<1x8732xf32>
    %mul3A_103 = arith.constant 5.000000e-01 : f32
    %mul3A_104 = vector.broadcast %mul3A_103 : f32 to vector<1x8732xf32>
    %mul3A_105 = arith.mulf %sub3A_101, %mul3A_104 : vector<1x8732xf32>
    %add3A_106 = arith.addf %broadcast_in_dim3A_68, %mul3A_105 : vector<1x8732xf32>
    %mul3A_107 = arith.constant 5.000000e-01 : f32
    %mul3A_108 = vector.broadcast %mul3A_107 : f32 to vector<1x8732xf32>
    %mul3A_109 = arith.mulf %sub3A_102, %mul3A_108 : vector<1x8732xf32>
    %add3A_110 = arith.addf %broadcast_in_dim3A_76, %mul3A_109 : vector<1x8732xf32>
    %sub3A_111 = arith.subf %add3A, %sub3A : vector<1x8732xf32>
    %sub3A_112 = arith.subf %add3A_20, %sub3A_13 : vector<1x8732xf32>
    %mul3A_113 = arith.constant 5.000000e-01 : f32
    %mul3A_114 = vector.broadcast %mul3A_113 : f32 to vector<1x8732xf32>
    %mul3A_115 = arith.mulf %sub3A_111, %mul3A_114 : vector<1x8732xf32>
    %add3A_116 = arith.addf %sub3A, %mul3A_115 : vector<1x8732xf32>
    %mul3A_117 = arith.constant 5.000000e-01 : f32
    %mul3A_118 = vector.broadcast %mul3A_117 : f32 to vector<1x8732xf32>
    %mul3A_119 = arith.mulf %sub3A_112, %mul3A_118 : vector<1x8732xf32>
    %add3A_120 = arith.addf %sub3A_13, %mul3A_119 : vector<1x8732xf32>
    %sub3A_121 = arith.subf %add3A_106, %add3A_116 : vector<1x8732xf32>
    %add3A_122 = arith.constant 9.99999996E-13 : f32
    %add3A_123 = vector.broadcast %add3A_122 : f32 to vector<1x8732xf32>
    %add3A_124 = arith.addf %sub3A_111, %add3A_123 : vector<1x8732xf32>
    %div3A = arith.divf %sub3A_121, %add3A_124 : vector<1x8732xf32>
    %div3A_125 = arith.constant 1.000000e-01 : f32
    %div3A_126 = vector.broadcast %div3A_125 : f32 to vector<1x8732xf32>
    %div3A_127 = arith.divf %div3A, %div3A_126 : vector<1x8732xf32>
    %sub3A_128 = arith.subf %add3A_110, %add3A_120 : vector<1x8732xf32>
    %add3A_129 = arith.constant 9.99999996E-13 : f32
    %add3A_130 = vector.broadcast %add3A_129 : f32 to vector<1x8732xf32>
    %add3A_131 = arith.addf %sub3A_112, %add3A_130 : vector<1x8732xf32>
    %div3A_132 = arith.divf %sub3A_128, %add3A_131 : vector<1x8732xf32>
    %div3A_133 = arith.constant 1.000000e-01 : f32
    %div3A_134 = vector.broadcast %div3A_133 : f32 to vector<1x8732xf32>
    %div3A_135 = arith.divf %div3A_132, %div3A_134 : vector<1x8732xf32>
    %add3A_136 = arith.constant 9.99999996E-13 : f32
    %add3A_137 = vector.broadcast %add3A_136 : f32 to vector<1x8732xf32>
    %add3A_138 = arith.addf %sub3A_111, %add3A_137 : vector<1x8732xf32>
    %div3A_139 = arith.divf %sub3A_101, %add3A_138 : vector<1x8732xf32>
    %max3A_140 = arith.constant 9.99999996E-13 : f32
    %max3A_141 = vector.broadcast %max3A_140 : f32 to vector<1x8732xf32>
    %max3A_142 = arith.maximumf %div3A_139, %max3A_141 : vector<1x8732xf32>
    %log3A = math.log %max3A_142 : vector<1x8732xf32>
    %div3A_143 = arith.constant 2.000000e-01 : f32
    %div3A_144 = vector.broadcast %div3A_143 : f32 to vector<1x8732xf32>
    %div3A_145 = arith.divf %log3A, %div3A_144 : vector<1x8732xf32>
    %add3A_146 = arith.constant 9.99999996E-13 : f32
    %add3A_147 = vector.broadcast %add3A_146 : f32 to vector<1x8732xf32>
    %add3A_148 = arith.addf %sub3A_112, %add3A_147 : vector<1x8732xf32>
    %div3A_149 = arith.divf %sub3A_102, %add3A_148 : vector<1x8732xf32>
    %max3A_150 = arith.constant 9.99999996E-13 : f32
    %max3A_151 = vector.broadcast %max3A_150 : f32 to vector<1x8732xf32>
    %max3A_152 = arith.maximumf %div3A_149, %max3A_151 : vector<1x8732xf32>
    %log3A_153 = math.log %max3A_152 : vector<1x8732xf32>
    %div3A_154 = arith.constant 2.000000e-01 : f32
    %div3A_155 = vector.broadcast %div3A_154 : f32 to vector<1x8732xf32>
    %div3A_156 = arith.divf %log3A_153, %div3A_155 : vector<1x8732xf32>
    %concatenate3A = tpu.concatenate %div3A_127, %div3A_135, %div3A_145, %div3A_156 in 0 : vector<1x8732xf32>, vector<1x8732xf32>, vector<1x8732xf32>, vector<1x8732xf32> -> vector<4x8732xf32>
    %convert_element_type3A_157 = arith.extui %ge3A_41 : vector<1x8732xi1> to vector<1x8732xi32>
    %convert_element_type3A_158 = arith.sitofp %convert_element_type3A_157 : vector<1x8732xi32> to vector<1x8732xf32>
    %mul3A_159 = vector.broadcast %convert_element_type3A_158 : vector<1x8732xf32> to vector<4x8732xf32>
    %mul3A_160 = arith.mulf %concatenate3A, %mul3A_159 : vector<4x8732xf32>
    %transpose3A_161 = tpu.transpose %mul3A_160, [1, 0] : vector<4x8732xf32> -> vector<8732x4xf32>
    %swap3A_162 = arith.constant 0 : index
    %swap3A_163 = arith.constant 0 : index
    %swap3A_164 = vector.load %arg6[%swap3A_162, %swap3A_163] : memref<8732x4xf32, #tpu.memory_space<vmem>>, vector<8732x4xf32>
    tpu.vector_store %arg6[%swap3A_162, %swap3A_163], %transpose3A_161 {strides = array<i32>} : memref<8732x4xf32, #tpu.memory_space<vmem>>, vector<8732x4xf32>,
    %broadcast_in_dim3A_165 = vector.shape_cast %convert_element_type3A_158 : vector<1x8732xf32> to vector<1x8732xf32>
    %broadcast_in_dim3A_166 = vector.broadcast %broadcast_in_dim3A_165 : vector<1x8732xf32> to vector<4x8732xf32>
    %transpose3A_167 = tpu.transpose %broadcast_in_dim3A_166, [1, 0] : vector<4x8732xf32> -> vector<8732x4xf32>
    %swap3A_168 = arith.constant 0 : index
    %swap3A_169 = arith.constant 0 : index
    %swap3A_170 = vector.load %arg7[%swap3A_168, %swap3A_169] : memref<8732x4xf32, #tpu.memory_space<vmem>>, vector<8732x4xf32>
    tpu.vector_store %arg7[%swap3A_168, %swap3A_169], %transpose3A_167 {strides = array<i32>} : memref<8732x4xf32, #tpu.memory_space<vmem>>, vector<8732x4xf32>,
    return
  }
}

module attributes {stable_mosaic.version = 14 : i64} {
  func.func @_tc_a_body(%arg0: memref<4x8732xf32, #tpu.memory_space<vmem>>, %arg1: memref<50x4xf32, #tpu.memory_space<vmem>>, %arg2: memref<50x8736xf32, #tpu.memory_space<vmem>>, %arg3: memref<1x128xi32, #tpu.memory_space<vmem>>, %arg4: memref<1x8732xf32, #tpu.memory_space<vmem>>) attributes {dimension_semantics = [], scalar_prefetch = 0 : i64, scratch_operands = 0 : i64, tpu.core_type = #tpu.core_type<tc>} {
    %get3A = arith.constant 0 : index
    %get3A_0 = arith.constant 0 : index
    %get3A_1 = vector.load %arg0[%get3A, %get3A_0] : memref<4x8732xf32, #tpu.memory_space<vmem>>, vector<4x8732xf32>
    %get3A_2 = arith.constant 0 : index
    %get3A_3 = arith.constant 0 : index
    %get3A_4 = vector.load %arg1[%get3A_2, %get3A_3] : memref<50x4xf32, #tpu.memory_space<vmem>>, vector<50x4xf32>
    %slice3A = vector.extract_strided_slice %get3A_1 {offsets = [0, 0], sizes = [1, 8732], strides = [1, 1]} : vector<4x8732xf32> to vector<1x8732xf32>
    %slice3A_5 = vector.extract_strided_slice %get3A_1 {offsets = [1, 0], sizes = [1, 8732], strides = [1, 1]} : vector<4x8732xf32> to vector<1x8732xf32>
    %slice3A_6 = vector.extract_strided_slice %get3A_1 {offsets = [2, 0], sizes = [1, 8732], strides = [1, 1]} : vector<4x8732xf32> to vector<1x8732xf32>
    %slice3A_7 = vector.extract_strided_slice %get3A_1 {offsets = [3, 0], sizes = [1, 8732], strides = [1, 1]} : vector<4x8732xf32> to vector<1x8732xf32>
    %mul3A = arith.constant 5.000000e-01 : f32
    %mul3A_8 = vector.broadcast %mul3A : f32 to vector<1x8732xf32>
    %mul3A_9 = arith.mulf %slice3A_6, %mul3A_8 : vector<1x8732xf32>
    %sub3A = arith.subf %slice3A, %mul3A_9 : vector<1x8732xf32>
    %mul3A_10 = arith.constant 5.000000e-01 : f32
    %mul3A_11 = vector.broadcast %mul3A_10 : f32 to vector<1x8732xf32>
    %mul3A_12 = arith.mulf %slice3A_7, %mul3A_11 : vector<1x8732xf32>
    %sub3A_13 = arith.subf %slice3A_5, %mul3A_12 : vector<1x8732xf32>
    %mul3A_14 = arith.constant 5.000000e-01 : f32
    %mul3A_15 = vector.broadcast %mul3A_14 : f32 to vector<1x8732xf32>
    %mul3A_16 = arith.mulf %slice3A_6, %mul3A_15 : vector<1x8732xf32>
    %add3A = arith.addf %slice3A, %mul3A_16 : vector<1x8732xf32>
    %mul3A_17 = arith.constant 5.000000e-01 : f32
    %mul3A_18 = vector.broadcast %mul3A_17 : f32 to vector<1x8732xf32>
    %mul3A_19 = arith.mulf %slice3A_7, %mul3A_18 : vector<1x8732xf32>
    %add3A_20 = arith.addf %slice3A_5, %mul3A_19 : vector<1x8732xf32>
    %slice3A_21 = vector.extract_strided_slice %get3A_4 {offsets = [0, 0], sizes = [50, 1], strides = [1, 1]} : vector<50x4xf32> to vector<50x1xf32>
    %slice3A_22 = vector.extract_strided_slice %get3A_4 {offsets = [0, 1], sizes = [50, 1], strides = [1, 1]} : vector<50x4xf32> to vector<50x1xf32>
    %slice3A_23 = vector.extract_strided_slice %get3A_4 {offsets = [0, 2], sizes = [50, 1], strides = [1, 1]} : vector<50x4xf32> to vector<50x1xf32>
    %slice3A_24 = vector.extract_strided_slice %get3A_4 {offsets = [0, 3], sizes = [50, 1], strides = [1, 1]} : vector<50x4xf32> to vector<50x1xf32>
    %min3A = vector.broadcast %add3A : vector<1x8732xf32> to vector<50x8732xf32>
    %min3A_25 = vector.broadcast %slice3A_23 : vector<50x1xf32> to vector<50x8732xf32>
    %min3A_26 = arith.minimumf %min3A, %min3A_25 : vector<50x8732xf32>
    %max3A = vector.broadcast %sub3A : vector<1x8732xf32> to vector<50x8732xf32>
    %max3A_27 = vector.broadcast %slice3A_21 : vector<50x1xf32> to vector<50x8732xf32>
    %max3A_28 = arith.maximumf %max3A, %max3A_27 : vector<50x8732xf32>
    %sub3A_29 = arith.subf %min3A_26, %max3A_28 : vector<50x8732xf32>
    %max3A_30 = arith.constant 0.000000e+00 : f32
    %max3A_31 = vector.broadcast %max3A_30 : f32 to vector<50x8732xf32>
    %max3A_32 = arith.maximumf %sub3A_29, %max3A_31 : vector<50x8732xf32>
    %min3A_33 = vector.broadcast %add3A_20 : vector<1x8732xf32> to vector<50x8732xf32>
    %min3A_34 = vector.broadcast %slice3A_24 : vector<50x1xf32> to vector<50x8732xf32>
    %min3A_35 = arith.minimumf %min3A_33, %min3A_34 : vector<50x8732xf32>
    %max3A_36 = vector.broadcast %sub3A_13 : vector<1x8732xf32> to vector<50x8732xf32>
    %max3A_37 = vector.broadcast %slice3A_22 : vector<50x1xf32> to vector<50x8732xf32>
    %max3A_38 = arith.maximumf %max3A_36, %max3A_37 : vector<50x8732xf32>
    %sub3A_39 = arith.subf %min3A_35, %max3A_38 : vector<50x8732xf32>
    %max3A_40 = arith.constant 0.000000e+00 : f32
    %max3A_41 = vector.broadcast %max3A_40 : f32 to vector<50x8732xf32>
    %max3A_42 = arith.maximumf %sub3A_39, %max3A_41 : vector<50x8732xf32>
    %mul3A_43 = arith.mulf %max3A_32, %max3A_42 : vector<50x8732xf32>
    %sub3A_44 = arith.subf %add3A, %sub3A : vector<1x8732xf32>
    %sub3A_45 = arith.subf %add3A_20, %sub3A_13 : vector<1x8732xf32>
    %mul3A_46 = arith.mulf %sub3A_44, %sub3A_45 : vector<1x8732xf32>
    %sub3A_47 = arith.subf %slice3A_23, %slice3A_21 : vector<50x1xf32>
    %sub3A_48 = arith.subf %slice3A_24, %slice3A_22 : vector<50x1xf32>
    %mul3A_49 = arith.mulf %sub3A_47, %sub3A_48 : vector<50x1xf32>
    %add3A_50 = vector.broadcast %mul3A_46 : vector<1x8732xf32> to vector<50x8732xf32>
    %add3A_51 = vector.broadcast %mul3A_49 : vector<50x1xf32> to vector<50x8732xf32>
    %add3A_52 = arith.addf %add3A_50, %add3A_51 : vector<50x8732xf32>
    %sub3A_53 = arith.subf %add3A_52, %mul3A_43 : vector<50x8732xf32>
    %add3A_54 = arith.constant 9.99999996E-13 : f32
    %add3A_55 = vector.broadcast %add3A_54 : f32 to vector<50x8732xf32>
    %add3A_56 = arith.addf %sub3A_53, %add3A_55 : vector<50x8732xf32>
    %div3A = arith.divf %mul3A_43, %add3A_56 : vector<50x8732xf32>
    %swap3A = arith.constant 0 : index
    %swap3A_57 = arith.constant 0 : index
    %swap3A_58 = vector.load %arg2[%swap3A, %swap3A_57] : memref<50x8736xf32, #tpu.memory_space<vmem>>, vector<50x8732xf32>
    tpu.vector_store %arg2[%swap3A, %swap3A_57], %div3A {strides = array<i32>} : memref<50x8736xf32, #tpu.memory_space<vmem>>, vector<50x8732xf32>,
    %broadcast_in_dim3A = arith.constant -1.000000e+00 : f32
    %broadcast_in_dim3A_59 = vector.broadcast %broadcast_in_dim3A : f32 to vector<50x4xf32>
    %swap3A_60 = arith.constant 0 : index
    %swap3A_61 = arith.constant 8732 : index
    %swap3A_62 = vector.load %arg2[%swap3A_60, %swap3A_61] : memref<50x8736xf32, #tpu.memory_space<vmem>>, vector<50x4xf32>
    tpu.vector_store %arg2[%swap3A_60, %swap3A_61], %broadcast_in_dim3A_59 {strides = array<i32>} : memref<50x8736xf32, #tpu.memory_space<vmem>>, vector<50x4xf32>,
    %iota3A = tpu.iota {dimensions = array<i32: 1>} : vector<50x8732xi32>
    %iota3A_63 = tpu.iota {dimensions = array<i32: 0>} : vector<50x8732xi32>
    %reduce_max3A = arith.constant dense<0xFF800000> : vector<50xf32>
    %reduce_max3A_64 = vector.multi_reduction <maximumf>, %div3A, %reduce_max3A [1] : vector<50x8732xf32> to vector<50xf32>
    %broadcast_in_dim3A_65 = vector.shape_cast %reduce_max3A_64 : vector<50xf32> to vector<50x1xf32>
    %eq3A = vector.broadcast %broadcast_in_dim3A_65 : vector<50x1xf32> to vector<50x8732xf32>
    %eq3A_66 = arith.cmpf oeq, %div3A, %eq3A : vector<50x8732xf32>
    %jit3A = arith.constant 1073741824 : i32
    %broadcast_in_dim3A_67 = vector.broadcast %jit3A : i32 to vector<50x8732xi32>
    %select_n3A = arith.select %eq3A_66, %iota3A, %broadcast_in_dim3A_67 : vector<50x8732xi1>, vector<50x8732xi32>
    %reduce_min3A = arith.constant dense<2147483647> : vector<50xi32>
    %reduce_min3A_68 = vector.multi_reduction <minsi>, %select_n3A, %reduce_min3A [1] : vector<50x8732xi32> to vector<50xi32>
    %broadcast_in_dim3A_69 = vector.shape_cast %reduce_min3A_68 : vector<50xi32> to vector<50x1xi32>
    %broadcast_in_dim3A_70 = arith.constant -1073741824 : i32
    %broadcast_in_dim3A_71 = vector.broadcast %broadcast_in_dim3A_70 : i32 to vector<1x14xi32>
    %transpose3A = tpu.transpose %broadcast_in_dim3A_65, [1, 0] : vector<50x1xf32> -> vector<1x50xf32>
    %bitcast_convert_type3A = tpu.bitcast %transpose3A : vector<1x50xf32> -> vector<1x50xi32>
    %transpose3A_72 = tpu.transpose %broadcast_in_dim3A_69, [1, 0] : vector<50x1xi32> -> vector<1x50xi32>
    %broadcast_in_dim3A_73 = arith.constant 0 : i32
    %broadcast_in_dim3A_74 = vector.broadcast %broadcast_in_dim3A_73 : i32 to vector<1x14xi32>
    %concatenate3A = tpu.concatenate %bitcast_convert_type3A, %broadcast_in_dim3A_71, %transpose3A_72, %broadcast_in_dim3A_74 in 1 : vector<1x50xi32>, vector<1x14xi32>, vector<1x50xi32>, vector<1x14xi32> -> vector<1x128xi32>
    %swap3A_75 = arith.constant 0 : index
    %swap3A_76 = arith.constant 0 : index
    %swap3A_77 = vector.load %arg3[%swap3A_75, %swap3A_76] : memref<1x128xi32, #tpu.memory_space<vmem>>, vector<1x128xi32>
    tpu.vector_store %arg3[%swap3A_75, %swap3A_76], %concatenate3A {strides = array<i32>} : memref<1x128xi32, #tpu.memory_space<vmem>>, vector<1x128xi32>,
    %reduce_max3A_78 = arith.constant dense<0xFF800000> : vector<8732xf32>
    %reduce_max3A_79 = vector.multi_reduction <maximumf>, %div3A, %reduce_max3A_78 [0] : vector<50x8732xf32> to vector<8732xf32>
    %broadcast_in_dim3A_80 = vector.shape_cast %reduce_max3A_79 : vector<8732xf32> to vector<1x8732xf32>
    %eq3A_81 = vector.broadcast %broadcast_in_dim3A_80 : vector<1x8732xf32> to vector<50x8732xf32>
    %eq3A_82 = arith.cmpf oeq, %div3A, %eq3A_81 : vector<50x8732xf32>
    %jit3A_83 = arith.constant 1073741824 : i32
    %broadcast_in_dim3A_84 = vector.broadcast %jit3A_83 : i32 to vector<50x8732xi32>
    %select_n3A_85 = arith.select %eq3A_82, %iota3A_63, %broadcast_in_dim3A_84 : vector<50x8732xi1>, vector<50x8732xi32>
    %reduce_min3A_86 = arith.constant dense<2147483647> : vector<8732xi32>
    %reduce_min3A_87 = vector.multi_reduction <minsi>, %select_n3A_85, %reduce_min3A_86 [0] : vector<50x8732xi32> to vector<8732xi32>
    %broadcast_in_dim3A_88 = vector.shape_cast %reduce_min3A_87 : vector<8732xi32> to vector<1x8732xi32>
    %ge3A = arith.constant 5.000000e-01 : f32
    %ge3A_89 = vector.broadcast %ge3A : f32 to vector<1x8732xf32>
    %ge3A_90 = arith.cmpf oge, %broadcast_in_dim3A_80, %ge3A_89 : vector<1x8732xf32>
    %convert_element_type3A = arith.sitofp %broadcast_in_dim3A_88 : vector<1x8732xi32> to vector<1x8732xf32>
    %jit3A_91 = arith.constant -1.000000e+00 : f32
    %broadcast_in_dim3A_92 = vector.broadcast %jit3A_91 : f32 to vector<1x8732xf32>
    %select_n3A_93 = arith.select %ge3A_90, %convert_element_type3A, %broadcast_in_dim3A_92 : vector<1x8732xi1>, vector<1x8732xf32>
    %swap3A_94 = arith.constant 0 : index
    %swap3A_95 = arith.constant 0 : index
    %swap3A_96 = vector.load %arg4[%swap3A_94, %swap3A_95] : memref<1x8732xf32, #tpu.memory_space<vmem>>, vector<1x8732xf32>
    tpu.vector_store %arg4[%swap3A_94, %swap3A_95], %select_n3A_93 {strides = array<i32>} : memref<1x8732xf32, #tpu.memory_space<vmem>>, vector<1x8732xf32>,
    return
  }
}

</mosaic_0001>

<sc_bundles>
// kernel: kernel.5.cloned.1.call-start
scs
__scs_entry_jumppad:
0x0: {  	(pc) =	sbr.rel $0x88, $3  }
0x1: {  	(tag) =	ssettag $0x0;
	lr =	simm.s32 $0x1  }
0x2: {  	[smem:$0x3F9E] =	sst lr;
	_ =	strace $0xD0000000  }
0x3: {  	_ = 	snop  }
0x4: {  	_ = 	snop  }
0x5: {  	_ = 	snop  }
0x6: {  	_ = 	snop  }
0x7: {  	_ = 	snop  }
__scs_overlays_trampoline_lowered:
0x8: {  	[smem:$0x3FAD] =	sst s0  }
0x9: {  	[smem:$0x3FAE] =	sst s1  }
0xa: {  	[smem:$0x3FAF] =	sst s2  }
0xb: {  	[smem:$0x3FB0] =	sst s3  }
0xc: {  	[smem:$0x3FB1] =	sst s4  }
0xd: {  	[smem:$0x3FB2] =	sst s5  }
0xe: {  	[smem:$0x3FB3] =	sst s6  }
0xf: {  	[smem:$0x3FB4] =	sst s7  }
0x10: {  	[smem:$0x3FB5] =	sst s8  }
0x11: {  	[smem:$0x3FB6] =	sst s9;
	s0 =	simm.s32 @!p0 $0x0  }
0x12: {  	s1 =	sld [smem:$0x3F9C];
	s0 =	simm.s32 @p0 $0x1  }
0x13: {  	[smem:$0x3FB7] =	sst s0;
	s0 =	simm.s32 @!p1 $0x0  }
0x14: {  	s2 =	sld [smem:$0x3F9B];
	s0 =	simm.s32 @p1 $0x1  }
0x15: {  	[smem:$0x3FB8] =	sst s0;
	s0 =	simm.s32 @!p2 $0x0  }
0x16: {  	s3 =	sld [smem:$0x3FDB];
	s0 =	simm.s32 @p2 $0x1  }
0x17: {  	s4 =	simm.s32 $0x1BF5;
	[smem:$0x3FBA] =	sst s0  }
0x18: {  	s0 =	sld [smem:$0x3F9D];
	_ =	swait.ge [sflag:s4], $0x0  }
0x19: {  	s7 =	sld [smem:$0x3F9E]  }
0x1a: {  	s8 =	sadd.s32 $0xFFFFE003, lr  }
0x1b: {  	s9 =	sadd.s32 $0xFFFFFEF7, lr;
	s5 =	simm.s32 $0xFFFFFFFF;
	p2 =	slt.u32 s8, $0xFFFFF086  }
0x1c: {  	p1 =	slt.u32 s9, $0xF7A;
	s5 =	simm.s32 @!p2 $0x0  }
0x1d: {  	s5 =	simm.s32 @p1 $0x1;
	p0 =	seq.s32 s7, s2  }
0x1e: {  	s7 =	smul.u32 @!p0 $0xF7A, s2;
	p2 =	seq.s32 @!p0 s5, $0x0  }
0x1f: {  	s9 =	smul.u32 $0xF7A, s1;
	s8 =	simm.s32 @!p0 $0x1BF5;
	p2 =	por !p2, p0  }
0x20: {  	[sflag:s8] =	ssyncset.s32 @!p0 $0xFFFFF086;
	s6 =	sadd.s32 @!p0 s3, s7;
	s7 =	simm.s32 @!p0 $0x108  }
0x21: {  	s3 =	sadd.s32 s3, s9;
	s6 =	sadd.s32 @!p0 $0x88, s6;
	s7 =	simm.s32 @p2 $0x1082  }
0x22: {  	[simem:s7], [sflag:s8] =	dma.local @!p0 [hbm:s6], $0xF7A  }
0x23: {  	s9 =	sor.u32 $0xD0000000, s2;
	s6 =	simm.s32 $0x108;
	_ =	swait.ge @!p0 [sflag:s8], $0x0  }
0x24: {  	s3 =	sadd.s32 $0x88, s3;
	s6 =	simm.s32 @!p1 $0x1082;
	[sflag:s4] =	ssyncset.s32 $0xFFFFF086  }
0x25: {  	[simem:s6], [sflag:s4] =	dma.local [hbm:s3], $0xF7A  }
0x26: {  	[smem:$0x3F9E] =	sst s1;
	(tag) =	ssettag s2;
	_ =	strace s9  }
0x27: {  	s1 =	sld [smem:$0x3FAE]  }
0x28: {  	s2 =	sld [smem:$0x3FAF]  }
0x29: {  	s4 =	sld [smem:$0x3FB1]  }
0x2a: {  	p0 =	seq.s32 s5, $0x0;
	s5 =	sld [smem:$0x3FB2]  }
0x2b: {  	s6 =	sld [smem:$0x3FB3]  }
0x2c: {  	s7 =	sld [smem:$0x3FB4]  }
0x2d: {  	s3 =	simm.s32 $0x108;
	s8 =	sld [smem:$0x3FB5]  }
0x2e: {  	s3 =	simm.s32 @!p0 $0x1082;
	s9 =	sld [smem:$0x3FB6]  }
0x2f: {  	lr =	sadd.s32 s0, s3;
	s0 =	sld [smem:$0x3FAD]  }
0x30: {  	s3 =	sld [smem:$0x3FB0]  }
0x31: {  	[smem:$0x3FB9] =	sst s10  }
0x32: {  	s10 =	sld [smem:$0x3FB7];
	_ =	sdelay $0x3  }
0x33: {  	p0 =	seq.s32 s10, $0x1;
	s10 =	sld [smem:$0x3FB9];
	_ =	sdelay $0x3  }
0x34: {  	[smem:$0x3FB9] =	sst s10  }
0x35: {  	s10 =	sld [smem:$0x3FB8];
	_ =	sdelay $0x3  }
0x36: {  	p1 =	seq.s32 s10, $0x1;
	s10 =	sld [smem:$0x3FB9];
	_ =	sdelay $0x3  }
0x37: {  	[smem:$0x3FB9] =	sst s10  }
0x38: {  	s10 =	sld [smem:$0x3FBA]  }
0x39: {  	_ = 	snop;
	(pc) =	sbr.ind lr, $3  }
0x3a: {  	_ = 	snop  }
0x3b: {  	_ = 	snop  }
0x3c: {  	p2 =	seq.s32 s10, $0x1;
	s10 =	sld [smem:$0x3FB9]  }
0x3d: {  	_ =	shalt  }
0x3e: {  	_ =	shalt  }
0x3f: {  	_ =	shalt  }
0x40: {  	_ =	shalt  }
0x41: {  	_ =	shalt  }
0x42: {  	_ =	shalt  }
0x43: {  	_ =	shalt  }
0x44: {  	_ =	shalt  }
0x45: {  	_ =	shalt  }
0x46: {  	_ =	shalt  }
0x47: {  	_ =	shalt  }
0x48: {  	_ =	shalt  }
0x49: {  	_ =	shalt  }
0x4a: {  	_ =	shalt  }
0x4b: {  	_ =	shalt  }
0x4c: {  	_ =	shalt  }
0x4d: {  	_ =	shalt  }
0x4e: {  	_ =	shalt  }
0x4f: {  	_ =	shalt  }
0x50: {  	_ =	shalt  }
0x51: {  	_ =	shalt  }
0x52: {  	_ =	shalt  }
0x53: {  	_ =	shalt  }
0x54: {  	_ =	shalt  }
0x55: {  	_ =	shalt  }
0x56: {  	_ =	shalt  }
0x57: {  	_ =	shalt  }
0x58: {  	_ =	shalt  }
0x59: {  	_ =	shalt  }
0x5a: {  	_ =	shalt  }
0x5b: {  	_ =	shalt  }
0x5c: {  	_ =	shalt  }
0x5d: {  	_ =	shalt  }
0x5e: {  	_ =	shalt  }
0x5f: {  	_ =	shalt  }
0x60: {  	_ =	shalt  }
0x61: {  	_ =	shalt  }
0x62: {  	_ =	shalt  }
0x63: {  	_ =	shalt  }
0x64: {  	_ =	shalt  }
0x65: {  	_ =	shalt  }
0x66: {  	_ =	shalt  }
0x67: {  	_ =	shalt  }
0x68: {  	_ =	shalt  }
0x69: {  	_ =	shalt  }
0x6a: {  	_ =	shalt  }
0x6b: {  	_ =	shalt  }
0x6c: {  	_ =	shalt  }
0x6d: {  	_ =	shalt  }
0x6e: {  	_ =	shalt  }
0x6f: {  	_ =	shalt  }
0x70: {  	_ =	shalt  }
0x71: {  	_ =	shalt  }
0x72: {  	_ =	shalt  }
0x73: {  	_ =	shalt  }
0x74: {  	_ =	shalt  }
0x75: {  	_ =	shalt  }
0x76: {  	_ =	shalt  }
0x77: {  	_ =	shalt  }
0x78: {  	_ =	shalt  }
0x79: {  	_ =	shalt  }
0x7a: {  	_ =	shalt  }
0x7b: {  	_ =	shalt  }
0x7c: {  	_ =	shalt  }
0x7d: {  	_ =	shalt  }
0x7e: {  	_ =	shalt  }
0x7f: {  	_ =	shalt  }
0x80: {  	_ =	shalt  }
0x81: {  	_ =	shalt  }
0x82: {  	_ =	shalt  }
0x83: {  	_ =	shalt  }
0x84: {  	_ =	shalt  }
0x85: {  	_ =	shalt  }
0x86: {  	_ =	shalt  }
0x87: {  	_ =	shalt  }
.Lfunc_end0:
.L_simem_size_0:
called_computation_lowered:
.L_overlay_start_0:
0x88: {  	s2 =	sld [smem:$0x3FD9]  }
0x89: {  	s3 =	sld [smem:$0x3FFE];
	_ =	sdelay $0x1  }
0x8a: {  	s1 =	srdreg.scid  }
0x8b: {  	s0 =	sand.u32 $0x1, s1  }
0x8c: {  	s14 =	sshll.u32 s0, $0xA;
	s2 =	sadd.s32 s3, s2  }
0x8d: {  	s2 =	sadd.s32 s2, s14  }
0x8e: {  	[smem:$0x3FC5] =	sst s2  }
0x8f: {  	_ = 	snop  }
0x90: {  	s2 =	sld [smem:$0x3FD0];
	_ =	sdelay $0x2  }
0x91: {  	s15 =	simm.s32 $0xA;
	s4 =	simm.s32 $0x10  }
0x92: {  	[smem:s4], [sflag:s15] =	dma.local [hbm:s2], $0x1  }
0x93: {  	_ =	swait.eq [sflag:s15], $0x1  }
0x94: {  	[sflag:s15] =	ssyncset.done $0x0  }
0x95: {  	s16 =	sld [smem:$0x10];
	[sflag:s15] =	ssyncadd.s32 $0xFFFFFFFF  }
0x96: {  	s17 =	sld [smem:$0x12];
	(tm) =	ssettm $0x1  }
0x97: {  	s18 =	sld [smem:$0x3FFB];
	_ =	sdelay $0x3  }
0x98: {  	_ =	strace s18  }
0x99: {  	s4 =	sld [smem:$0x3FFC];
	_ =	sdelay $0x3  }
0x9a: {  	_ =	strace s4  }
0x9b: {  	s4 =	sld [smem:$0x3FFD];
	_ =	sdelay $0x3  }
0x9c: {  	_ =	strace s4  }
0x9d: {  	_ =	strace $0x8FFFFFFF  }
0x9e: {  	s19 =	sld [smem:$0x3FDB];
	_ =	sdelay $0x1  }
0x9f: {  	s5 =	simm.s32 $_scs_section_size  }
0xa0: {  	s6 =	simm.s32 $_size__tile_overlayer_lowered;
	s7 =	simm.s32 $_tile_overlayer_lowered  }
0xa1: {  	s22 =	simm.s32 $0x1BFF;
	s21 =	sshll.u32 s7, $0x1;
	s4 =	sadd.s32 s5, s19  }
0xa2: {  	s8 =	simm.s32 $0x0;
	s20 =	sshll.u32 s6, $0x1;
	s6 =	sadd.s32 s21, s4  }
0xa3: {  	[timem:s8], [sflag:s22] =	dma.local [hbm:s6], s20  }
0xa4: {  	_ =	swait.ge [sflag:s22], s20  }
0xa5: {  	s5 =	ssub.s32 $0x0, s20;
	[sflag:s22] =	ssyncset.done $0x0  }
0xa6: {  	[sflag:s22] =	ssyncadd.s32 s5;
	_ =	sdelay $0x1  }
0xa7: {  	s23 =	simm.s32 $0x1B8B  }
0xa8: {  	_ =	swait.ge [sflag:s23], $0x1  }
0xa9: {  	[sflag:s23] =	ssyncset.done $0x0  }
0xaa: {  	s25 =	simm.s32 $0x1B8E;
	s24 =	sld [smem:$0x3FFE];
	[sflag:s23] =	ssyncadd.s32 $0xFFFFFFFF  }
0xab: {  	s26 =	simm.s32 $execute0_lowered;
	[smem:$0x3FD2] =	sst s25  }
0xac: {  	s6 =	sshll.u32 s26, $0x1;
	_ =	strace $0x80000046;
	[dreg:$0x1] =	wrdreg $0xFFFFFFFF  }
0xad: {  	s28 =	simm.s32 $_size_execute0_lowered;
	s4 =	sadd.s32 s4, s6;
	[dreg:$0x0] =	wrdreg $0x0  }
0xae: {  	s6 =	sshll.u32 s28, $0x1;
	[dreg:$0x2] =	wrdreg s4  }
0xaf: {  	[dreg:$0x3] =	wrdreg s6  }
0xb0: {  	[dreg:$0x4] =	wrdreg $0xC0  }
0xb1: {  	_ =	task [dreg:s8], $0x5FFFF  }
0xb2: {  	[dreg:$0x1] =	wrdreg $0xFFFFFFFF  }
0xb3: {  	[dreg:$0x0] =	wrdreg $0x60  }
0xb4: {  	[dreg:$0x2] =	wrdreg s24  }
0xb5: {  	[dreg:$0x3] =	wrdreg s16  }
0xb6: {  	[dreg:$0x4] =	wrdreg s17  }
0xb7: {  	[dreg:$0x5] =	wrdreg $0x9  }
0xb8: {  	_ =	task.clear_ibuf [dreg:s8], $0x6FFFF;
	_ =	strace $0x90000046  }
0xb9: {  	s29 =	simm.s32 $0x9;
	_ =	strace $0x80000048  }
0xba: {  	_ =	swait.ge [sflag:s29], $0x1  }
0xbb: {  	[sflag:s29] =	ssyncadd.s32 $0xFFFFFFFF  }
0xbc: {  	_ =	strace $0x90000048  }
0xbd: {  	_ =	sfence  }
0xbe: {  	s30 =	sld [smem:$0x0];
	_ =	sdelay $0x2  }
0xbf: {  	s31 =	sshll.u32 s1, $0xD;
	s1 =	sshrl.u32 s1, $0x2  }
0xc0: {  	s3 =	sand.u32 $0x4000, s31;
	s1 =	sadd.s32 s1, s30  }
0xc1: {  	s0 =	sor.u32 s3, s0;
	s1 =	sshll.u32 s1, $0x11  }
0xc2: {  	s0 =	sor.u32 s1, s0  }
0xc3: {  	s0 =	sadd.s32 $0x8F2B, s0  }
0xc4: {  	[sflag:s0] =	ssyncadd.remote.s32 $0x1  }
0xc5: {  	_ =	sfence.sel $0xFFFF  }
0xc6: {  	[dreg:$0x0] =	wrdreg $0xFFFFFFFF;
	(pc) =	sbr.abs _section_cstart, $3  }
0xc7: {  	[dreg:$0x1] =	wrdreg $0xFFFFFFFF  }
0xc8: {  	_ =	task.clear_ibuf [dreg:s8], $0x2FFFF;
	_ =	strace $0x9FFFFFFF  }
0xc9: {  	(tm) =	ssettm $0x7FFFFFFF  }
tec
execute0_lowered:
.L_overlay_start_1:
0x0: {  	(tag) =	ssettag $0x1  }
0x1: {  	s0 =	srdreg.scid  }
0x2: {  	s1 =	stileid.u32;
	s6 =	sand.u32 $0x1, s0  }
0x3: {  	s7 =	sor.u32 s1, s6  }
0x4: {  	p0 =	sne.s32 s7, $0x0  }
.Ltmp0:
0x5: {  	s5 =	rddreg [dreg:$0x0];
	(pc) =	sbr.rel @!p0 .LBB2_1-.Ltmp0, $4  }
0x6: {  	s2 =	rddreg [dreg:$0x1]  }
0x7: {  	s3 =	rddreg [dreg:$0x2];
	s4 =	simm.s32 $0x0  }
0x8: {  	[smem:$0x7FF] =	sst s4  }
0x9: {  	s0 =	rddreg [dreg:$0x3];
	_ =	strace $0x80000047  }
.LBB2_18:
0xa: {  	_ =	sfence.sel $0x180000  }
0xb: {  	[bflag:$0x0] =	sbarrier.arrive $0xFFFF  }
0xc: {  	p0 =	sne.s32 s1, $0x0;
	_ =	strace $0x90000047  }
0xd: {  	s0 =	sadd.s32 @!p0 $0x100000, s0;
	[bflag:$0x2] =	sbarrier.arrive $0xFFFF  }
0xe: {  	[sflag:s0] =	ssyncadd.tile.s32 @!p0 $0x1;
	_ =	shalt  }
.LBB2_1:
.Ltmp1:
0xf: {  	(pc) =	sbr.rel .LBB2_2-.Ltmp1, $4  }
0x10: {  	s6 =	ssub.s32 $0x2, s6;
	s5 =	sadd.s32 $0x1400, s5  }
0x11: {  	s8 =	simm.s32 $0x1;
	s9 =	simm.s32 $0x80;
	s10 =	simm.s32 $0x400  }
0x12: {  	v0 =	vimm.s32 $0xFFFFFFFF;
	v1 =	vimm.f32 $0.0e+00;
	v2 =	vlaneseq.u32;
	s11 =	simm.s32 $0x2480;
	s12 =	simm.s32 $0x180;
	s7 =	sshrl.u32 s6, $0x1  }
0x13: {  	s13 =	simm.s32 $0x0;
	v3 =	vor.u32 $0x10, v2;
	v4 =	vor.u32 $0x20, v2;
	v5 =	vor.u32 $0x30, v2;
	s6 =	ssub.s32 s6, s7;
	s7 =	simm.s32 $0x2  }
.LBB2_17:
0x14: {  	s13 =	sadd.s32 $0x1, s13  }
0x15: {  	p0 =	sne.s32 s13, s6  }
.Ltmp2:
0x16: {  	_ = 	snop;
	(pc) =	sbr.rel @!p0 .LBB2_18-.Ltmp2, $4  }
0x17: {  	[hbm4b:s3+s4] =	stream.linear.scatter [tilespmem:s12], [sflag:$0x2], $0x80, $0x38;
	[tilespmem:$0x4800] =	vst v63  }
0x18: {  	_ =	swait.ge [sflag:s7], $0x80  }
0x19: {  	[sflag:s7] =	ssyncset.done $0x0  }
0x1a: {  	[sflag:s7] =	ssyncadd.s32 $0xFFFFFF80  }
.LBB2_2:
0x1b: {  	s14 =	simm.s32 $0x0  }
0x1c: {  	[tilespmem:s14], [sflag:$0x2] =	stream.linear.gather [hbm4b:s2+s14], $0x80, $0x38;
	[tilespmem:$0x4800] =	vst v63  }
0x1d: {  	_ =	swait.ge [sflag:s7], $0x80  }
0x1e: {  	[sflag:s7] =	ssyncset.done $0x0  }
0x1f: {  	[sflag:s7] =	ssyncadd.s32 $0xFFFFFF80  }
0x20: {  	v6 =	vld [tilespmem:$0x0];
	_ =	sdelay $0x3  }
0x21: {  	v7 =	vld [tilespmem:$0x40];
	[tilespmem:$0x180] =	vst v0  }
0x22: {  	[tilespmem:$0x80] =	vst v6;
	v6 =	vld [tilespmem:$0x60]  }
0x23: {  	v8 =	vld [tilespmem:$0x10];
	[tilespmem:$0x190] =	vst v0  }
0x24: {  	v9 =	vld [tilespmem:$0x50];
	[tilespmem:$0x1A0] =	vst v0  }
0x25: {  	v10 =	vld [tilespmem:$0x20];
	[tilespmem:$0x1B0] =	vst v0  }
0x26: {  	[tilespmem:$0x100] =	vst v7;
	v7 =	vld [tilespmem:$0x30]  }
0x27: {  	[tilespmem:$0x120] =	vst v6;
	v6 =	vld [tilespmem:$0x70]  }
0x28: {  	[tilespmem:$0x90] =	vst v8  }
0x29: {  	[tilespmem:$0x110] =	vst v9  }
0x2a: {  	[tilespmem:$0xA0] =	vst v10  }
0x2b: {  	[tilespmem:$0xB0] =	vst v7  }
0x2c: {  	s15 =	simm.s32 $0x270;
	[tilespmem:$0x130] =	vst v6  }
0x2d: {  	[tilespmem:s15+$0xFFFFFFA0] =	vst v1  }
0x2e: {  	[tilespmem:s15+$0xFFFFFFB0] =	vst v1  }
0x2f: {  	[tilespmem:s15+$0xFFFFFFC0] =	vst v1  }
0x30: {  	[tilespmem:s15+$0xFFFFFFD0] =	vst v1  }
0x31: {  	[tilespmem:s15+$0xFFFFFFE0] =	vst v1  }
0x32: {  	[tilespmem:s15+$0xFFFFFFF0] =	vst v1  }
0x33: {  	[tilespmem:s15+$0x0] =	vst v1  }
0x34: {  	s16 =	simm.s32 $0xE0;
	s17 =	sand.u32 $0x3FE0, s14;
	[tilespmem:s15+$0xFFFFFF90] =	vst v1  }
.LBB2_3:
0x35: {  	p0 =	sne.s32 s16, $0x2140;
	[tilespmem:s17+$0x280] =	vst v1  }
0x36: {  	[tilespmem:s15+$0x20] =	vst v1  }
0x37: {  	[tilespmem:s15+$0x30] =	vst v1  }
0x38: {  	[tilespmem:s15+$0x40] =	vst v1  }
0x39: {  	[tilespmem:s15+$0x50] =	vst v1  }
0x3a: {  	[tilespmem:s15+$0x60] =	vst v1;
	s15 =	sadd.s32 $0xE0, s15  }
0x3b: {  	[tilespmem:s15+$0xFFFFFFA0] =	vst v1  }
0x3c: {  	[tilespmem:s15+$0xFFFFFFB0] =	vst v1  }
0x3d: {  	[tilespmem:s15+$0xFFFFFFC0] =	vst v1  }
.Ltmp3:
0x3e: {  	[tilespmem:s15+$0xFFFFFFD0] =	vst v1;
	(pc) =	sbr.rel @p0 .LBB2_3-.Ltmp3, $4  }
0x3f: {  	[tilespmem:s15+$0xFFFFFFE0] =	vst v1  }
0x40: {  	[tilespmem:s15+$0xFFFFFFF0] =	vst v1  }
0x41: {  	[tilespmem:s15+$0x0] =	vst v1  }
0x42: {  	s17 =	sand.u32 $0x3FE0, s16;
	s16 =	sadd.s32 $0xE0, s16;
	[tilespmem:s15+$0xFFFFFF90] =	vst v1  }
0x43: {  	[tilespmem:s17+$0x280] =	vst v1  }
.Ltmp4:
0x44: {  	[tilespmem:s15+$0x20] =	vst v1;
	(pc) =	sbr.rel .LBB2_5-.Ltmp4, $4  }
0x45: {  	[tilespmem:s15+$0x30] =	vst v1  }
0x46: {  	[tilespmem:s15+$0x40] =	vst v1  }
0x47: {  	[tilespmem:s15+$0x50] =	vst v1  }
0x48: {  	[tilespmem:s15+$0x60] =	vst v1  }
.LBB2_16:
0x49: {  	s14 =	sadd.s32 $0x1, s14  }
0x4a: {  	p0 =	sne.s32 s14, $0x32  }
.Ltmp5:
0x4b: {  	_ = 	snop;
	(pc) =	sbr.rel @!p0 .LBB2_17-.Ltmp5, $1  }
0x4c: {  	_ =	sdelay $0x3  }
.LBB2_5:
0x4d: {  	v6 =	vld [tilespmem:$0x100]  }
0x4e: {  	v7 =	vld [tilespmem:$0x110]  }
0x4f: {  	v8 =	vld [tilespmem:$0x80]  }
0x50: {  	v9 =	vld [tilespmem:$0x90];
	_ =	sdelay $0x1  }
0x51: {  	v10 =	vld [tilespmem:$0x120]  }
0x52: {  	v6 =	vshll.u32 v6, $0x6;
	v7 =	vshll.u32 v7, $0x6  }
0x53: {  	v11 =	vld [tilespmem:$0xA0];
	v6 =	vor.u32 v2, v6;
	v7 =	vor.u32 v3, v7  }
0x54: {  	vm0 =	veq.f32 v9, v8;
	vm1 =	vlt.s32 v7, v6  }
0x55: {  	v12 =	vld [tilespmem:$0x130];
	vm2 =	vgt.f32 v9, v8;
	vm0 =	vmand vm0, vm1  }
0x56: {  	v10 =	vshll.u32 v10, $0x6;
	vm0 =	vmor vm2, vm0  }
0x57: {  	v60 =	vld [tilespmem:$0xB0];
	v8 =	vsel vm0, v9, v8;
	v6 =	vsel vm0, v7, v6;
	v7 =	vor.u32 v4, v10  }
0x58: {  	vm8 =	veq.f32 v11, v8;
	vm9 =	vlt.s32 v7, v6  }
0x59: {  	vm10 =	vgt.f32 v11, v8;
	vm0 =	vmand vm8, vm9  }
0x5a: {  	v61 =	vshll.u32 v12, $0x6;
	vm0 =	vmor vm10, vm0  }
0x5b: {  	v8 =	vsel vm0, v11, v8;
	v6 =	vsel vm0, v7, v6;
	v7 =	vor.u32 v5, v61  }
0x5c: {  	vm11 =	veq.f32 v60, v8;
	vm12 =	vlt.s32 v7, v6  }
0x5d: {  	vm13 =	vgt.f32 v60, v8;
	vm0 =	vmand vm11, vm12  }
0x5e: {  	vm0 =	vmor vm13, vm0  }
0x5f: {  	v8 =	vsel vm0, v60, v8  }
0x60: {  	(xrf0) =	vmax.scan.msk.f32 $0xffff, v8;
	_ =	sdelay $0x5  }
0x61: {  	v62, _, _ =	vpop (xrf0)  }
0x62: {  	v63 =	vbroadcast v62, $0xF  }
0x63: {  	v6 =	vsel vm0, v7, v6  }
0x64: {  	v6 =	vxor.u32 $0x80000000, v6;
	vm14 =	veq.f32 v8, v63  }
0x65: {  	v6 =	vnsel vm14, $0xC0000000, v6  }
0x66: {  	(xrf0) =	vmin.scan.msk.u32 $0xffff, v6;
	_ =	sdelay $0x5  }
0x67: {  	(v2sf) =	vpush v62, $0xF;
	v6, _, _ =	vpop (xrf0)  }
0x68: {  	(v2sf) =	vpush v6, $0xF;
	_ =	sdelay $0xd  }
0x69: {  	s18 =	spop (v2sf)  }
0x6a: {  	s15 =	spop (v2sf)  }
0x6b: {  	s16 =	sxor.u32 $0x80000000, s15  }
0x6c: {  	s17 =	sshra.s32 s16, $0x1F  }
0x6d: {  	s17 =	sshrl.u32 s17, $0x1A  }
0x6e: {  	s19 =	sadd.s32 s17, s16  }
0x6f: {  	p1 =	sgt.s32 s15, $0xFFFFFFFF;
	p0 =	slt.s32 s16, $0x1;
	s17 =	sand.u32 $0xFFFFFFC0, s19  }
0x70: {  	p0 =	por p1, p0;
	p4 =	sne.s32 s16, s17  }
0x71: {  	p0 =	por !p0, !p4  }
0x72: {  	s20 =	simm.s32 $0x1;
	p0 =	por !p0, !p0  }
0x73: {  	s19 =	sshra.s32 s19, $0x6;
	s20 =	simm.s32 @!p0 $0x0  }
0x74: {  	s19 =	ssub.s32 s19, s20  }
0x75: {  	s20 =	sshrl.u32 s19, $0x1C  }
0x76: {  	s20 =	sadd.s32 s20, s19  }
0x77: {  	s21 =	sand.u32 $0xFFFFFFF0, s20  }
0x78: {  	p5 =	slt.s32 s19, $0x1;
	p6 =	sne.s32 s19, s21  }
0x79: {  	p0 =	por !p5, !p6  }
0x7a: {  	s21 =	simm.s32 $0x1;
	p0 =	por !p0, !p0  }
0x7b: {  	s20 =	sshrl.u32 s20, $0x4;
	s21 =	simm.s32 @!p0 $0x0  }
0x7c: {  	s20 =	ssub.s32 s20, s21  }
0x7d: {  	s20 =	sshll.u32 s20, $0x6  }
0x7e: {  	s30 =	sshra.s32 s20, $0x2  }
0x7f: {  	v6 =	vld [tilespmem:s30+$0x200];
	_ =	sdelay $0x1  }
0x80: {  	s31 =	sand.u32 $0xF, s19  }
0x81: {  	v7 =	vmov s31  }
0x82: {  	vm15 =	veq.s32 v7, v2  }
0x83: {  	v6 =	vnsel vm15, $0xF149F2CA, v6  }
0x84: {  	(xrf0) =	vmax.scan.msk.f32 $0xffff, v6;
	_ =	sdelay $0x5  }
0x85: {  	v6, _, _ =	vpop (xrf0)  }
0x86: {  	(v2sf) =	vpush v6, $0xF;
	_ =	sdelay $0xd  }
0x87: {  	p0 =	sgt.f32 s18, $9.999999960e-13  }
0x88: {  	s18 =	spop (v2sf)  }
0x89: {  	p1 =	slt.f32 @p0 s18, $-2.500000000e+00;
	_ =	sdelay $0x1  }
0x8a: {  	p2 =	por p1, !p0  }
0x8b: {  	s18 =	sand.u32 @!p2 $0x30, s15  }
0x8c: {  	v6 =	vld @!p2 [tilespmem:s18+$0x180]  }
0x8d: {  	v8 =	vld @!p2 [tilespmem:s18+$0x80]  }
0x8e: {  	s21 =	sand.u32 @!p2 $0xF, s15  }
0x8f: {  	v9 =	vlaneseq.u32 @!p2;
	v10 =	vmov @!p2 s21  }
0x90: {  	vm0 =	veq.s32 @!p2 v10, v9  }
0x91: {  	v6 =	vsel @!p2 vm0, s19, v6  }
0x92: {  	[tilespmem:s18+$0x180] =	vst @!p2 v6;
	v6 =	vsel @!p2 vm0, $0xC0000000, v8  }
0x93: {  	[tilespmem:s18+$0x80] =	vst @!p2 v6;
	s18 =	sshra.s32 @!p2 s20, $0x2  }
0x94: {  	v6 =	vld @!p2 [tilespmem:s18+$0x200]  }
0x95: {  	p0 =	por !p0, !p1  }
.Ltmp6:
0x96: {  	_ = 	snop;
	(pc) =	sbr.rel @p0 .LBB2_16-.Ltmp6, $4  }
0x97: {  	_ = 	snop  }
0x98: {  	vm0 =	veq.s32 @!p2 v7, v9  }
0x99: {  	v6 =	vsel @!p2 vm0, $0xC0400000, v6  }
0x9a: {  	[tilespmem:s18+$0x200] =	vst @!p2 v6  }
0x9b: {  	s18 =	sshrl.u32 s15, $0x3  }
0x9c: {  	s16 =	ssub.s32 s16, s17;
	s26 =	sand.u32 $0x7, s18  }
0x9d: {  	s16 =	sshll.u32 s16, $0x7;
	s17 =	smul.u32 $0x11400, s26  }
0x9e: {  	s16 =	sand.u32 $0x380, s16  }
0x9f: {  	s16 =	sor.u32 s16, s17  }
0xa0: {  	s16 =	sshrl.u32 s16, $0x3  }
0xa1: {  	s16 =	sadd.s32 s5, s16  }
0xa2: {  	[tilespmem:s11], [sflag:$0x1] =	stream.strided.gather [hbm4b:s16+s9], $0x2280, s10, s9, $0x38;
	[tilespmem:$0x4800] =	vst v63  }
0xa3: {  	_ =	swait.ge [sflag:s8], $0x2280  }
0xa4: {  	[sflag:s8] =	ssyncset.done $0x0  }
0xa5: {  	[sflag:s8] =	ssyncadd.s32 $0xFFFFDD80  }
0xa6: {  	v6 =	vld [tilespmem:$0x2480]  }
0xa7: {  	v7 =	vld [tilespmem:$0x200];
	_ =	sdelay $0x4  }
0xa8: {  	v6 =	vadd.f32 v7, v6  }
0xa9: {  	[tilespmem:$0x4780] =	vst v2  }
0xaa: {  	s17 =	simm.s32 $0x24B0;
	[tilespmem:$0x4700] =	vst v6  }
0xab: {  	s16 =	simm.s32 $0x230;
	v6 =	vld [tilespmem:s17+$0xFFFFFFE0]  }
0xac: {  	v7 =	vld [tilespmem:s16+$0xFFFFFFE0];
	_ =	sdelay $0x1  }
0xad: {  	v8 =	vld [tilespmem:$0x4700];
	_ =	sdelay $0x1  }
0xae: {  	v9 =	vld [tilespmem:$0x4780]  }
0xaf: {  	v6 =	vadd.f32 v7, v6;
	_ =	sdelay $0x1  }
0xb0: {  	s28 =	simm.s32 $0x10;
	vm0 =	vgt.f32 v6, v8  }
0xb1: {  	v7 =	vor.u32 s28, v2;
	v6 =	vsel vm0, v6, v8  }
0xb2: {  	v7 =	vsel vm0, v7, v9;
	[tilespmem:$0x4700] =	vst v6  }
0xb3: {  	[tilespmem:$0x4780] =	vst v7  }
0xb4: {  	v6 =	vld [tilespmem:s17+$0xFFFFFFF0]  }
0xb5: {  	v7 =	vld [tilespmem:s16+$0xFFFFFFF0];
	_ =	sdelay $0x1  }
0xb6: {  	v8 =	vld [tilespmem:$0x4700];
	_ =	sdelay $0x1  }
0xb7: {  	v61 =	vld [tilespmem:$0x4780]  }
0xb8: {  	v6 =	vadd.f32 v7, v6;
	_ =	sdelay $0x1  }
0xb9: {  	s29 =	simm.s32 $0x20;
	vm13 =	vgt.f32 v6, v8  }
0xba: {  	v7 =	vor.u32 s29, v2;
	v6 =	vsel vm13, v6, v8  }
0xbb: {  	v7 =	vsel vm13, v7, v61;
	[tilespmem:$0x4700] =	vst v6  }
0xbc: {  	[tilespmem:$0x4780] =	vst v7  }
0xbd: {  	v6 =	vld [tilespmem:s17+$0x0]  }
0xbe: {  	v7 =	vld [tilespmem:s16+$0x0];
	_ =	sdelay $0x1  }
0xbf: {  	v8 =	vld [tilespmem:$0x4700];
	_ =	sdelay $0x1  }
0xc0: {  	v62 =	vld [tilespmem:$0x4780]  }
0xc1: {  	v6 =	vadd.f32 v7, v6;
	_ =	sdelay $0x1  }
0xc2: {  	s30 =	simm.s32 $0x30;
	vm14 =	vgt.f32 v6, v8  }
0xc3: {  	v7 =	vor.u32 s30, v2;
	v6 =	vsel vm14, v6, v8  }
0xc4: {  	v7 =	vsel vm14, v7, v62;
	[tilespmem:$0x4700] =	vst v6  }
0xc5: {  	[tilespmem:$0x4780] =	vst v7  }
0xc6: {  	v6 =	vld [tilespmem:s17+$0x10]  }
0xc7: {  	v7 =	vld [tilespmem:s16+$0x10];
	_ =	sdelay $0x1  }
0xc8: {  	v8 =	vld [tilespmem:$0x4700];
	_ =	sdelay $0x1  }
0xc9: {  	v63 =	vld [tilespmem:$0x4780]  }
0xca: {  	v6 =	vadd.f32 v7, v6;
	_ =	sdelay $0x1  }
0xcb: {  	s31 =	simm.s32 $0x40;
	vm15 =	vgt.f32 v6, v8  }
0xcc: {  	v7 =	vor.u32 s31, v2;
	v6 =	vsel vm15, v6, v8  }
0xcd: {  	v7 =	vsel vm15, v7, v63;
	[tilespmem:$0x4700] =	vst v6  }
0xce: {  	[tilespmem:$0x4780] =	vst v7;
	v6 =	vld [tilespmem:$0x4700]  }
0xcf: {  	s19 =	simm.s32 $0xA0;
	s18 =	simm.s32 $0x50;
	v7 =	vld [tilespmem:s17+$0x20]  }
.LBB2_7:
0xd0: {  	p0 =	sne.s32 s19, $0x2210;
	v8 =	vld [tilespmem:s16+$0x20];
	s16 =	sadd.s32 $0x50, s16;
	s17 =	sadd.s32 $0x50, s17  }
0xd1: {  	s20 =	smov.u32 s19;
	s19 =	sadd.s32 $0x50, s19;
	v9 =	vld [tilespmem:$0x4780];
	_ =	sdelay $0x3  }
0xd2: {  	v7 =	vadd.f32 v8, v7;
	_ =	sdelay $0x1  }
0xd3: {  	v8 =	vor.u32 s18, v2;
	s18 =	smov.u32 s20;
	vm0 =	vgt.f32 v7, v6  }
0xd4: {  	v6 =	vsel vm0, v7, v6;
	v7 =	vsel vm0, v8, v9  }
0xd5: {  	[tilespmem:$0x4700] =	vst v6  }
0xd6: {  	[tilespmem:$0x4780] =	vst v7  }
0xd7: {  	v6 =	vld [tilespmem:s17+$0xFFFFFFE0]  }
0xd8: {  	v7 =	vld [tilespmem:s16+$0xFFFFFFE0]  }
0xd9: {  	v8 =	vld [tilespmem:$0x4700]  }
0xda: {  	v9 =	vld [tilespmem:$0x4780];
	_ =	sdelay $0x2  }
0xdb: {  	v6 =	vadd.f32 v7, v6  }
0xdc: {  	s20 =	sadd.s32 $0xFFFFFFC0, s18  }
0xdd: {  	v7 =	vor.u32 s20, v2;
	vm0 =	vgt.f32 v6, v8  }
0xde: {  	v6 =	vsel vm0, v6, v8;
	v7 =	vsel vm0, v7, v9  }
0xdf: {  	[tilespmem:$0x4700] =	vst v6  }
0xe0: {  	[tilespmem:$0x4780] =	vst v7  }
0xe1: {  	v6 =	vld [tilespmem:s17+$0xFFFFFFF0]  }
0xe2: {  	v7 =	vld [tilespmem:s16+$0xFFFFFFF0];
	_ =	sdelay $0x1  }
0xe3: {  	v8 =	vld [tilespmem:$0x4700]  }
0xe4: {  	v9 =	vld [tilespmem:$0x4780];
	_ =	sdelay $0x1  }
0xe5: {  	v6 =	vadd.f32 v7, v6  }
0xe6: {  	s20 =	sadd.s32 $0xFFFFFFD0, s18  }
0xe7: {  	v7 =	vor.u32 s20, v2;
	vm0 =	vgt.f32 v6, v8  }
0xe8: {  	v6 =	vsel vm0, v6, v8;
	v7 =	vsel vm0, v7, v9  }
0xe9: {  	[tilespmem:$0x4700] =	vst v6  }
0xea: {  	[tilespmem:$0x4780] =	vst v7  }
0xeb: {  	v6 =	vld [tilespmem:s17+$0x0]  }
0xec: {  	v7 =	vld [tilespmem:s16+$0x0];
	_ =	sdelay $0x1  }
0xed: {  	v8 =	vld [tilespmem:$0x4700]  }
0xee: {  	v9 =	vld [tilespmem:$0x4780];
	_ =	sdelay $0x1  }
0xef: {  	v6 =	vadd.f32 v7, v6  }
0xf0: {  	s20 =	sadd.s32 $0xFFFFFFE0, s18  }
0xf1: {  	v7 =	vor.u32 s20, v2;
	vm0 =	vgt.f32 v6, v8  }
0xf2: {  	v6 =	vsel vm0, v6, v8;
	v7 =	vsel vm0, v7, v9  }
0xf3: {  	[tilespmem:$0x4700] =	vst v6  }
0xf4: {  	[tilespmem:$0x4780] =	vst v7  }
0xf5: {  	v6 =	vld [tilespmem:s17+$0x10]  }
0xf6: {  	v7 =	vld [tilespmem:s16+$0x10];
	_ =	sdelay $0x1  }
0xf7: {  	v8 =	vld [tilespmem:$0x4700]  }
0xf8: {  	v9 =	vld [tilespmem:$0x4780];
	_ =	sdelay $0x1  }
0xf9: {  	v6 =	vadd.f32 v7, v6  }
0xfa: {  	s20 =	sadd.s32 $0xFFFFFFF0, s18  }
.Ltmp7:
0xfb: {  	v7 =	vor.u32 s20, v2;
	vm0 =	vgt.f32 v6, v8;
	(pc) =	sbr.rel @p0 .LBB2_7-.Ltmp7, $4  }
0xfc: {  	v6 =	vsel vm0, v6, v8;
	v7 =	vsel vm0, v7, v9  }
0xfd: {  	[tilespmem:$0x4700] =	vst v6  }
0xfe: {  	[tilespmem:$0x4780] =	vst v7;
	v6 =	vld [tilespmem:$0x4700]  }
0xff: {  	v7 =	vld [tilespmem:s17+$0x20]  }
0x100: {  	v8 =	vld [tilespmem:s16+$0x20];
	_ =	sdelay $0x4  }
0x101: {  	v7 =	vadd.f32 v8, v7;
	_ =	sdelay $0x1  }
0x102: {  	vm0 =	vgt.f32 v7, v6  }
0x103: {  	v6 =	vsel vm0, v7, v6  }
0x104: {  	[tilespmem:$0x4700] =	vst v6  }
0x105: {  	v6 =	vld [tilespmem:$0x4700];
	_ =	sdelay $0x4  }
0x106: {  	(xrf0) =	vmax.scan.msk.f32 $0xffff, v6;
	_ =	sdelay $0x2  }
0x107: {  	v7 =	vld [tilespmem:$0x4780];
	_ =	sdelay $0x2  }
0x108: {  	v56, _, _ =	vpop (xrf0)  }
0x109: {  	v9 =	vor.u32 s18, v2;
	v8 =	vbroadcast v56, $0xF  }
0x10a: {  	v7 =	vsel vm0, v9, v7  }
0x10b: {  	vm5 =	veq.f32 v6, v8;
	v6 =	vxor.u32 $0x80000000, v7  }
0x10c: {  	v6 =	vnsel vm5, $0xC0000000, v6  }
0x10d: {  	(xrf0) =	vmin.scan.msk.u32 $0xffff, v6;
	_ =	sdelay $0x5  }
0x10e: {  	v6, _, _ =	vpop (xrf0)  }
0x10f: {  	(v2sf) =	vpush v6, $0xF;
	_ =	sdelay $0x9  }
0x110: {  	s25 =	sand.u32 $0x30, s15;
	[tilespmem:$0x4780] =	vst v7  }
0x111: {  	v6 =	vld [tilespmem:s25+$0x80]  }
0x112: {  	v7 =	vld [tilespmem:s25+$0x100]  }
0x113: {  	s26 =	sand.u32 $0xF, s15  }
0x114: {  	v57 =	vmov s26  }
0x115: {  	vm6 =	veq.s32 v57, v2;
	s28 =	spop (v2sf)  }
0x116: {  	v6 =	vsel vm6, v8, v6;
	s15 =	sxor.u32 $0x80000000, s28  }
0x117: {  	[tilespmem:s25+$0x80] =	vst v6;
	v6 =	vsel vm6, s15, v7  }
0x118: {  	[tilespmem:s25+$0x100] =	vst v6  }
0x119: {  	v6 =	vld [tilespmem:$0x100]  }
0x11a: {  	v7 =	vld [tilespmem:$0x110]  }
0x11b: {  	v58 =	vld [tilespmem:$0x80]  }
0x11c: {  	v59 =	vld [tilespmem:$0x90];
	_ =	sdelay $0x1  }
0x11d: {  	v10 =	vld [tilespmem:$0x120]  }
0x11e: {  	v6 =	vshll.u32 v6, $0x6;
	v7 =	vshll.u32 v7, $0x6  }
0x11f: {  	v11 =	vld [tilespmem:$0xA0];
	v6 =	vor.u32 v2, v6;
	v7 =	vor.u32 v3, v7  }
0x120: {  	vm7 =	veq.f32 v59, v58;
	vm1 =	vlt.s32 v7, v6  }
0x121: {  	v12 =	vld [tilespmem:$0x130];
	vm2 =	vgt.f32 v59, v58;
	vm0 =	vmand vm7, vm1  }
0x122: {  	v10 =	vshll.u32 v10, $0x6;
	vm0 =	vmor vm2, vm0  }
0x123: {  	v60 =	vld [tilespmem:$0xB0];
	v8 =	vsel vm0, v59, v58;
	v6 =	vsel vm0, v7, v6;
	v7 =	vor.u32 v4, v10  }
0x124: {  	vm8 =	veq.f32 v11, v8;
	vm9 =	vlt.s32 v7, v6  }
0x125: {  	vm10 =	vgt.f32 v11, v8;
	vm0 =	vmand vm8, vm9  }
0x126: {  	v61 =	vshll.u32 v12, $0x6;
	vm0 =	vmor vm10, vm0  }
0x127: {  	v8 =	vsel vm0, v11, v8;
	v6 =	vsel vm0, v7, v6;
	v7 =	vor.u32 v5, v61  }
0x128: {  	vm11 =	veq.f32 v60, v8;
	vm12 =	vlt.s32 v7, v6  }
0x129: {  	vm13 =	vgt.f32 v60, v8;
	vm0 =	vmand vm11, vm12  }
0x12a: {  	vm0 =	vmor vm13, vm0  }
0x12b: {  	v8 =	vsel vm0, v60, v8  }
0x12c: {  	(xrf0) =	vmax.scan.msk.f32 $0xffff, v8;
	_ =	sdelay $0x5  }
0x12d: {  	v62, _, _ =	vpop (xrf0)  }
0x12e: {  	v63 =	vbroadcast v62, $0xF  }
0x12f: {  	v6 =	vsel vm0, v7, v6  }
0x130: {  	v6 =	vxor.u32 $0x80000000, v6;
	vm14 =	veq.f32 v8, v63  }
0x131: {  	v6 =	vnsel vm14, $0xC0000000, v6  }
0x132: {  	(xrf0) =	vmin.scan.msk.u32 $0xffff, v6;
	_ =	sdelay $0x5  }
0x133: {  	(v2sf) =	vpush v62, $0xF;
	v6, _, _ =	vpop (xrf0)  }
0x134: {  	(v2sf) =	vpush v6, $0xF;
	_ =	sdelay $0xd  }
0x135: {  	s29 =	spop (v2sf)  }
0x136: {  	s15 =	spop (v2sf)  }
0x137: {  	s16 =	sxor.u32 $0x80000000, s15  }
0x138: {  	s17 =	sshra.s32 s16, $0x1F  }
0x139: {  	s17 =	sshrl.u32 s17, $0x1A  }
0x13a: {  	s19 =	sadd.s32 s17, s16  }
0x13b: {  	p1 =	sgt.s32 s15, $0xFFFFFFFF;
	p0 =	slt.s32 s16, $0x1;
	s17 =	sand.u32 $0xFFFFFFC0, s19  }
0x13c: {  	p0 =	por p1, p0;
	p4 =	sne.s32 s16, s17  }
0x13d: {  	p0 =	por !p0, !p4  }
0x13e: {  	s20 =	simm.s32 $0x1;
	p0 =	por !p0, !p0  }
0x13f: {  	s19 =	sshra.s32 s19, $0x6;
	s20 =	simm.s32 @!p0 $0x0  }
0x140: {  	s19 =	ssub.s32 s19, s20  }
0x141: {  	s20 =	sshrl.u32 s19, $0x1C  }
0x142: {  	s20 =	sadd.s32 s20, s19  }
0x143: {  	s21 =	sand.u32 $0xFFFFFFF0, s20  }
0x144: {  	p5 =	slt.s32 s19, $0x1;
	p6 =	sne.s32 s19, s21  }
0x145: {  	p0 =	por !p5, !p6  }
0x146: {  	s21 =	simm.s32 $0x1;
	p0 =	por !p0, !p0  }
0x147: {  	s20 =	sshrl.u32 s20, $0x4;
	s21 =	simm.s32 @!p0 $0x0  }
0x148: {  	s20 =	ssub.s32 s20, s21  }
0x149: {  	s20 =	sshll.u32 s20, $0x6  }
0x14a: {  	s30 =	sshra.s32 s20, $0x2  }
0x14b: {  	v6 =	vld [tilespmem:s30+$0x200];
	_ =	sdelay $0x1  }
0x14c: {  	s31 =	sand.u32 $0xF, s19  }
0x14d: {  	v7 =	vmov s31  }
0x14e: {  	vm15 =	veq.s32 v7, v2  }
0x14f: {  	v6 =	vnsel vm15, $0xF149F2CA, v6  }
0x150: {  	(xrf0) =	vmax.scan.msk.f32 $0xffff, v6;
	_ =	sdelay $0x5  }
0x151: {  	v6, _, _ =	vpop (xrf0)  }
0x152: {  	(v2sf) =	vpush v6, $0xF;
	_ =	sdelay $0xd  }
0x153: {  	p0 =	sgt.f32 s29, $9.999999960e-13  }
0x154: {  	s18 =	spop (v2sf)  }
0x155: {  	p1 =	slt.f32 @p0 s18, $-2.500000000e+00;
	_ =	sdelay $0x1  }
0x156: {  	p2 =	por p1, !p0  }
0x157: {  	s18 =	sand.u32 @!p2 $0x30, s15  }
0x158: {  	v6 =	vld @!p2 [tilespmem:s18+$0x180]  }
0x159: {  	v8 =	vld @!p2 [tilespmem:s18+$0x80]  }
0x15a: {  	s21 =	sand.u32 @!p2 $0xF, s15  }
0x15b: {  	v9 =	vlaneseq.u32 @!p2;
	v10 =	vmov @!p2 s21  }
0x15c: {  	vm0 =	veq.s32 @!p2 v10, v9  }
0x15d: {  	v6 =	vsel @!p2 vm0, s19, v6  }
0x15e: {  	[tilespmem:s18+$0x180] =	vst @!p2 v6;
	v6 =	vsel @!p2 vm0, $0xC0000000, v8  }
0x15f: {  	[tilespmem:s18+$0x80] =	vst @!p2 v6;
	s18 =	sshra.s32 @!p2 s20, $0x2  }
0x160: {  	v6 =	vld @!p2 [tilespmem:s18+$0x200]  }
0x161: {  	p0 =	por !p0, !p1  }
.Ltmp8:
0x162: {  	_ = 	snop;
	(pc) =	sbr.rel @p0 .LBB2_16-.Ltmp8, $4  }
0x163: {  	_ = 	snop  }
0x164: {  	vm0 =	veq.s32 @!p2 v7, v9  }
0x165: {  	v6 =	vsel @!p2 vm0, $0xC0400000, v6  }
0x166: {  	[tilespmem:s18+$0x200] =	vst @!p2 v6  }
0x167: {  	s18 =	sshrl.u32 s15, $0x3  }
0x168: {  	s16 =	ssub.s32 s16, s17;
	s26 =	sand.u32 $0x7, s18  }
0x169: {  	s16 =	sshll.u32 s16, $0x7;
	s17 =	smul.u32 $0x11400, s26  }
0x16a: {  	s16 =	sand.u32 $0x380, s16  }
0x16b: {  	s16 =	sor.u32 s16, s17  }
0x16c: {  	s16 =	sshrl.u32 s16, $0x3  }
0x16d: {  	s16 =	sadd.s32 s5, s16  }
0x16e: {  	[tilespmem:s11], [sflag:$0x1] =	stream.strided.gather [hbm4b:s16+s9], $0x2280, s10, s9, $0x38;
	[tilespmem:$0x4800] =	vst v63  }
0x16f: {  	_ =	swait.ge [sflag:s8], $0x2280  }
0x170: {  	[sflag:s8] =	ssyncset.done $0x0  }
0x171: {  	[sflag:s8] =	ssyncadd.s32 $0xFFFFDD80  }
0x172: {  	v6 =	vld [tilespmem:$0x2480]  }
0x173: {  	v7 =	vld [tilespmem:$0x200];
	_ =	sdelay $0x4  }
0x174: {  	v6 =	vadd.f32 v7, v6  }
0x175: {  	[tilespmem:$0x4780] =	vst v2  }
0x176: {  	s17 =	simm.s32 $0x24B0;
	[tilespmem:$0x4700] =	vst v6  }
0x177: {  	s16 =	simm.s32 $0x230;
	v6 =	vld [tilespmem:s17+$0xFFFFFFE0]  }
0x178: {  	v7 =	vld [tilespmem:s16+$0xFFFFFFE0];
	_ =	sdelay $0x1  }
0x179: {  	v8 =	vld [tilespmem:$0x4700];
	_ =	sdelay $0x1  }
0x17a: {  	v9 =	vld [tilespmem:$0x4780]  }
0x17b: {  	v6 =	vadd.f32 v7, v6;
	_ =	sdelay $0x1  }
0x17c: {  	s28 =	simm.s32 $0x10;
	vm0 =	vgt.f32 v6, v8  }
0x17d: {  	v7 =	vor.u32 s28, v2;
	v6 =	vsel vm0, v6, v8  }
0x17e: {  	v7 =	vsel vm0, v7, v9;
	[tilespmem:$0x4700] =	vst v6  }
0x17f: {  	[tilespmem:$0x4780] =	vst v7  }
0x180: {  	v6 =	vld [tilespmem:s17+$0xFFFFFFF0]  }
0x181: {  	v7 =	vld [tilespmem:s16+$0xFFFFFFF0];
	_ =	sdelay $0x1  }
0x182: {  	v8 =	vld [tilespmem:$0x4700];
	_ =	sdelay $0x1  }
0x183: {  	v61 =	vld [tilespmem:$0x4780]  }
0x184: {  	v6 =	vadd.f32 v7, v6;
	_ =	sdelay $0x1  }
0x185: {  	s29 =	simm.s32 $0x20;
	vm13 =	vgt.f32 v6, v8  }
0x186: {  	v7 =	vor.u32 s29, v2;
	v6 =	vsel vm13, v6, v8  }
0x187: {  	v7 =	vsel vm13, v7, v61;
	[tilespmem:$0x4700] =	vst v6  }
0x188: {  	[tilespmem:$0x4780] =	vst v7  }
0x189: {  	v6 =	vld [tilespmem:s17+$0x0]  }
0x18a: {  	v7 =	vld [tilespmem:s16+$0x0];
	_ =	sdelay $0x1  }
0x18b: {  	v8 =	vld [tilespmem:$0x4700];
	_ =	sdelay $0x1  }
0x18c: {  	v62 =	vld [tilespmem:$0x4780]  }
0x18d: {  	v6 =	vadd.f32 v7, v6;
	_ =	sdelay $0x1  }
0x18e: {  	s30 =	simm.s32 $0x30;
	vm14 =	vgt.f32 v6, v8  }
0x18f: {  	v7 =	vor.u32 s30, v2;
	v6 =	vsel vm14, v6, v8  }
0x190: {  	v7 =	vsel vm14, v7, v62;
	[tilespmem:$0x4700] =	vst v6  }
0x191: {  	[tilespmem:$0x4780] =	vst v7  }
0x192: {  	v6 =	vld [tilespmem:s17+$0x10]  }
0x193: {  	v7 =	vld [tilespmem:s16+$0x10];
	_ =	sdelay $0x1  }
0x194: {  	v8 =	vld [tilespmem:$0x4700];
	_ =	sdelay $0x1  }
0x195: {  	v63 =	vld [tilespmem:$0x4780]  }
0x196: {  	v6 =	vadd.f32 v7, v6;
	_ =	sdelay $0x1  }
0x197: {  	s31 =	simm.s32 $0x40;
	vm15 =	vgt.f32 v6, v8  }
0x198: {  	v7 =	vor.u32 s31, v2;
	v6 =	vsel vm15, v6, v8  }
0x199: {  	v7 =	vsel vm15, v7, v63;
	[tilespmem:$0x4700] =	vst v6  }
0x19a: {  	[tilespmem:$0x4780] =	vst v7;
	v6 =	vld [tilespmem:$0x4700]  }
0x19b: {  	s19 =	simm.s32 $0xA0;
	s18 =	simm.s32 $0x50;
	v7 =	vld [tilespmem:s17+$0x20]  }
.LBB2_10:
0x19c: {  	p0 =	sne.s32 s19, $0x2210;
	v8 =	vld [tilespmem:s16+$0x20];
	s16 =	sadd.s32 $0x50, s16;
	s17 =	sadd.s32 $0x50, s17  }
0x19d: {  	s20 =	smov.u32 s19;
	s19 =	sadd.s32 $0x50, s19;
	v9 =	vld [tilespmem:$0x4780];
	_ =	sdelay $0x3  }
0x19e: {  	v7 =	vadd.f32 v8, v7;
	_ =	sdelay $0x1  }
0x19f: {  	v8 =	vor.u32 s18, v2;
	s18 =	smov.u32 s20;
	vm0 =	vgt.f32 v7, v6  }
0x1a0: {  	v6 =	vsel vm0, v7, v6;
	v7 =	vsel vm0, v8, v9  }
0x1a1: {  	[tilespmem:$0x4700] =	vst v6  }
0x1a2: {  	[tilespmem:$0x4780] =	vst v7  }
0x1a3: {  	v6 =	vld [tilespmem:s17+$0xFFFFFFE0]  }
0x1a4: {  	v7 =	vld [tilespmem:s16+$0xFFFFFFE0]  }
0x1a5: {  	v8 =	vld [tilespmem:$0x4700]  }
0x1a6: {  	v9 =	vld [tilespmem:$0x4780];
	_ =	sdelay $0x2  }
0x1a7: {  	v6 =	vadd.f32 v7, v6  }
0x1a8: {  	s20 =	sadd.s32 $0xFFFFFFC0, s18  }
0x1a9: {  	v7 =	vor.u32 s20, v2;
	vm0 =	vgt.f32 v6, v8  }
0x1aa: {  	v6 =	vsel vm0, v6, v8;
	v7 =	vsel vm0, v7, v9  }
0x1ab: {  	[tilespmem:$0x4700] =	vst v6  }
0x1ac: {  	[tilespmem:$0x4780] =	vst v7  }
0x1ad: {  	v6 =	vld [tilespmem:s17+$0xFFFFFFF0]  }
0x1ae: {  	v7 =	vld [tilespmem:s16+$0xFFFFFFF0];
	_ =	sdelay $0x1  }
0x1af: {  	v8 =	vld [tilespmem:$0x4700]  }
0x1b0: {  	v9 =	vld [tilespmem:$0x4780];
	_ =	sdelay $0x1  }
0x1b1: {  	v6 =	vadd.f32 v7, v6  }
0x1b2: {  	s20 =	sadd.s32 $0xFFFFFFD0, s18  }
0x1b3: {  	v7 =	vor.u32 s20, v2;
	vm0 =	vgt.f32 v6, v8  }
0x1b4: {  	v6 =	vsel vm0, v6, v8;
	v7 =	vsel vm0, v7, v9  }
0x1b5: {  	[tilespmem:$0x4700] =	vst v6  }
0x1b6: {  	[tilespmem:$0x4780] =	vst v7  }
0x1b7: {  	v6 =	vld [tilespmem:s17+$0x0]  }
0x1b8: {  	v7 =	vld [tilespmem:s16+$0x0];
	_ =	sdelay $0x1  }
0x1b9: {  	v8 =	vld [tilespmem:$0x4700]  }
0x1ba: {  	v9 =	vld [tilespmem:$0x4780];
	_ =	sdelay $0x1  }
0x1bb: {  	v6 =	vadd.f32 v7, v6  }
0x1bc: {  	s20 =	sadd.s32 $0xFFFFFFE0, s18  }
0x1bd: {  	v7 =	vor.u32 s20, v2;
	vm0 =	vgt.f32 v6, v8  }
0x1be: {  	v6 =	vsel vm0, v6, v8;
	v7 =	vsel vm0, v7, v9  }
0x1bf: {  	[tilespmem:$0x4700] =	vst v6  }
0x1c0: {  	[tilespmem:$0x4780] =	vst v7  }
0x1c1: {  	v6 =	vld [tilespmem:s17+$0x10]  }
0x1c2: {  	v7 =	vld [tilespmem:s16+$0x10];
	_ =	sdelay $0x1  }
0x1c3: {  	v8 =	vld [tilespmem:$0x4700]  }
0x1c4: {  	v9 =	vld [tilespmem:$0x4780];
	_ =	sdelay $0x1  }
0x1c5: {  	v6 =	vadd.f32 v7, v6  }
0x1c6: {  	s20 =	sadd.s32 $0xFFFFFFF0, s18  }
.Ltmp9:
0x1c7: {  	v7 =	vor.u32 s20, v2;
	vm0 =	vgt.f32 v6, v8;
	(pc) =	sbr.rel @p0 .LBB2_10-.Ltmp9, $4  }
0x1c8: {  	v6 =	vsel vm0, v6, v8;
	v7 =	vsel vm0, v7, v9  }
0x1c9: {  	[tilespmem:$0x4700] =	vst v6  }
0x1ca: {  	[tilespmem:$0x4780] =	vst v7;
	v6 =	vld [tilespmem:$0x4700]  }
0x1cb: {  	v7 =	vld [tilespmem:s17+$0x20]  }
0x1cc: {  	v8 =	vld [tilespmem:s16+$0x20];
	_ =	sdelay $0x4  }
0x1cd: {  	v7 =	vadd.f32 v8, v7;
	_ =	sdelay $0x1  }
0x1ce: {  	vm0 =	vgt.f32 v7, v6  }
0x1cf: {  	v6 =	vsel vm0, v7, v6  }
0x1d0: {  	[tilespmem:$0x4700] =	vst v6  }
0x1d1: {  	v6 =	vld [tilespmem:$0x4700];
	_ =	sdelay $0x4  }
0x1d2: {  	(xrf0) =	vmax.scan.msk.f32 $0xffff, v6;
	_ =	sdelay $0x2  }
0x1d3: {  	v7 =	vld [tilespmem:$0x4780];
	_ =	sdelay $0x2  }
0x1d4: {  	v56, _, _ =	vpop (xrf0)  }
0x1d5: {  	v9 =	vor.u32 s18, v2;
	v8 =	vbroadcast v56, $0xF  }
0x1d6: {  	v7 =	vsel vm0, v9, v7  }
0x1d7: {  	vm5 =	veq.f32 v6, v8;
	v6 =	vxor.u32 $0x80000000, v7  }
0x1d8: {  	v6 =	vnsel vm5, $0xC0000000, v6  }
0x1d9: {  	(xrf0) =	vmin.scan.msk.u32 $0xffff, v6;
	_ =	sdelay $0x5  }
0x1da: {  	v6, _, _ =	vpop (xrf0)  }
0x1db: {  	(v2sf) =	vpush v6, $0xF;
	_ =	sdelay $0x9  }
0x1dc: {  	s23 =	sand.u32 $0x30, s15;
	[tilespmem:$0x4780] =	vst v7  }
0x1dd: {  	v6 =	vld [tilespmem:s23+$0x80]  }
0x1de: {  	v7 =	vld [tilespmem:s23+$0x100]  }
0x1df: {  	s24 =	sand.u32 $0xF, s15  }
0x1e0: {  	v57 =	vmov s24  }
0x1e1: {  	vm6 =	veq.s32 v57, v2;
	s25 =	spop (v2sf)  }
0x1e2: {  	v6 =	vsel vm6, v8, v6;
	s15 =	sxor.u32 $0x80000000, s25  }
0x1e3: {  	[tilespmem:s23+$0x80] =	vst v6;
	v6 =	vsel vm6, s15, v7  }
0x1e4: {  	[tilespmem:s23+$0x100] =	vst v6  }
0x1e5: {  	v6 =	vld [tilespmem:$0x100]  }
0x1e6: {  	v7 =	vld [tilespmem:$0x110]  }
0x1e7: {  	v58 =	vld [tilespmem:$0x80]  }
0x1e8: {  	v59 =	vld [tilespmem:$0x90];
	_ =	sdelay $0x1  }
0x1e9: {  	v10 =	vld [tilespmem:$0x120]  }
0x1ea: {  	v6 =	vshll.u32 v6, $0x6;
	v7 =	vshll.u32 v7, $0x6  }
0x1eb: {  	v11 =	vld [tilespmem:$0xA0];
	v6 =	vor.u32 v2, v6;
	v7 =	vor.u32 v3, v7  }
0x1ec: {  	vm7 =	veq.f32 v59, v58;
	vm1 =	vlt.s32 v7, v6  }
0x1ed: {  	v12 =	vld [tilespmem:$0x130];
	vm2 =	vgt.f32 v59, v58;
	vm0 =	vmand vm7, vm1  }
0x1ee: {  	v10 =	vshll.u32 v10, $0x6;
	vm0 =	vmor vm2, vm0  }
0x1ef: {  	v60 =	vld [tilespmem:$0xB0];
	v8 =	vsel vm0, v59, v58;
	v6 =	vsel vm0, v7, v6;
	v7 =	vor.u32 v4, v10  }
0x1f0: {  	vm8 =	veq.f32 v11, v8;
	vm9 =	vlt.s32 v7, v6  }
0x1f1: {  	vm10 =	vgt.f32 v11, v8;
	vm0 =	vmand vm8, vm9  }
0x1f2: {  	v61 =	vshll.u32 v12, $0x6;
	vm0 =	vmor vm10, vm0  }
0x1f3: {  	v8 =	vsel vm0, v11, v8;
	v6 =	vsel vm0, v7, v6;
	v7 =	vor.u32 v5, v61  }
0x1f4: {  	vm11 =	veq.f32 v60, v8;
	vm12 =	vlt.s32 v7, v6  }
0x1f5: {  	vm13 =	vgt.f32 v60, v8;
	vm0 =	vmand vm11, vm12  }
0x1f6: {  	vm0 =	vmor vm13, vm0  }
0x1f7: {  	v8 =	vsel vm0, v60, v8  }
0x1f8: {  	(xrf0) =	vmax.scan.msk.f32 $0xffff, v8;
	_ =	sdelay $0x5  }
0x1f9: {  	v62, _, _ =	vpop (xrf0)  }
0x1fa: {  	v63 =	vbroadcast v62, $0xF  }
0x1fb: {  	v6 =	vsel vm0, v7, v6  }
0x1fc: {  	v6 =	vxor.u32 $0x80000000, v6;
	vm14 =	veq.f32 v8, v63  }
0x1fd: {  	v6 =	vnsel vm14, $0xC0000000, v6  }
0x1fe: {  	(xrf0) =	vmin.scan.msk.u32 $0xffff, v6;
	_ =	sdelay $0x5  }
0x1ff: {  	(v2sf) =	vpush v62, $0xF;
	v6, _, _ =	vpop (xrf0)  }
0x200: {  	(v2sf) =	vpush v6, $0xF;
	_ =	sdelay $0xd  }
0x201: {  	s26 =	spop (v2sf)  }
0x202: {  	s16 =	spop (v2sf)  }
0x203: {  	s17 =	sxor.u32 $0x80000000, s16  }
0x204: {  	s28 =	sshra.s32 s17, $0x1F  }
0x205: {  	s18 =	sshrl.u32 s28, $0x1A  }
0x206: {  	s18 =	sadd.s32 s18, s17  }
0x207: {  	p1 =	sgt.s32 s16, $0xFFFFFFFF;
	p0 =	slt.s32 s17, $0x1;
	s19 =	sand.u32 $0xFFFFFFC0, s18  }
0x208: {  	p0 =	por p1, p0;
	p4 =	sne.s32 s17, s19  }
0x209: {  	p0 =	por !p0, !p4  }
0x20a: {  	s17 =	simm.s32 $0x1;
	p0 =	por !p0, !p0  }
0x20b: {  	s18 =	sshra.s32 s18, $0x6;
	s17 =	simm.s32 @!p0 $0x0  }
0x20c: {  	s17 =	ssub.s32 s18, s17  }
0x20d: {  	s18 =	sshrl.u32 s17, $0x1C  }
0x20e: {  	s18 =	sadd.s32 s18, s17  }
0x20f: {  	s29 =	sand.u32 $0xFFFFFFF0, s18  }
0x210: {  	p5 =	slt.s32 s17, $0x1;
	p6 =	sne.s32 s17, s29  }
0x211: {  	p0 =	por !p5, !p6  }
0x212: {  	s19 =	simm.s32 $0x1;
	p0 =	por !p0, !p0  }
0x213: {  	s18 =	sshrl.u32 s18, $0x4;
	s19 =	simm.s32 @!p0 $0x0  }
0x214: {  	s18 =	ssub.s32 s18, s19  }
0x215: {  	s18 =	sshll.u32 s18, $0x6  }
0x216: {  	s30 =	sshra.s32 s18, $0x2  }
0x217: {  	v6 =	vld [tilespmem:s30+$0x200];
	_ =	sdelay $0x1  }
0x218: {  	s31 =	sand.u32 $0xF, s17  }
0x219: {  	v7 =	vmov s31  }
0x21a: {  	vm15 =	veq.s32 v7, v2  }
0x21b: {  	v6 =	vnsel vm15, $0xF149F2CA, v6  }
0x21c: {  	(xrf0) =	vmax.scan.msk.f32 $0xffff, v6;
	_ =	sdelay $0x5  }
0x21d: {  	v6, _, _ =	vpop (xrf0)  }
0x21e: {  	(v2sf) =	vpush v6, $0xF;
	_ =	sdelay $0xd  }
0x21f: {  	p0 =	sgt.f32 s26, $9.999999960e-13  }
0x220: {  	s15 =	spop (v2sf)  }
0x221: {  	p1 =	slt.f32 @p0 s15, $-2.500000000e+00;
	_ =	sdelay $0x1  }
0x222: {  	p2 =	por p1, !p0  }
0x223: {  	s15 =	sand.u32 @!p2 $0x30, s16  }
0x224: {  	v6 =	vld @!p2 [tilespmem:s15+$0x180]  }
0x225: {  	v8 =	vld @!p2 [tilespmem:s15+$0x80]  }
0x226: {  	s16 =	sand.u32 @!p2 $0xF, s16  }
0x227: {  	v9 =	vlaneseq.u32 @!p2;
	v10 =	vmov @!p2 s16  }
0x228: {  	vm0 =	veq.s32 @!p2 v10, v9  }
0x229: {  	v6 =	vsel @!p2 vm0, s17, v6  }
0x22a: {  	[tilespmem:s15+$0x180] =	vst @!p2 v6;
	v6 =	vsel @!p2 vm0, $0xC0000000, v8  }
0x22b: {  	[tilespmem:s15+$0x80] =	vst @!p2 v6;
	s15 =	sshra.s32 @!p2 s18, $0x2  }
0x22c: {  	v6 =	vld @!p2 [tilespmem:s15+$0x200]  }
0x22d: {  	p0 =	por !p0, !p1  }
.Ltmp10:
0x22e: {  	_ = 	snop;
	(pc) =	sbr.rel @p0 .LBB2_16-.Ltmp10, $4  }
0x22f: {  	_ = 	snop  }
0x230: {  	vm0 =	veq.s32 @!p2 v7, v9  }
0x231: {  	v6 =	vsel @!p2 vm0, $0xC0400000, v6  }
0x232: {  	[tilespmem:s15+$0x200] =	vst @!p2 v6;
	s15 =	simm.s32 $0x0  }
.LBB2_12:
0x233: {  	s16 =	sshrl.u32 s15, $0x3  }
0x234: {  	s17 =	sshll.u32 s15, $0x7;
	s16 =	smul.u32 $0x11400, s16  }
0x235: {  	s17 =	sand.u32 $0x380, s17  }
0x236: {  	s16 =	sor.u32 s17, s16  }
0x237: {  	s16 =	sshrl.u32 s16, $0x3  }
0x238: {  	s16 =	sadd.s32 s5, s16  }
0x239: {  	[tilespmem:s11], [sflag:$0x1] =	stream.strided.gather [hbm4b:s16+s9], $0x2280, s10, s9, $0x38;
	[tilespmem:$0x4800] =	vst v63  }
0x23a: {  	_ =	swait.ge [sflag:s8], $0x2280  }
0x23b: {  	[sflag:s8] =	ssyncset.done $0x0  }
0x23c: {  	[sflag:s8] =	ssyncadd.s32 $0xFFFFDD80  }
0x23d: {  	v6 =	vld [tilespmem:$0x2480]  }
0x23e: {  	v7 =	vld [tilespmem:$0x200];
	_ =	sdelay $0x4  }
0x23f: {  	v6 =	vadd.f32 v7, v6  }
0x240: {  	[tilespmem:$0x4780] =	vst v2  }
0x241: {  	s17 =	simm.s32 $0x24B0;
	[tilespmem:$0x4700] =	vst v6  }
0x242: {  	s16 =	simm.s32 $0x230;
	v6 =	vld [tilespmem:s17+$0xFFFFFFE0]  }
0x243: {  	v7 =	vld [tilespmem:s16+$0xFFFFFFE0];
	_ =	sdelay $0x1  }
0x244: {  	v8 =	vld [tilespmem:$0x4700];
	_ =	sdelay $0x1  }
0x245: {  	v9 =	vld [tilespmem:$0x4780]  }
0x246: {  	v6 =	vadd.f32 v7, v6;
	_ =	sdelay $0x1  }
0x247: {  	s18 =	simm.s32 $0x10;
	vm0 =	vgt.f32 v6, v8  }
0x248: {  	v7 =	vor.u32 s18, v2;
	v6 =	vsel vm0, v6, v8  }
0x249: {  	v7 =	vsel vm0, v7, v9;
	[tilespmem:$0x4700] =	vst v6  }
0x24a: {  	[tilespmem:$0x4780] =	vst v7  }
0x24b: {  	v6 =	vld [tilespmem:s17+$0xFFFFFFF0]  }
0x24c: {  	v7 =	vld [tilespmem:s16+$0xFFFFFFF0];
	_ =	sdelay $0x1  }
0x24d: {  	v8 =	vld [tilespmem:$0x4700];
	_ =	sdelay $0x1  }
0x24e: {  	v61 =	vld [tilespmem:$0x4780]  }
0x24f: {  	v6 =	vadd.f32 v7, v6;
	_ =	sdelay $0x1  }
0x250: {  	s29 =	simm.s32 $0x20;
	vm13 =	vgt.f32 v6, v8  }
0x251: {  	v7 =	vor.u32 s29, v2;
	v6 =	vsel vm13, v6, v8  }
0x252: {  	v7 =	vsel vm13, v7, v61;
	[tilespmem:$0x4700] =	vst v6  }
0x253: {  	[tilespmem:$0x4780] =	vst v7  }
0x254: {  	v6 =	vld [tilespmem:s17+$0x0]  }
0x255: {  	v7 =	vld [tilespmem:s16+$0x0];
	_ =	sdelay $0x1  }
0x256: {  	v8 =	vld [tilespmem:$0x4700];
	_ =	sdelay $0x1  }
0x257: {  	v62 =	vld [tilespmem:$0x4780]  }
0x258: {  	v6 =	vadd.f32 v7, v6;
	_ =	sdelay $0x1  }
0x259: {  	s30 =	simm.s32 $0x30;
	vm14 =	vgt.f32 v6, v8  }
0x25a: {  	v7 =	vor.u32 s30, v2;
	v6 =	vsel vm14, v6, v8  }
0x25b: {  	v7 =	vsel vm14, v7, v62;
	[tilespmem:$0x4700] =	vst v6  }
0x25c: {  	[tilespmem:$0x4780] =	vst v7  }
0x25d: {  	v6 =	vld [tilespmem:s17+$0x10]  }
0x25e: {  	v7 =	vld [tilespmem:s16+$0x10];
	_ =	sdelay $0x1  }
0x25f: {  	v8 =	vld [tilespmem:$0x4700];
	_ =	sdelay $0x1  }
0x260: {  	v63 =	vld [tilespmem:$0x4780]  }
0x261: {  	v6 =	vadd.f32 v7, v6;
	_ =	sdelay $0x1  }
0x262: {  	s31 =	simm.s32 $0x40;
	vm15 =	vgt.f32 v6, v8  }
0x263: {  	v7 =	vor.u32 s31, v2;
	v6 =	vsel vm15, v6, v8  }
0x264: {  	v7 =	vsel vm15, v7, v63;
	[tilespmem:$0x4700] =	vst v6  }
0x265: {  	[tilespmem:$0x4780] =	vst v7;
	v6 =	vld [tilespmem:$0x4700]  }
0x266: {  	s19 =	simm.s32 $0xA0;
	s18 =	simm.s32 $0x50;
	v7 =	vld [tilespmem:s17+$0x20]  }
.LBB2_13:
0x267: {  	p0 =	sne.s32 s19, $0x2210;
	v8 =	vld [tilespmem:s16+$0x20];
	s16 =	sadd.s32 $0x50, s16;
	s17 =	sadd.s32 $0x50, s17  }
0x268: {  	s20 =	smov.u32 s19;
	s19 =	sadd.s32 $0x50, s19;
	v9 =	vld [tilespmem:$0x4780];
	_ =	sdelay $0x3  }
0x269: {  	v7 =	vadd.f32 v8, v7;
	_ =	sdelay $0x1  }
0x26a: {  	v8 =	vor.u32 s18, v2;
	s18 =	smov.u32 s20;
	vm0 =	vgt.f32 v7, v6  }
0x26b: {  	v6 =	vsel vm0, v7, v6;
	v7 =	vsel vm0, v8, v9  }
0x26c: {  	[tilespmem:$0x4700] =	vst v6  }
0x26d: {  	[tilespmem:$0x4780] =	vst v7  }
0x26e: {  	v6 =	vld [tilespmem:s17+$0xFFFFFFE0]  }
0x26f: {  	v7 =	vld [tilespmem:s16+$0xFFFFFFE0]  }
0x270: {  	v8 =	vld [tilespmem:$0x4700]  }
0x271: {  	v9 =	vld [tilespmem:$0x4780];
	_ =	sdelay $0x2  }
0x272: {  	v6 =	vadd.f32 v7, v6  }
0x273: {  	s20 =	sadd.s32 $0xFFFFFFC0, s18  }
0x274: {  	v7 =	vor.u32 s20, v2;
	vm0 =	vgt.f32 v6, v8  }
0x275: {  	v6 =	vsel vm0, v6, v8;
	v7 =	vsel vm0, v7, v9  }
0x276: {  	[tilespmem:$0x4700] =	vst v6  }
0x277: {  	[tilespmem:$0x4780] =	vst v7  }
0x278: {  	v6 =	vld [tilespmem:s17+$0xFFFFFFF0]  }
0x279: {  	v7 =	vld [tilespmem:s16+$0xFFFFFFF0];
	_ =	sdelay $0x1  }
0x27a: {  	v8 =	vld [tilespmem:$0x4700]  }
0x27b: {  	v9 =	vld [tilespmem:$0x4780];
	_ =	sdelay $0x1  }
0x27c: {  	v6 =	vadd.f32 v7, v6  }
0x27d: {  	s20 =	sadd.s32 $0xFFFFFFD0, s18  }
0x27e: {  	v7 =	vor.u32 s20, v2;
	vm0 =	vgt.f32 v6, v8  }
0x27f: {  	v6 =	vsel vm0, v6, v8;
	v7 =	vsel vm0, v7, v9  }
0x280: {  	[tilespmem:$0x4700] =	vst v6  }
0x281: {  	[tilespmem:$0x4780] =	vst v7  }
0x282: {  	v6 =	vld [tilespmem:s17+$0x0]  }
0x283: {  	v7 =	vld [tilespmem:s16+$0x0];
	_ =	sdelay $0x1  }
0x284: {  	v8 =	vld [tilespmem:$0x4700]  }
0x285: {  	v9 =	vld [tilespmem:$0x4780];
	_ =	sdelay $0x1  }
0x286: {  	v6 =	vadd.f32 v7, v6  }
0x287: {  	s20 =	sadd.s32 $0xFFFFFFE0, s18  }
0x288: {  	v7 =	vor.u32 s20, v2;
	vm0 =	vgt.f32 v6, v8  }
0x289: {  	v6 =	vsel vm0, v6, v8;
	v7 =	vsel vm0, v7, v9  }
0x28a: {  	[tilespmem:$0x4700] =	vst v6  }
0x28b: {  	[tilespmem:$0x4780] =	vst v7  }
0x28c: {  	v6 =	vld [tilespmem:s17+$0x10]  }
0x28d: {  	v7 =	vld [tilespmem:s16+$0x10];
	_ =	sdelay $0x1  }
0x28e: {  	v8 =	vld [tilespmem:$0x4700]  }
0x28f: {  	v9 =	vld [tilespmem:$0x4780];
	_ =	sdelay $0x1  }
0x290: {  	v6 =	vadd.f32 v7, v6  }
0x291: {  	s20 =	sadd.s32 $0xFFFFFFF0, s18  }
.Ltmp11:
0x292: {  	v7 =	vor.u32 s20, v2;
	vm0 =	vgt.f32 v6, v8;
	(pc) =	sbr.rel @p0 .LBB2_13-.Ltmp11, $4  }
0x293: {  	v6 =	vsel vm0, v6, v8;
	v7 =	vsel vm0, v7, v9  }
0x294: {  	[tilespmem:$0x4700] =	vst v6  }
0x295: {  	[tilespmem:$0x4780] =	vst v7;
	v6 =	vld [tilespmem:$0x4700]  }
0x296: {  	v7 =	vld [tilespmem:s17+$0x20]  }
0x297: {  	v8 =	vld [tilespmem:s16+$0x20];
	_ =	sdelay $0x4  }
0x298: {  	v7 =	vadd.f32 v8, v7;
	_ =	sdelay $0x1  }
0x299: {  	vm0 =	vgt.f32 v7, v6  }
0x29a: {  	v6 =	vsel vm0, v7, v6  }
0x29b: {  	[tilespmem:$0x4700] =	vst v6  }
0x29c: {  	v6 =	vld [tilespmem:$0x4700];
	_ =	sdelay $0x4  }
0x29d: {  	(xrf0) =	vmax.scan.msk.f32 $0xffff, v6;
	_ =	sdelay $0x2  }
0x29e: {  	v7 =	vld [tilespmem:$0x4780];
	_ =	sdelay $0x2  }
0x29f: {  	v62, _, _ =	vpop (xrf0)  }
0x2a0: {  	v9 =	vor.u32 s18, v2;
	v8 =	vbroadcast v62, $0xF  }
0x2a1: {  	v7 =	vsel vm0, v9, v7  }
0x2a2: {  	vm14 =	veq.f32 v6, v8;
	v6 =	vxor.u32 $0x80000000, v7  }
0x2a3: {  	v6 =	vnsel vm14, $0xC0000000, v6  }
0x2a4: {  	(xrf0) =	vmin.scan.msk.u32 $0xffff, v6;
	_ =	sdelay $0x5  }
0x2a5: {  	v6, _, _ =	vpop (xrf0)  }
0x2a6: {  	(v2sf) =	vpush v6, $0xF;
	_ =	sdelay $0x7  }
0x2a7: {  	s30 =	sand.u32 $0x30, s15;
	[tilespmem:$0x4780] =	vst v7  }
0x2a8: {  	v6 =	vld [tilespmem:s30+$0x80];
	_ =	sdelay $0x2  }
0x2a9: {  	s17 =	sand.u32 $0xF, s15;
	s15 =	sadd.s32 $0x1, s15;
	v7 =	vld [tilespmem:s30+$0x100]  }
0x2aa: {  	v63 =	vmov s17;
	p0 =	sne.s32 s15, $0x32  }
.Ltmp12:
0x2ab: {  	vm15 =	veq.s32 v63, v2;
	vm1 =	vgt.f32 v6, $-1.500000000e+00;
	(pc) =	sbr.rel @p0 .LBB2_12-.Ltmp12, $4  }
0x2ac: {  	vm0 =	vmand vm15, vm1;
	s31 =	spop (v2sf)  }
0x2ad: {  	v6 =	vsel vm0, v8, v6;
	s17 =	sxor.u32 $0x80000000, s31  }
0x2ae: {  	[tilespmem:s30+$0x80] =	vst v6;
	v6 =	vsel vm0, s17, v7  }
0x2af: {  	[tilespmem:s30+$0x100] =	vst v6  }
0x2b0: {  	v6 =	vld [tilespmem:$0x100]  }
0x2b1: {  	v7 =	vld [tilespmem:$0x110]  }
0x2b2: {  	v8 =	vld [tilespmem:$0x80]  }
0x2b3: {  	v9 =	vld [tilespmem:$0x90];
	_ =	sdelay $0x1  }
0x2b4: {  	v10 =	vld [tilespmem:$0x120]  }
0x2b5: {  	v6 =	vshll.u32 v6, $0x6;
	v7 =	vshll.u32 v7, $0x6  }
0x2b6: {  	v11 =	vld [tilespmem:$0xA0];
	v6 =	vor.u32 v2, v6;
	v7 =	vor.u32 v3, v7  }
0x2b7: {  	vm0 =	veq.f32 v9, v8;
	vm1 =	vlt.s32 v7, v6  }
0x2b8: {  	v12 =	vld [tilespmem:$0x130];
	vm2 =	vgt.f32 v9, v8;
	vm0 =	vmand vm0, vm1  }
0x2b9: {  	v10 =	vshll.u32 v10, $0x6;
	vm0 =	vmor vm2, vm0  }
0x2ba: {  	v62 =	vld [tilespmem:$0xB0];
	v8 =	vsel vm0, v9, v8;
	v6 =	vsel vm0, v7, v6;
	v7 =	vor.u32 v4, v10  }
0x2bb: {  	vm10 =	veq.f32 v11, v8;
	vm11 =	vlt.s32 v7, v6  }
0x2bc: {  	vm12 =	vgt.f32 v11, v8;
	vm0 =	vmand vm10, vm11  }
0x2bd: {  	v63 =	vshll.u32 v12, $0x6;
	vm0 =	vmor vm12, vm0  }
0x2be: {  	v8 =	vsel vm0, v11, v8;
	v6 =	vsel vm0, v7, v6;
	v7 =	vor.u32 v5, v63  }
0x2bf: {  	vm13 =	veq.f32 v62, v8;
	vm14 =	vlt.s32 v7, v6  }
0x2c0: {  	vm15 =	vgt.f32 v62, v8;
	vm0 =	vmand vm13, vm14  }
0x2c1: {  	vm0 =	vmor vm15, vm0  }
0x2c2: {  	v8 =	vsel vm0, v62, v8  }
0x2c3: {  	(xrf0) =	vmax.scan.msk.f32 $0xffff, v8;
	_ =	sdelay $0x5  }
0x2c4: {  	v9, _, _ =	vpop (xrf0)  }
0x2c5: {  	(v2sf) =	vpush v9, $0xF;
	_ =	sdelay $0xe  }
0x2c6: {  	s15 =	spop (v2sf)  }
0x2c7: {  	p0 =	sgt.f32 s15, $9.999999960e-13;
	_ =	sdelay $0x1  }
0x2c8: {  	v9 =	vbroadcast @p0 v9, $0xF  }
0x2c9: {  	v6 =	vsel @p0 vm0, v7, v6  }
0x2ca: {  	v6 =	vxor.u32 @p0 $0x80000000, v6;
	vm0 =	veq.f32 @p0 v8, v9  }
0x2cb: {  	v6 =	vnsel @p0 vm0, $0xC0000000, v6  }
0x2cc: {  	(xrf0) =	vmin.scan.msk.u32 @p0 $0xffff, v6;
	_ =	sdelay $0x5  }
0x2cd: {  	v6, _, _ =	vpop @p0 (xrf0)  }
0x2ce: {  	(v2sf) =	vpush @p0 v6, $0xF;
	_ =	sdelay $0xe  }
0x2cf: {  	s15 =	spop @p0 (v2sf)  }
0x2d0: {  	s16 =	sxor.u32 @p0 $0x80000000, s15  }
0x2d1: {  	s17 =	sshra.s32 @p0 s16, $0x1F  }
0x2d2: {  	s17 =	sshrl.u32 @p0 s17, $0x1A  }
0x2d3: {  	s17 =	sadd.s32 @p0 s17, s16  }
0x2d4: {  	p1 =	sgt.s32 @p0 s15, $0xFFFFFFFF;
	p2 =	slt.s32 @p0 s16, $0x1;
	s18 =	sand.u32 @p0 $0xFFFFFFC0, s17  }
0x2d5: {  	p1 =	por @p0 p1, p2;
	p2 =	sne.s32 @p0 s16, s18  }
0x2d6: {  	p1 =	por @p0 !p1, !p2  }
0x2d7: {  	p1 =	por @p0 !p1, !p1  }
0x2d8: {  	s16 =	simm.s32 @p0 $0x1;
	p1 =	por !p1, !p0  }
0x2d9: {  	s17 =	sshra.s32 @p0 s17, $0x6;
	s16 =	simm.s32 @p1 $0x0  }
0x2da: {  	s16 =	ssub.s32 @p0 s17, s16  }
0x2db: {  	s17 =	sshrl.u32 @p0 s16, $0x1C  }
0x2dc: {  	s17 =	sadd.s32 @p0 s17, s16  }
0x2dd: {  	s19 =	sand.u32 @p0 $0x30, s15;
	s18 =	sand.u32 @p0 $0xFFFFFFF0, s17  }
0x2de: {  	v6 =	vld @p0 [tilespmem:s19+$0x180];
	p1 =	slt.s32 @p0 s16, $0x1;
	p2 =	sne.s32 @p0 s16, s18  }
0x2df: {  	v7 =	vld @p0 [tilespmem:s19+$0x80];
	p1 =	por @p0 !p1, !p2  }
0x2e0: {  	s15 =	sand.u32 @p0 $0xF, s15;
	p1 =	por @p0 !p1, !p1  }
0x2e1: {  	v8 =	vlaneseq.u32 @p0;
	v9 =	vmov @p0 s15;
	s18 =	simm.s32 @p0 $0x1;
	p1 =	por !p1, !p0  }
0x2e2: {  	vm0 =	veq.s32 @p0 v9, v8;
	s15 =	sshrl.u32 @p0 s17, $0x4;
	s18 =	simm.s32 @p1 $0x0  }
0x2e3: {  	v6 =	vsel @p0 vm0, s16, v6;
	s15 =	ssub.s32 @p0 s15, s18  }
0x2e4: {  	[tilespmem:s19+$0x180] =	vst @p0 v6;
	v6 =	vsel @p0 vm0, $0xC0000000, v7;
	s15 =	sshll.u32 @p0 s15, $0x6  }
0x2e5: {  	[tilespmem:s19+$0x80] =	vst @p0 v6;
	s15 =	sshra.s32 @p0 s15, $0x2  }
0x2e6: {  	v6 =	vld @p0 [tilespmem:s15+$0x200];
	_ =	sdelay $0x1  }
.Ltmp13:
0x2e7: {  	s16 =	sand.u32 @p0 $0xF, s16;
	(pc) =	sbr.rel .LBB2_16-.Ltmp13, $4  }
0x2e8: {  	v7 =	vmov @p0 s16  }
0x2e9: {  	vm0 =	veq.s32 @p0 v7, v8  }
0x2ea: {  	v6 =	vsel @p0 vm0, $0xC0400000, v6  }
0x2eb: {  	[tilespmem:s15+$0x200] =	vst @p0 v6  }
.Lfunc_end2:
_tile_overlayer_lowered:
.L_overlay_start_2:
0x2ec: {  	(tag) =	ssettag $0x2  }
0x2ed: {  	s0 =	rddreg [dreg:$0x0];
	s2 =	stileid.u32  }
0x2ee: {  	s1 =	rddreg [dreg:$0x1];
	p0 =	sne.s32 s2, $0x0  }
0x2ef: {  	s3 =	rddreg [dreg:$0x2];
	[bflag:$0x3] =	sbarrier.arrive $0xFFFF;
	s2 =	simm.s32 @!p0 $0x1C02  }
0x2f0: {  	[timem:s3], [sflag:s2] =	dma.local @!p0 [hbm:s0], s1  }
0x2f1: {  	s0 =	simm.s32 @!p0 $0x2  }
0x2f2: {  	_ =	swait.ge @!p0 [sflag:s0], s1  }
0x2f3: {  	s1 =	ssub.s32 @!p0 $0x0, s1;
	[sflag:s0] =	ssyncset.done @!p0 $0x0  }
0x2f4: {  	[sflag:s0] =	ssyncadd.s32 @!p0 s1  }
0x2f5: {  	[bflag:$0x3] =	sbarrier.arrive $0xFFFF  }
0x2f6: {  	_ =	shalt  }

</sc_bundles>
